<compile_context>
chip_gen: v7x
topology: tpu7x:2x2x1
jax: 0.10.2.dev20260603
libtpu: 0.0.44.dev20260713+nightly
codegen_flags: <defaults>
</compile_context>

<pallas_src>
import functools

import jax
import jax.numpy as jnp
from jax import lax
from jax.experimental import pallas as pl
from jax.experimental.pallas import tpu as pltpu
from jax.experimental.pallas import tpu_sc as plsc

_N = 10000
_E = 320000
_D = 128
_C = 40
_DP = 64
_ALPHA = 0.9
_NC = 2
_NS = 16
_L = 16
_NW = _NC * _NS
_EPW = _E // _NW
_CH = 80
_NCH = _EPW // _CH
_EPS = _E // _NS
_NCH2 = _EPS // _CH
_NP = 10240
_RPTP = _NP // _NS

_mesh = plsc.VectorSubcoreMesh(core_axis_name="c", subcore_axis_name="s")
_sc_params = pltpu.CompilerParams(needs_layout_passes=False, use_tc_tiling_on_sc=False)


@functools.partial(
    pl.kernel,
    out_type=jax.ShapeDtypeStruct((_NC, _NP), jnp.float32),
    mesh=_mesh,
    compiler_params=_sc_params,
    scratch_types=[
        pltpu.VMEM((_NCH, _CH), jnp.int32),
        pltpu.VMEM((_NCH, _CH), jnp.float32),
        pltpu.VMEM_SHARED((_NP,), jnp.float32),
    ],
)
def _deg_kernel(col_hbm, w_hbm, z1_hbm, degp_hbm, col_v, w_v, acc_sh):
    cid = lax.axis_index("c")
    sid = lax.axis_index("s")
    wid = cid * _NS + sid
    pltpu.sync_copy(z1_hbm, acc_sh.at[pl.ds(sid * _RPTP, _RPTP)])
    pltpu.sync_copy(col_hbm.at[wid], col_v)
    pltpu.sync_copy(w_hbm.at[wid], w_v)
    plsc.subcore_barrier()

    def body(j, carry):
        pltpu.sync_copy(w_v.at[j], acc_sh.at[col_v.at[j]], add=True)
        return carry

    lax.fori_loop(0, _NCH, body, 0)
    plsc.subcore_barrier()
    pltpu.sync_copy(acc_sh.at[pl.ds(sid * _RPTP, _RPTP)],
                    degp_hbm.at[cid, pl.ds(sid * _RPTP, _RPTP)])


@functools.partial(
    pl.kernel,
    out_type=jax.ShapeDtypeStruct((_NW, _NCH, _CH), jnp.float32),
    mesh=_mesh,
    compiler_params=_sc_params,
    scratch_types=[
        pltpu.VMEM((_NP,), jnp.float32),
        pltpu.VMEM((_NCH, _CH), jnp.int32),
        pltpu.VMEM((_NCH, _CH), jnp.int32),
        pltpu.VMEM((_NCH, _CH), jnp.float32),
        pltpu.VMEM((_NCH, _CH), jnp.float32),
    ],
)
def _norm_kernel(dinv_hbm, row_hbm, col_hbm, w_hbm, norm_hbm,
                 dinv_v, row_v, col_v, w_v, norm_v):
    cid = lax.axis_index("c")
    sid = lax.axis_index("s")
    wid = cid * _NS + sid
    pltpu.sync_copy(dinv_hbm, dinv_v)
    pltpu.sync_copy(row_hbm.at[wid], row_v)
    pltpu.sync_copy(col_hbm.at[wid], col_v)
    pltpu.sync_copy(w_hbm.at[wid], w_v)

    def ebody(j, carry):
        for q in range(_CH // _L):
            sl = pl.ds(q * _L, _L)
            r = row_v[j, sl]
            c = col_v[j, sl]
            dr = plsc.load_gather(dinv_v, [r])
            dc = plsc.load_gather(dinv_v, [c])
            norm_v[j, sl] = dr * w_v[j, sl] * dc
        return carry

    lax.fori_loop(0, _NCH, ebody, 0)
    pltpu.sync_copy(norm_v, norm_hbm.at[wid])


def _make_agg(dvh):
    @functools.partial(
        pl.kernel,
        out_type=jax.ShapeDtypeStruct((_NC, _NP, dvh), jnp.float32),
        mesh=_mesh,
        compiler_params=_sc_params,
        scratch_types=[
            pltpu.VMEM((_NCH2, _CH), jnp.int32),
            pltpu.VMEM((_NCH2, _CH), jnp.int32),
            pltpu.VMEM((_NCH2, _CH), jnp.float32),
            pltpu.VMEM((_CH, dvh), jnp.float32),
            pltpu.VMEM_SHARED((_NP, dvh), jnp.float32),
            pltpu.SemaphoreType.DMA,
        ],
    )
    def _agg(y0_hbm, y1_hbm, row_hbm, col_hbm, norm_hbm, z_hbm, out_hbm,
             row_v, col_v, norm_v, buf, acc_sh, sem):
        cid = lax.axis_index("c")
        sid = lax.axis_index("s")
        pltpu.sync_copy(z_hbm, acc_sh.at[pl.ds(sid * _RPTP, _RPTP)])
        pltpu.sync_copy(row_hbm.at[sid], row_v)
        pltpu.sync_copy(col_hbm.at[sid], col_v)
        pltpu.sync_copy(norm_hbm.at[sid], norm_v)
        plsc.subcore_barrier()

        def run(y_hbm):
            def chunk(j, carry):
                pltpu.async_copy(y_hbm.at[row_v.at[j]], buf, sem).wait()

                def edge(b, c2):
                    jb = jnp.full((_L,), j, jnp.int32)
                    bb = jnp.full((_L,), b, jnp.int32)
                    s = plsc.load_gather(norm_v, [jb, bb])
                    for k in range(dvh // _L):
                        sl = pl.ds(k * _L, _L)
                        buf[b, sl] = buf[b, sl] * s
                    return c2

                lax.fori_loop(0, _CH, edge, 0)
                pltpu.sync_copy(buf, acc_sh.at[col_v.at[j]], add=True)
                return carry

            lax.fori_loop(0, _NCH2, chunk, 0)

        @pl.when(cid == 0)
        def _():
            run(y0_hbm)

        @pl.when(cid == 1)
        def _():
            run(y1_hbm)

        plsc.subcore_barrier()
        pltpu.sync_copy(acc_sh.at[pl.ds(sid * _RPTP, _RPTP)],
                        out_hbm.at[cid, pl.ds(sid * _RPTP, _RPTP)])

    return _agg


_agg64 = _make_agg(_D // 2)
_agg32 = _make_agg(_DP // 2)


_BLK = 2000


def _elu(t):
    return jnp.where(t > 0, t, jnp.exp(jnp.minimum(t, 0.0)) - 1.0)


def _combine(y_full, p_ref, dv_ref):
    dv = dv_ref[...]
    scale = _ALPHA + (1.0 - _ALPHA) * dv * dv
    agg = jnp.concatenate([p_ref[0], p_ref[1]], axis=-1)
    return scale * y_full + (1.0 - _ALPHA) * agg


def _tc_a_kern(x_ref, p_ref, dv_ref, w1_ref, b1_ref, w2_ref, o0_ref, o1_ref):
    z = _combine(x_ref[...], p_ref, dv_ref)
    t = jnp.dot(z, w1_ref[...], preferred_element_type=jnp.float32,
                precision=lax.Precision.HIGHEST) + b1_ref[...]
    h = _elu(t)
    y = jnp.dot(h, w2_ref[...], preferred_element_type=jnp.float32,
                precision=lax.Precision.HIGHEST)
    o0_ref[...] = y[:, :_D // 2]
    o1_ref[...] = y[:, _D // 2:]


def _tc_b_kern(y0_ref, y1_ref, p_ref, dv_ref, b2_ref, w3_ref, o0_ref, o1_ref):
    y_full = jnp.concatenate([y0_ref[...], y1_ref[...]], axis=-1)
    z = _combine(y_full, p_ref, dv_ref)
    h = _elu(z + b2_ref[...])
    y = jnp.dot(h, w3_ref[...], preferred_element_type=jnp.float32,
                precision=lax.Precision.HIGHEST)
    o0_ref[...] = y[:, :_DP // 2]
    o1_ref[...] = y[:, _DP // 2:]


def _tc_c_kern(y0_ref, y1_ref, p_ref, dv_ref, b3_ref, o_ref):
    y_full = jnp.concatenate([y0_ref[...], y1_ref[...]], axis=-1)
    o_ref[...] = _combine(y_full, p_ref, dv_ref) + b3_ref[...]


def _tc_dinv_kern(degp_ref, o_ref):
    o_ref[...] = lax.rsqrt(1.0 + degp_ref[0:1, :] + degp_ref[1:2, :])


def _tc_dinv(degp):
    return pl.pallas_call(
        _tc_dinv_kern,
        out_shape=jax.ShapeDtypeStruct((1, _NP), jnp.float32),
    )(degp)


def _row_spec(w):
    return pl.BlockSpec((_BLK, w), lambda i: (i, 0))


def _p_spec(w):
    return pl.BlockSpec((2, _BLK, w), lambda i: (0, i, 0))


def _full_spec(a, b):
    return pl.BlockSpec((a, b), lambda i: (0, 0))


def _tc_a(x, p, dinv_col, W1, b1, W2):
    return pl.pallas_call(
        _tc_a_kern,
        grid=(_N // _BLK,),
        in_specs=[_row_spec(_D), _p_spec(_D // 2), _row_spec(1),
                  _full_spec(_D, _D), _full_spec(1, _D), _full_spec(_D, _D)],
        out_specs=[_row_spec(_D // 2), _row_spec(_D // 2)],
        out_shape=[jax.ShapeDtypeStruct((_N, _D // 2), jnp.float32),
                   jax.ShapeDtypeStruct((_N, _D // 2), jnp.float32)],
    )(x, p, dinv_col, W1, b1, W2)


def _tc_b(y0, y1, p, dinv_col, b2, W3p):
    return pl.pallas_call(
        _tc_b_kern,
        grid=(_N // _BLK,),
        in_specs=[_row_spec(_D // 2), _row_spec(_D // 2), _p_spec(_D // 2),
                  _row_spec(1), _full_spec(1, _D), _full_spec(_D, _DP)],
        out_specs=[_row_spec(_DP // 2), _row_spec(_DP // 2)],
        out_shape=[jax.ShapeDtypeStruct((_N, _DP // 2), jnp.float32),
                   jax.ShapeDtypeStruct((_N, _DP // 2), jnp.float32)],
    )(y0, y1, p, dinv_col, b2, W3p)


def _tc_c(y0, y1, p, dinv_col, b3p):
    return pl.pallas_call(
        _tc_c_kern,
        grid=(_N // _BLK,),
        in_specs=[_row_spec(_DP // 2), _row_spec(_DP // 2), _p_spec(_DP // 2),
                  _row_spec(1), _full_spec(1, _DP)],
        out_specs=_row_spec(_DP),
        out_shape=jax.ShapeDtypeStruct((_N, _DP), jnp.float32),
    )(y0, y1, p, dinv_col, b3p)


def kernel(x, edge_index, weight, W1, b1, W2, b2, W3, b3):
    row = edge_index[0]
    col = edge_index[1]
    roww = row.reshape(_NW, _NCH, _CH)
    colw = col.reshape(_NW, _NCH, _CH)
    ww = weight.reshape(_NW, _NCH, _CH)
    rows = row.reshape(_NS, _NCH2, _CH)
    cols = col.reshape(_NS, _NCH2, _CH)
    z1 = jnp.zeros((_RPTP,), jnp.float32)
    z64 = jnp.zeros((_RPTP, _D // 2), jnp.float32)
    z32 = jnp.zeros((_RPTP, _DP // 2), jnp.float32)
    W3p = jnp.zeros((_D, _DP), jnp.float32).at[:, :_C].set(W3)
    b3p = jnp.zeros((1, _DP), jnp.float32).at[:, :_C].set(b3)

    degp = _deg_kernel(colw, ww, z1)
    dinv = _tc_dinv(degp).reshape(_NP)
    normw = _norm_kernel(dinv, roww, colw, ww)
    norms = normw.reshape(_NS, _NCH2, _CH)
    dinv_col = dinv[:_N].reshape(_N, 1)

    x0 = x[:, :_D // 2]
    x1 = x[:, _D // 2:]
    p1 = _agg64(x0, x1, rows, cols, norms, z64)
    y20, y21 = _tc_a(x, p1, dinv_col, W1, b1.reshape(1, _D), W2)
    p2 = _agg64(y20, y21, rows, cols, norms, z64)
    y30, y31 = _tc_b(y20, y21, p2, dinv_col, b2.reshape(1, _D), W3p)
    p3 = _agg32(y30, y31, rows, cols, norms, z32)
    out64 = _tc_c(y30, y31, p3, dinv_col, b3p)
    return out64[:, :_C]

# --- scband reference (transcript-rebuilt; emitter-appended) ---
"""Pipeline reference for scband-gl-ssgconv-3l-128h-w-a09-k1-44753559224356 (READ-ONLY COPY).

The authoritative reference and input builder live on the scoring server;
editing this copy changes nothing except your own understanding.
"""

import jax, jax.numpy as jnp
import numpy as np

N = 10000
E = 320000
D = 128
C = 40
ALPHA = 0.9


def setup_inputs(seed: int = 0) -> dict:
    key = jax.random.key(seed)
    ks = jax.random.split(key, 10)
    x = jax.random.normal(ks[0], (N, D), dtype=jnp.float32)
    edge_index = jax.random.randint(ks[1], (2, E), 0, N, dtype=jnp.int32)
    weight = jax.random.uniform(ks[2], (E,), dtype=jnp.float32)
    # learned params for the three SSGConv linear layers (lin: in -> out, with bias)
    W1 = jax.random.normal(ks[3], (D, 128), dtype=jnp.float32) * (1.0 / np.sqrt(D))
    b1 = jnp.zeros((128,), dtype=jnp.float32)
    W2 = jax.random.normal(ks[4], (128, 128), dtype=jnp.float32) * (1.0 / np.sqrt(128))
    b2 = jnp.zeros((128,), dtype=jnp.float32)
    W3 = jax.random.normal(ks[5], (128, C), dtype=jnp.float32) * (1.0 / np.sqrt(128))
    b3 = jnp.zeros((C,), dtype=jnp.float32)
    return {"x": x, "edge_index": edge_index, "weight": weight,
            "W1": W1, "b1": b1, "W2": W2, "b2": b2, "W3": W3, "b3": b3}


def _gcn_norm(edge_index, edge_weight, num_nodes):
    # add self loops with weight 1, symmetric normalization (PyG gcn_norm)
    row, col = edge_index[0], edge_index[1]
    loop = jnp.arange(num_nodes, dtype=edge_index.dtype)
    row_f = jnp.concatenate([row, loop])
    col_f = jnp.concatenate([col, loop])
    ew = jnp.concatenate([edge_weight, jnp.ones((num_nodes,), dtype=edge_weight.dtype)])
    deg = jnp.zeros((num_nodes,), dtype=edge_weight.dtype).at[col_f].add(ew)
    dinv = jnp.where(deg > 0, deg ** -0.5, 0.0)
    norm = dinv[row_f] * ew * dinv[col_f]
    return row_f, col_f, norm


def _ssg_conv(x, row_f, col_f, norm, W, b, alpha):
    # SSGConv with K=1: h = alpha*x + (1-alpha) * A_hat @ x ; out = h @ W + b
    msg = x[row_f] * norm[:, None]
    agg = jnp.zeros_like(x).at[col_f].add(msg)
    h = alpha * x + (1.0 - alpha) * agg
    return h @ W + b


def reference(x, edge_index, weight, W1, b1, W2, b2, W3, b3):
    row_f, col_f, norm = _gcn_norm(edge_index, weight, N)
    h = jax.nn.elu(_ssg_conv(x, row_f, col_f, norm, W1, b1, ALPHA))
    h = jax.nn.elu(_ssg_conv(h, row_f, col_f, norm, W2, b2, ALPHA))
    out = _ssg_conv(h, row_f, col_f, norm, W3, b3, ALPHA)
    return out

if __name__ == "__main__":
    import jax
    _d = setup_inputs()
    print(jax.jit(kernel)(*tuple(_d.values())))

</pallas_src>

<mosaic_0001>
#map = affine_map<(d0, d1) -> (0)>
#map1 = affine_map<(d0, d1) -> (0, 0, 0)>
module attributes {stable_mosaic.version = 14 : i64} {
  func.func @_norm_kernel(%arg0: i32, %arg1: i32, %arg2: memref<10240xf32, #tpu.memory_space<hbm>>, %arg3: memref<32x125x80xi32, #tpu.memory_space<hbm>>, %arg4: memref<32x125x80xi32, #tpu.memory_space<hbm>>, %arg5: memref<32x125x80xf32, #tpu.memory_space<hbm>>, %arg6: memref<32x125x80xf32, #tpu.memory_space<hbm>>, %arg7: memref<10240xf32, #tpu.memory_space<vmem>>, %arg8: memref<125x80xi32, #tpu.memory_space<vmem>>, %arg9: memref<125x80xi32, #tpu.memory_space<vmem>>, %arg10: memref<125x80xf32, #tpu.memory_space<vmem>>, %arg11: memref<125x80xf32, #tpu.memory_space<vmem>>) attributes {dimension_semantics = [#tpu.dimension_semantics<core_parallel>, #tpu.dimension_semantics<subcore_parallel>], iteration_bounds = array<i64: 2, 16>, scalar_prefetch = 0 : i64, scratch_operands = 5 : i64, tpu.core_type = #tpu.core_type<sc_vector_subcore>, window_params = [{transform_indices = #map}, {transform_indices = #map1}, {transform_indices = #map1}, {transform_indices = #map1}, {transform_indices = #map1}]} {
    %mul3A = arith.constant 16 : i32
    %mul3A_0 = arith.muli %arg0, %mul3A : i32
    %add3A = arith.addi %mul3A_0, %arg1 : i32
    "tpu.region"() ({
      %run_scoped3A = tpu.sem_alloc : memref<!tpu.dma_semaphore, #tpu.memory_space<semaphore_mem>>
      tpu.enqueue_dma source(%arg2 : memref<10240xf32, #tpu.memory_space<hbm>>) target(%arg7 : memref<10240xf32, #tpu.memory_space<vmem>>) target_semaphore(%run_scoped3A : memref<!tpu.dma_semaphore, #tpu.memory_space<semaphore_mem>>)
      tpu.wait_dma2 semaphore(%run_scoped3A : memref<!tpu.dma_semaphore, #tpu.memory_space<semaphore_mem>>) src(%arg2 : memref<10240xf32, #tpu.memory_space<hbm>>) dst(%arg7 : memref<10240xf32, #tpu.memory_space<vmem>>)
      tpu.yield
    }) : () -> ()
    "tpu.region"() ({
      %run_scoped3A = tpu.sem_alloc : memref<!tpu.dma_semaphore, #tpu.memory_space<semaphore_mem>>
      %dma_start3A = arith.constant 0 : i32
      %dma_start3A_6 = arith.constant 0 : i32
      %dma_start3A_7 = tpu.memref_slice %arg3[%add3A, %dma_start3A, %dma_start3A_6] : memref<32x125x80xi32, #tpu.memory_space<hbm>> -> memref<1x125x80xi32, #tpu.memory_space<hbm>>
      %dma_start3A_8 = tpu.memref_squeeze %dma_start3A_7 : memref<1x125x80xi32, #tpu.memory_space<hbm>> -> memref<125x80xi32, #tpu.memory_space<hbm>>
      %dma_start3A_9 = arith.constant 0 : i32
      %dma_start3A_10 = arith.constant 0 : i32
      %dma_start3A_11 = tpu.memref_slice %arg3[%add3A, %dma_start3A_9, %dma_start3A_10] : memref<32x125x80xi32, #tpu.memory_space<hbm>> -> memref<1x125x80xi32, #tpu.memory_space<hbm>>
      %dma_start3A_12 = tpu.memref_squeeze %dma_start3A_11 : memref<1x125x80xi32, #tpu.memory_space<hbm>> -> memref<125x80xi32, #tpu.memory_space<hbm>>
      tpu.enqueue_dma source(%dma_start3A_12 : memref<125x80xi32, #tpu.memory_space<hbm>>) target(%arg8 : memref<125x80xi32, #tpu.memory_space<vmem>>) target_semaphore(%run_scoped3A : memref<!tpu.dma_semaphore, #tpu.memory_space<semaphore_mem>>)
      %dma_wait3A = arith.constant 0 : i32
      %dma_wait3A_13 = arith.constant 0 : i32
      %dma_wait3A_14 = tpu.memref_slice %arg3[%add3A, %dma_wait3A, %dma_wait3A_13] : memref<32x125x80xi32, #tpu.memory_space<hbm>> -> memref<1x125x80xi32, #tpu.memory_space<hbm>>
      %dma_wait3A_15 = tpu.memref_squeeze %dma_wait3A_14 : memref<1x125x80xi32, #tpu.memory_space<hbm>> -> memref<125x80xi32, #tpu.memory_space<hbm>>
      %dma_wait3A_16 = arith.constant 0 : i32
      %dma_wait3A_17 = arith.constant 0 : i32
      %dma_wait3A_18 = tpu.memref_slice %arg3[%add3A, %dma_wait3A_16, %dma_wait3A_17] : memref<32x125x80xi32, #tpu.memory_space<hbm>> -> memref<1x125x80xi32, #tpu.memory_space<hbm>>
      %dma_wait3A_19 = tpu.memref_squeeze %dma_wait3A_18 : memref<1x125x80xi32, #tpu.memory_space<hbm>> -> memref<125x80xi32, #tpu.memory_space<hbm>>
      tpu.wait_dma2 semaphore(%run_scoped3A : memref<!tpu.dma_semaphore, #tpu.memory_space<semaphore_mem>>) src(%dma_wait3A_19 : memref<125x80xi32, #tpu.memory_space<hbm>>) dst(%arg8 : memref<125x80xi32, #tpu.memory_space<vmem>>)
      tpu.yield
    }) : () -> ()
    "tpu.region"() ({
      %run_scoped3A = tpu.sem_alloc : memref<!tpu.dma_semaphore, #tpu.memory_space<semaphore_mem>>
      %dma_start3A = arith.constant 0 : i32
      %dma_start3A_6 = arith.constant 0 : i32
      %dma_start3A_7 = tpu.memref_slice %arg4[%add3A, %dma_start3A, %dma_start3A_6] : memref<32x125x80xi32, #tpu.memory_space<hbm>> -> memref<1x125x80xi32, #tpu.memory_space<hbm>>
      %dma_start3A_8 = tpu.memref_squeeze %dma_start3A_7 : memref<1x125x80xi32, #tpu.memory_space<hbm>> -> memref<125x80xi32, #tpu.memory_space<hbm>>
      %dma_start3A_9 = arith.constant 0 : i32
      %dma_start3A_10 = arith.constant 0 : i32
      %dma_start3A_11 = tpu.memref_slice %arg4[%add3A, %dma_start3A_9, %dma_start3A_10] : memref<32x125x80xi32, #tpu.memory_space<hbm>> -> memref<1x125x80xi32, #tpu.memory_space<hbm>>
      %dma_start3A_12 = tpu.memref_squeeze %dma_start3A_11 : memref<1x125x80xi32, #tpu.memory_space<hbm>> -> memref<125x80xi32, #tpu.memory_space<hbm>>
      tpu.enqueue_dma source(%dma_start3A_12 : memref<125x80xi32, #tpu.memory_space<hbm>>) target(%arg9 : memref<125x80xi32, #tpu.memory_space<vmem>>) target_semaphore(%run_scoped3A : memref<!tpu.dma_semaphore, #tpu.memory_space<semaphore_mem>>)
      %dma_wait3A = arith.constant 0 : i32
      %dma_wait3A_13 = arith.constant 0 : i32
      %dma_wait3A_14 = tpu.memref_slice %arg4[%add3A, %dma_wait3A, %dma_wait3A_13] : memref<32x125x80xi32, #tpu.memory_space<hbm>> -> memref<1x125x80xi32, #tpu.memory_space<hbm>>
      %dma_wait3A_15 = tpu.memref_squeeze %dma_wait3A_14 : memref<1x125x80xi32, #tpu.memory_space<hbm>> -> memref<125x80xi32, #tpu.memory_space<hbm>>
      %dma_wait3A_16 = arith.constant 0 : i32
      %dma_wait3A_17 = arith.constant 0 : i32
      %dma_wait3A_18 = tpu.memref_slice %arg4[%add3A, %dma_wait3A_16, %dma_wait3A_17] : memref<32x125x80xi32, #tpu.memory_space<hbm>> -> memref<1x125x80xi32, #tpu.memory_space<hbm>>
      %dma_wait3A_19 = tpu.memref_squeeze %dma_wait3A_18 : memref<1x125x80xi32, #tpu.memory_space<hbm>> -> memref<125x80xi32, #tpu.memory_space<hbm>>
      tpu.wait_dma2 semaphore(%run_scoped3A : memref<!tpu.dma_semaphore, #tpu.memory_space<semaphore_mem>>) src(%dma_wait3A_19 : memref<125x80xi32, #tpu.memory_space<hbm>>) dst(%arg9 : memref<125x80xi32, #tpu.memory_space<vmem>>)
      tpu.yield
    }) : () -> ()
    "tpu.region"() ({
      %run_scoped3A = tpu.sem_alloc : memref<!tpu.dma_semaphore, #tpu.memory_space<semaphore_mem>>
      %dma_start3A = arith.constant 0 : i32
      %dma_start3A_6 = arith.constant 0 : i32
      %dma_start3A_7 = tpu.memref_slice %arg5[%add3A, %dma_start3A, %dma_start3A_6] : memref<32x125x80xf32, #tpu.memory_space<hbm>> -> memref<1x125x80xf32, #tpu.memory_space<hbm>>
      %dma_start3A_8 = tpu.memref_squeeze %dma_start3A_7 : memref<1x125x80xf32, #tpu.memory_space<hbm>> -> memref<125x80xf32, #tpu.memory_space<hbm>>
      %dma_start3A_9 = arith.constant 0 : i32
      %dma_start3A_10 = arith.constant 0 : i32
      %dma_start3A_11 = tpu.memref_slice %arg5[%add3A, %dma_start3A_9, %dma_start3A_10] : memref<32x125x80xf32, #tpu.memory_space<hbm>> -> memref<1x125x80xf32, #tpu.memory_space<hbm>>
      %dma_start3A_12 = tpu.memref_squeeze %dma_start3A_11 : memref<1x125x80xf32, #tpu.memory_space<hbm>> -> memref<125x80xf32, #tpu.memory_space<hbm>>
      tpu.enqueue_dma source(%dma_start3A_12 : memref<125x80xf32, #tpu.memory_space<hbm>>) target(%arg10 : memref<125x80xf32, #tpu.memory_space<vmem>>) target_semaphore(%run_scoped3A : memref<!tpu.dma_semaphore, #tpu.memory_space<semaphore_mem>>)
      %dma_wait3A = arith.constant 0 : i32
      %dma_wait3A_13 = arith.constant 0 : i32
      %dma_wait3A_14 = tpu.memref_slice %arg5[%add3A, %dma_wait3A, %dma_wait3A_13] : memref<32x125x80xf32, #tpu.memory_space<hbm>> -> memref<1x125x80xf32, #tpu.memory_space<hbm>>
      %dma_wait3A_15 = tpu.memref_squeeze %dma_wait3A_14 : memref<1x125x80xf32, #tpu.memory_space<hbm>> -> memref<125x80xf32, #tpu.memory_space<hbm>>
      %dma_wait3A_16 = arith.constant 0 : i32
      %dma_wait3A_17 = arith.constant 0 : i32
      %dma_wait3A_18 = tpu.memref_slice %arg5[%add3A, %dma_wait3A_16, %dma_wait3A_17] : memref<32x125x80xf32, #tpu.memory_space<hbm>> -> memref<1x125x80xf32, #tpu.memory_space<hbm>>
      %dma_wait3A_19 = tpu.memref_squeeze %dma_wait3A_18 : memref<1x125x80xf32, #tpu.memory_space<hbm>> -> memref<125x80xf32, #tpu.memory_space<hbm>>
      tpu.wait_dma2 semaphore(%run_scoped3A : memref<!tpu.dma_semaphore, #tpu.memory_space<semaphore_mem>>) src(%dma_wait3A_19 : memref<125x80xf32, #tpu.memory_space<hbm>>) dst(%arg10 : memref<125x80xf32, #tpu.memory_space<vmem>>)
      tpu.yield
    }) : () -> ()
    %scan3A = arith.constant 0 : i32
    %scan3A_1 = arith.constant 0 : i32
    %scan3A_2 = arith.constant 125 : i32
    %scan3A_3 = arith.addi %scan3A_1, %scan3A_2 : i32
    %scan3A_4 = arith.constant 1 : i32
    scf.for %scan3A_6 = %scan3A_1 to %scan3A_3 step %scan3A_4  : i32 {
      %get3A = arith.index_cast %scan3A_6 : i32 to index
      %get3A_7 = arith.constant 0 : index
      %get3A_8 = tpu.vector_load %arg8[%get3A, %get3A_7] {strides = array<i32>} : memref<125x80xi32, #tpu.memory_space<vmem>>, vector<16xi32>,
      %get3A_9 = arith.index_cast %scan3A_6 : i32 to index
      %get3A_10 = arith.constant 0 : index
      %get3A_11 = tpu.vector_load %arg9[%get3A_9, %get3A_10] {strides = array<i32>} : memref<125x80xi32, #tpu.memory_space<vmem>>, vector<16xi32>,
      %gather3A = tpu.vector_load_idx %arg7[%get3A_8] : memref<10240xf32, #tpu.memory_space<vmem>>[vector<16xi32>], vector<16xf32>,
      %gather3A_12 = tpu.vector_load_idx %arg7[%get3A_11] : memref<10240xf32, #tpu.memory_space<vmem>>[vector<16xi32>], vector<16xf32>,
      %get3A_13 = arith.index_cast %scan3A_6 : i32 to index
      %get3A_14 = arith.constant 0 : index
      %get3A_15 = tpu.vector_load %arg10[%get3A_13, %get3A_14] {strides = array<i32>} : memref<125x80xf32, #tpu.memory_space<vmem>>, vector<16xf32>,
      %mul3A_16 = arith.mulf %gather3A, %get3A_15 : vector<16xf32>
      %mul3A_17 = arith.mulf %mul3A_16, %gather3A_12 : vector<16xf32>
      %swap3A = arith.index_cast %scan3A_6 : i32 to index
      %swap3A_18 = arith.constant 0 : index
      %swap3A_19 = tpu.vector_load %arg11[%swap3A, %swap3A_18] {strides = array<i32>} : memref<125x80xf32, #tpu.memory_space<vmem>>, vector<16xf32>,
      tpu.vector_store %arg11[%swap3A, %swap3A_18], %mul3A_17 {strides = array<i32>} : memref<125x80xf32, #tpu.memory_space<vmem>>, vector<16xf32>,
      %get3A_20 = arith.index_cast %scan3A_6 : i32 to index
      %get3A_21 = arith.constant 16 : index
      %get3A_22 = tpu.vector_load %arg8[%get3A_20, %get3A_21] {strides = array<i32>} : memref<125x80xi32, #tpu.memory_space<vmem>>, vector<16xi32>,
      %get3A_23 = arith.index_cast %scan3A_6 : i32 to index
      %get3A_24 = arith.constant 16 : index
      %get3A_25 = tpu.vector_load %arg9[%get3A_23, %get3A_24] {strides = array<i32>} : memref<125x80xi32, #tpu.memory_space<vmem>>, vector<16xi32>,
      %gather3A_26 = tpu.vector_load_idx %arg7[%get3A_22] : memref<10240xf32, #tpu.memory_space<vmem>>[vector<16xi32>], vector<16xf32>,
      %gather3A_27 = tpu.vector_load_idx %arg7[%get3A_25] : memref<10240xf32, #tpu.memory_space<vmem>>[vector<16xi32>], vector<16xf32>,
      %get3A_28 = arith.index_cast %scan3A_6 : i32 to index
      %get3A_29 = arith.constant 16 : index
      %get3A_30 = tpu.vector_load %arg10[%get3A_28, %get3A_29] {strides = array<i32>} : memref<125x80xf32, #tpu.memory_space<vmem>>, vector<16xf32>,
      %mul3A_31 = arith.mulf %gather3A_26, %get3A_30 : vector<16xf32>
      %mul3A_32 = arith.mulf %mul3A_31, %gather3A_27 : vector<16xf32>
      %swap3A_33 = arith.index_cast %scan3A_6 : i32 to index
      %swap3A_34 = arith.constant 16 : index
      %swap3A_35 = tpu.vector_load %arg11[%swap3A_33, %swap3A_34] {strides = array<i32>} : memref<125x80xf32, #tpu.memory_space<vmem>>, vector<16xf32>,
      tpu.vector_store %arg11[%swap3A_33, %swap3A_34], %mul3A_32 {strides = array<i32>} : memref<125x80xf32, #tpu.memory_space<vmem>>, vector<16xf32>,
      %get3A_36 = arith.index_cast %scan3A_6 : i32 to index
      %get3A_37 = arith.constant 32 : index
      %get3A_38 = tpu.vector_load %arg8[%get3A_36, %get3A_37] {strides = array<i32>} : memref<125x80xi32, #tpu.memory_space<vmem>>, vector<16xi32>,
      %get3A_39 = arith.index_cast %scan3A_6 : i32 to index
      %get3A_40 = arith.constant 32 : index
      %get3A_41 = tpu.vector_load %arg9[%get3A_39, %get3A_40] {strides = array<i32>} : memref<125x80xi32, #tpu.memory_space<vmem>>, vector<16xi32>,
      %gather3A_42 = tpu.vector_load_idx %arg7[%get3A_38] : memref<10240xf32, #tpu.memory_space<vmem>>[vector<16xi32>], vector<16xf32>,
      %gather3A_43 = tpu.vector_load_idx %arg7[%get3A_41] : memref<10240xf32, #tpu.memory_space<vmem>>[vector<16xi32>], vector<16xf32>,
      %get3A_44 = arith.index_cast %scan3A_6 : i32 to index
      %get3A_45 = arith.constant 32 : index
      %get3A_46 = tpu.vector_load %arg10[%get3A_44, %get3A_45] {strides = array<i32>} : memref<125x80xf32, #tpu.memory_space<vmem>>, vector<16xf32>,
      %mul3A_47 = arith.mulf %gather3A_42, %get3A_46 : vector<16xf32>
      %mul3A_48 = arith.mulf %mul3A_47, %gather3A_43 : vector<16xf32>
      %swap3A_49 = arith.index_cast %scan3A_6 : i32 to index
      %swap3A_50 = arith.constant 32 : index
      %swap3A_51 = tpu.vector_load %arg11[%swap3A_49, %swap3A_50] {strides = array<i32>} : memref<125x80xf32, #tpu.memory_space<vmem>>, vector<16xf32>,
      tpu.vector_store %arg11[%swap3A_49, %swap3A_50], %mul3A_48 {strides = array<i32>} : memref<125x80xf32, #tpu.memory_space<vmem>>, vector<16xf32>,
      %get3A_52 = arith.index_cast %scan3A_6 : i32 to index
      %get3A_53 = arith.constant 48 : index
      %get3A_54 = tpu.vector_load %arg8[%get3A_52, %get3A_53] {strides = array<i32>} : memref<125x80xi32, #tpu.memory_space<vmem>>, vector<16xi32>,
      %get3A_55 = arith.index_cast %scan3A_6 : i32 to index
      %get3A_56 = arith.constant 48 : index
      %get3A_57 = tpu.vector_load %arg9[%get3A_55, %get3A_56] {strides = array<i32>} : memref<125x80xi32, #tpu.memory_space<vmem>>, vector<16xi32>,
      %gather3A_58 = tpu.vector_load_idx %arg7[%get3A_54] : memref<10240xf32, #tpu.memory_space<vmem>>[vector<16xi32>], vector<16xf32>,
      %gather3A_59 = tpu.vector_load_idx %arg7[%get3A_57] : memref<10240xf32, #tpu.memory_space<vmem>>[vector<16xi32>], vector<16xf32>,
      %get3A_60 = arith.index_cast %scan3A_6 : i32 to index
      %get3A_61 = arith.constant 48 : index
      %get3A_62 = tpu.vector_load %arg10[%get3A_60, %get3A_61] {strides = array<i32>} : memref<125x80xf32, #tpu.memory_space<vmem>>, vector<16xf32>,
      %mul3A_63 = arith.mulf %gather3A_58, %get3A_62 : vector<16xf32>
      %mul3A_64 = arith.mulf %mul3A_63, %gather3A_59 : vector<16xf32>
      %swap3A_65 = arith.index_cast %scan3A_6 : i32 to index
      %swap3A_66 = arith.constant 48 : index
      %swap3A_67 = tpu.vector_load %arg11[%swap3A_65, %swap3A_66] {strides = array<i32>} : memref<125x80xf32, #tpu.memory_space<vmem>>, vector<16xf32>,
      tpu.vector_store %arg11[%swap3A_65, %swap3A_66], %mul3A_64 {strides = array<i32>} : memref<125x80xf32, #tpu.memory_space<vmem>>, vector<16xf32>,
      %get3A_68 = arith.index_cast %scan3A_6 : i32 to index
      %get3A_69 = arith.constant 64 : index
      %get3A_70 = tpu.vector_load %arg8[%get3A_68, %get3A_69] {strides = array<i32>} : memref<125x80xi32, #tpu.memory_space<vmem>>, vector<16xi32>,
      %get3A_71 = arith.index_cast %scan3A_6 : i32 to index
      %get3A_72 = arith.constant 64 : index
      %get3A_73 = tpu.vector_load %arg9[%get3A_71, %get3A_72] {strides = array<i32>} : memref<125x80xi32, #tpu.memory_space<vmem>>, vector<16xi32>,
      %gather3A_74 = tpu.vector_load_idx %arg7[%get3A_70] : memref<10240xf32, #tpu.memory_space<vmem>>[vector<16xi32>], vector<16xf32>,
      %gather3A_75 = tpu.vector_load_idx %arg7[%get3A_73] : memref<10240xf32, #tpu.memory_space<vmem>>[vector<16xi32>], vector<16xf32>,
      %get3A_76 = arith.index_cast %scan3A_6 : i32 to index
      %get3A_77 = arith.constant 64 : index
      %get3A_78 = tpu.vector_load %arg10[%get3A_76, %get3A_77] {strides = array<i32>} : memref<125x80xf32, #tpu.memory_space<vmem>>, vector<16xf32>,
      %mul3A_79 = arith.mulf %gather3A_74, %get3A_78 : vector<16xf32>
      %mul3A_80 = arith.mulf %mul3A_79, %gather3A_75 : vector<16xf32>
      %swap3A_81 = arith.index_cast %scan3A_6 : i32 to index
      %swap3A_82 = arith.constant 64 : index
      %swap3A_83 = tpu.vector_load %arg11[%swap3A_81, %swap3A_82] {strides = array<i32>} : memref<125x80xf32, #tpu.memory_space<vmem>>, vector<16xf32>,
      tpu.vector_store %arg11[%swap3A_81, %swap3A_82], %mul3A_80 {strides = array<i32>} : memref<125x80xf32, #tpu.memory_space<vmem>>, vector<16xf32>,
    }
    %scan3A_5 = arith.constant 125 : i32
    "tpu.region"() ({
      %run_scoped3A = tpu.sem_alloc : memref<!tpu.dma_semaphore, #tpu.memory_space<semaphore_mem>>
      %dma_start3A = arith.constant 0 : i32
      %dma_start3A_6 = arith.constant 0 : i32
      %dma_start3A_7 = tpu.memref_slice %arg6[%add3A, %dma_start3A, %dma_start3A_6] : memref<32x125x80xf32, #tpu.memory_space<hbm>> -> memref<1x125x80xf32, #tpu.memory_space<hbm>>
      %dma_start3A_8 = tpu.memref_squeeze %dma_start3A_7 : memref<1x125x80xf32, #tpu.memory_space<hbm>> -> memref<125x80xf32, #tpu.memory_space<hbm>>
      %dma_start3A_9 = arith.constant 0 : i32
      %dma_start3A_10 = arith.constant 0 : i32
      %dma_start3A_11 = tpu.memref_slice %arg6[%add3A, %dma_start3A_9, %dma_start3A_10] : memref<32x125x80xf32, #tpu.memory_space<hbm>> -> memref<1x125x80xf32, #tpu.memory_space<hbm>>
      %dma_start3A_12 = tpu.memref_squeeze %dma_start3A_11 : memref<1x125x80xf32, #tpu.memory_space<hbm>> -> memref<125x80xf32, #tpu.memory_space<hbm>>
      tpu.enqueue_dma source(%arg11 : memref<125x80xf32, #tpu.memory_space<vmem>>) target(%dma_start3A_12 : memref<125x80xf32, #tpu.memory_space<hbm>>) target_semaphore(%run_scoped3A : memref<!tpu.dma_semaphore, #tpu.memory_space<semaphore_mem>>)
      %dma_wait3A = arith.constant 0 : i32
      %dma_wait3A_13 = arith.constant 0 : i32
      %dma_wait3A_14 = tpu.memref_slice %arg6[%add3A, %dma_wait3A, %dma_wait3A_13] : memref<32x125x80xf32, #tpu.memory_space<hbm>> -> memref<1x125x80xf32, #tpu.memory_space<hbm>>
      %dma_wait3A_15 = tpu.memref_squeeze %dma_wait3A_14 : memref<1x125x80xf32, #tpu.memory_space<hbm>> -> memref<125x80xf32, #tpu.memory_space<hbm>>
      %dma_wait3A_16 = arith.constant 0 : i32
      %dma_wait3A_17 = arith.constant 0 : i32
      %dma_wait3A_18 = tpu.memref_slice %arg6[%add3A, %dma_wait3A_16, %dma_wait3A_17] : memref<32x125x80xf32, #tpu.memory_space<hbm>> -> memref<1x125x80xf32, #tpu.memory_space<hbm>>
      %dma_wait3A_19 = tpu.memref_squeeze %dma_wait3A_18 : memref<1x125x80xf32, #tpu.memory_space<hbm>> -> memref<125x80xf32, #tpu.memory_space<hbm>>
      tpu.wait_dma2 semaphore(%run_scoped3A : memref<!tpu.dma_semaphore, #tpu.memory_space<semaphore_mem>>) src(%arg11 : memref<125x80xf32, #tpu.memory_space<vmem>>) dst(%dma_wait3A_19 : memref<125x80xf32, #tpu.memory_space<hbm>>)
      tpu.yield
    }) : () -> ()
    return
  }
}

#map = affine_map<(d0, d1) -> (0, 0, 0)>
#map1 = affine_map<(d0, d1) -> (0)>
#map2 = affine_map<(d0, d1) -> (0, 0)>
module attributes {stable_mosaic.version = 14 : i64} {
  func.func @_deg_kernel(%arg0: i32, %arg1: i32, %arg2: memref<32x125x80xi32, #tpu.memory_space<hbm>>, %arg3: memref<32x125x80xf32, #tpu.memory_space<hbm>>, %arg4: memref<640xf32, #tpu.memory_space<hbm>>, %arg5: memref<2x10240xf32, #tpu.memory_space<hbm>>, %arg6: memref<125x80xi32, #tpu.memory_space<vmem>>, %arg7: memref<125x80xf32, #tpu.memory_space<vmem>>, %arg8: memref<10240xf32, #tpu.memory_space<vmem_shared>>) attributes {dimension_semantics = [#tpu.dimension_semantics<core_parallel>, #tpu.dimension_semantics<subcore_parallel>], iteration_bounds = array<i64: 2, 16>, scalar_prefetch = 0 : i64, scratch_operands = 3 : i64, tpu.core_type = #tpu.core_type<sc_vector_subcore>, window_params = [{transform_indices = #map}, {transform_indices = #map}, {transform_indices = #map1}, {transform_indices = #map2}]} {
    %mul3A = arith.constant 16 : i32
    %mul3A_0 = arith.muli %arg0, %mul3A : i32
    %add3A = arith.addi %mul3A_0, %arg1 : i32
    %mul3A_1 = arith.constant 640 : i32
    %mul3A_2 = arith.muli %arg1, %mul3A_1 : i32
    "tpu.region"() ({
      %run_scoped3A = tpu.sem_alloc : memref<!tpu.dma_semaphore, #tpu.memory_space<semaphore_mem>>
      %dma_start3A = tpu.memref_slice %arg8[%mul3A_2] : memref<10240xf32, #tpu.memory_space<vmem_shared>> -> memref<640xf32, #tpu.memory_space<vmem_shared>>
      tpu.enqueue_dma source(%arg4 : memref<640xf32, #tpu.memory_space<hbm>>) target(%dma_start3A : memref<640xf32, #tpu.memory_space<vmem_shared>>) target_semaphore(%run_scoped3A : memref<!tpu.dma_semaphore, #tpu.memory_space<semaphore_mem>>)
      %dma_wait3A = tpu.memref_slice %arg8[%mul3A_2] : memref<10240xf32, #tpu.memory_space<vmem_shared>> -> memref<640xf32, #tpu.memory_space<vmem_shared>>
      tpu.wait_dma2 semaphore(%run_scoped3A : memref<!tpu.dma_semaphore, #tpu.memory_space<semaphore_mem>>) src(%arg4 : memref<640xf32, #tpu.memory_space<hbm>>) dst(%dma_wait3A : memref<640xf32, #tpu.memory_space<vmem_shared>>)
      tpu.yield
    }) : () -> ()
    "tpu.region"() ({
      %run_scoped3A = tpu.sem_alloc : memref<!tpu.dma_semaphore, #tpu.memory_space<semaphore_mem>>
      %dma_start3A = arith.constant 0 : i32
      %dma_start3A_13 = arith.constant 0 : i32
      %dma_start3A_14 = tpu.memref_slice %arg2[%add3A, %dma_start3A, %dma_start3A_13] : memref<32x125x80xi32, #tpu.memory_space<hbm>> -> memref<1x125x80xi32, #tpu.memory_space<hbm>>
      %dma_start3A_15 = tpu.memref_squeeze %dma_start3A_14 : memref<1x125x80xi32, #tpu.memory_space<hbm>> -> memref<125x80xi32, #tpu.memory_space<hbm>>
      %dma_start3A_16 = arith.constant 0 : i32
      %dma_start3A_17 = arith.constant 0 : i32
      %dma_start3A_18 = tpu.memref_slice %arg2[%add3A, %dma_start3A_16, %dma_start3A_17] : memref<32x125x80xi32, #tpu.memory_space<hbm>> -> memref<1x125x80xi32, #tpu.memory_space<hbm>>
      %dma_start3A_19 = tpu.memref_squeeze %dma_start3A_18 : memref<1x125x80xi32, #tpu.memory_space<hbm>> -> memref<125x80xi32, #tpu.memory_space<hbm>>
      tpu.enqueue_dma source(%dma_start3A_19 : memref<125x80xi32, #tpu.memory_space<hbm>>) target(%arg6 : memref<125x80xi32, #tpu.memory_space<vmem>>) target_semaphore(%run_scoped3A : memref<!tpu.dma_semaphore, #tpu.memory_space<semaphore_mem>>)
      %dma_wait3A = arith.constant 0 : i32
      %dma_wait3A_20 = arith.constant 0 : i32
      %dma_wait3A_21 = tpu.memref_slice %arg2[%add3A, %dma_wait3A, %dma_wait3A_20] : memref<32x125x80xi32, #tpu.memory_space<hbm>> -> memref<1x125x80xi32, #tpu.memory_space<hbm>>
      %dma_wait3A_22 = tpu.memref_squeeze %dma_wait3A_21 : memref<1x125x80xi32, #tpu.memory_space<hbm>> -> memref<125x80xi32, #tpu.memory_space<hbm>>
      %dma_wait3A_23 = arith.constant 0 : i32
      %dma_wait3A_24 = arith.constant 0 : i32
      %dma_wait3A_25 = tpu.memref_slice %arg2[%add3A, %dma_wait3A_23, %dma_wait3A_24] : memref<32x125x80xi32, #tpu.memory_space<hbm>> -> memref<1x125x80xi32, #tpu.memory_space<hbm>>
      %dma_wait3A_26 = tpu.memref_squeeze %dma_wait3A_25 : memref<1x125x80xi32, #tpu.memory_space<hbm>> -> memref<125x80xi32, #tpu.memory_space<hbm>>
      tpu.wait_dma2 semaphore(%run_scoped3A : memref<!tpu.dma_semaphore, #tpu.memory_space<semaphore_mem>>) src(%dma_wait3A_26 : memref<125x80xi32, #tpu.memory_space<hbm>>) dst(%arg6 : memref<125x80xi32, #tpu.memory_space<vmem>>)
      tpu.yield
    }) : () -> ()
    "tpu.region"() ({
      %run_scoped3A = tpu.sem_alloc : memref<!tpu.dma_semaphore, #tpu.memory_space<semaphore_mem>>
      %dma_start3A = arith.constant 0 : i32
      %dma_start3A_13 = arith.constant 0 : i32
      %dma_start3A_14 = tpu.memref_slice %arg3[%add3A, %dma_start3A, %dma_start3A_13] : memref<32x125x80xf32, #tpu.memory_space<hbm>> -> memref<1x125x80xf32, #tpu.memory_space<hbm>>
      %dma_start3A_15 = tpu.memref_squeeze %dma_start3A_14 : memref<1x125x80xf32, #tpu.memory_space<hbm>> -> memref<125x80xf32, #tpu.memory_space<hbm>>
      %dma_start3A_16 = arith.constant 0 : i32
      %dma_start3A_17 = arith.constant 0 : i32
      %dma_start3A_18 = tpu.memref_slice %arg3[%add3A, %dma_start3A_16, %dma_start3A_17] : memref<32x125x80xf32, #tpu.memory_space<hbm>> -> memref<1x125x80xf32, #tpu.memory_space<hbm>>
      %dma_start3A_19 = tpu.memref_squeeze %dma_start3A_18 : memref<1x125x80xf32, #tpu.memory_space<hbm>> -> memref<125x80xf32, #tpu.memory_space<hbm>>
      tpu.enqueue_dma source(%dma_start3A_19 : memref<125x80xf32, #tpu.memory_space<hbm>>) target(%arg7 : memref<125x80xf32, #tpu.memory_space<vmem>>) target_semaphore(%run_scoped3A : memref<!tpu.dma_semaphore, #tpu.memory_space<semaphore_mem>>)
      %dma_wait3A = arith.constant 0 : i32
      %dma_wait3A_20 = arith.constant 0 : i32
      %dma_wait3A_21 = tpu.memref_slice %arg3[%add3A, %dma_wait3A, %dma_wait3A_20] : memref<32x125x80xf32, #tpu.memory_space<hbm>> -> memref<1x125x80xf32, #tpu.memory_space<hbm>>
      %dma_wait3A_22 = tpu.memref_squeeze %dma_wait3A_21 : memref<1x125x80xf32, #tpu.memory_space<hbm>> -> memref<125x80xf32, #tpu.memory_space<hbm>>
      %dma_wait3A_23 = arith.constant 0 : i32
      %dma_wait3A_24 = arith.constant 0 : i32
      %dma_wait3A_25 = tpu.memref_slice %arg3[%add3A, %dma_wait3A_23, %dma_wait3A_24] : memref<32x125x80xf32, #tpu.memory_space<hbm>> -> memref<1x125x80xf32, #tpu.memory_space<hbm>>
      %dma_wait3A_26 = tpu.memref_squeeze %dma_wait3A_25 : memref<1x125x80xf32, #tpu.memory_space<hbm>> -> memref<125x80xf32, #tpu.memory_space<hbm>>
      tpu.wait_dma2 semaphore(%run_scoped3A : memref<!tpu.dma_semaphore, #tpu.memory_space<semaphore_mem>>) src(%dma_wait3A_26 : memref<125x80xf32, #tpu.memory_space<hbm>>) dst(%arg7 : memref<125x80xf32, #tpu.memory_space<vmem>>)
      tpu.yield
    }) : () -> ()
    %barrier3A = arith.constant 0 : index
    tpu.barrier barrier_id(%barrier3A)
    %scan3A = arith.constant 0 : i32
    %scan3A_3 = arith.constant 0 : i32
    %scan3A_4 = arith.constant 125 : i32
    %scan3A_5 = arith.addi %scan3A_3, %scan3A_4 : i32
    %scan3A_6 = arith.constant 1 : i32
    scf.for %scan3A_13 = %scan3A_3 to %scan3A_5 step %scan3A_6  : i32 {
      "tpu.region"() ({
        %run_scoped3A = tpu.sem_alloc : memref<!tpu.dma_semaphore, #tpu.memory_space<semaphore_mem>>
        %dma_start3A = arith.constant 0 : i32
        %dma_start3A_14 = tpu.memref_slice %arg7[%scan3A_13, %dma_start3A] : memref<125x80xf32, #tpu.memory_space<vmem>> -> memref<1x80xf32, #tpu.memory_space<vmem>>
        %dma_start3A_15 = tpu.memref_squeeze %dma_start3A_14 : memref<1x80xf32, #tpu.memory_space<vmem>> -> memref<80xf32, #tpu.memory_space<vmem>>
        %dma_start3A_16 = arith.constant 0 : i32
        %dma_start3A_17 = tpu.memref_slice %arg6[%scan3A_13, %dma_start3A_16] : memref<125x80xi32, #tpu.memory_space<vmem>> -> memref<1x80xi32, #tpu.memory_space<vmem>>
        %dma_start3A_18 = tpu.memref_squeeze %dma_start3A_17 : memref<1x80xi32, #tpu.memory_space<vmem>> -> memref<80xi32, #tpu.memory_space<vmem>>
        %dma_start3A_19 = arith.constant 0 : i32
        %dma_start3A_20 = tpu.memref_slice %arg8[%dma_start3A_19] : memref<10240xf32, #tpu.memory_space<vmem_shared>> -> memref<10240xf32, #tpu.memory_space<vmem_shared>>
        tpu.enqueue_indirect_dma source(%dma_start3A_15 : memref<80xf32, #tpu.memory_space<vmem>>) target(%dma_start3A_20 : memref<10240xf32, #tpu.memory_space<vmem_shared>>) offsets(%dma_start3A_18 : memref<80xi32, #tpu.memory_space<vmem>>) semaphore(%run_scoped3A : memref<!tpu.dma_semaphore, #tpu.memory_space<semaphore_mem>>) {add = true}
        %dma_wait3A = arith.constant 0 : i32
        %dma_wait3A_21 = tpu.memref_slice %arg7[%scan3A_13, %dma_wait3A] : memref<125x80xf32, #tpu.memory_space<vmem>> -> memref<1x80xf32, #tpu.memory_space<vmem>>
        %dma_wait3A_22 = tpu.memref_squeeze %dma_wait3A_21 : memref<1x80xf32, #tpu.memory_space<vmem>> -> memref<80xf32, #tpu.memory_space<vmem>>
        %dma_wait3A_23 = arith.constant 0 : i32
        %dma_wait3A_24 = tpu.memref_slice %arg6[%scan3A_13, %dma_wait3A_23] : memref<125x80xi32, #tpu.memory_space<vmem>> -> memref<1x80xi32, #tpu.memory_space<vmem>>
        %dma_wait3A_25 = tpu.memref_squeeze %dma_wait3A_24 : memref<1x80xi32, #tpu.memory_space<vmem>> -> memref<80xi32, #tpu.memory_space<vmem>>
        %dma_wait3A_26 = arith.constant 0 : i32
        %dma_wait3A_27 = tpu.memref_slice %arg8[%dma_wait3A_26] : memref<10240xf32, #tpu.memory_space<vmem_shared>> -> memref<10240xf32, #tpu.memory_space<vmem_shared>>
        tpu.wait_indirect_dma semaphore(%run_scoped3A : memref<!tpu.dma_semaphore, #tpu.memory_space<semaphore_mem>>) src(%dma_wait3A_22 : memref<80xf32, #tpu.memory_space<vmem>>) dst(%dma_wait3A_27 : memref<10240xf32, #tpu.memory_space<vmem_shared>>)
        tpu.yield
      }) : () -> ()
    }
    %scan3A_7 = arith.constant 125 : i32
    %barrier3A_8 = arith.constant 0 : index
    tpu.barrier barrier_id(%barrier3A_8)
    %mul3A_9 = arith.constant 640 : i32
    %mul3A_10 = arith.muli %arg1, %mul3A_9 : i32
    %mul3A_11 = arith.constant 640 : i32
    %mul3A_12 = arith.muli %arg1, %mul3A_11 : i32
    "tpu.region"() ({
      %run_scoped3A = tpu.sem_alloc : memref<!tpu.dma_semaphore, #tpu.memory_space<semaphore_mem>>
      %dma_start3A = tpu.memref_slice %arg5[%arg0, %mul3A_12] : memref<2x10240xf32, #tpu.memory_space<hbm>> -> memref<1x640xf32, #tpu.memory_space<hbm>>
      %dma_start3A_13 = tpu.memref_squeeze %dma_start3A : memref<1x640xf32, #tpu.memory_space<hbm>> -> memref<640xf32, #tpu.memory_space<hbm>>
      %dma_start3A_14 = tpu.memref_slice %arg8[%mul3A_10] : memref<10240xf32, #tpu.memory_space<vmem_shared>> -> memref<640xf32, #tpu.memory_space<vmem_shared>>
      tpu.enqueue_dma source(%dma_start3A_14 : memref<640xf32, #tpu.memory_space<vmem_shared>>) target(%dma_start3A_13 : memref<640xf32, #tpu.memory_space<hbm>>) target_semaphore(%run_scoped3A : memref<!tpu.dma_semaphore, #tpu.memory_space<semaphore_mem>>)
      %dma_wait3A = tpu.memref_slice %arg5[%arg0, %mul3A_12] : memref<2x10240xf32, #tpu.memory_space<hbm>> -> memref<1x640xf32, #tpu.memory_space<hbm>>
      %dma_wait3A_15 = tpu.memref_squeeze %dma_wait3A : memref<1x640xf32, #tpu.memory_space<hbm>> -> memref<640xf32, #tpu.memory_space<hbm>>
      %dma_wait3A_16 = tpu.memref_slice %arg8[%mul3A_10] : memref<10240xf32, #tpu.memory_space<vmem_shared>> -> memref<640xf32, #tpu.memory_space<vmem_shared>>
      tpu.wait_dma2 semaphore(%run_scoped3A : memref<!tpu.dma_semaphore, #tpu.memory_space<semaphore_mem>>) src(%dma_wait3A_16 : memref<640xf32, #tpu.memory_space<vmem_shared>>) dst(%dma_wait3A_15 : memref<640xf32, #tpu.memory_space<hbm>>)
      tpu.yield
    }) : () -> ()
    return
  }
}

#map = affine_map<(d0, d1) -> (0, 0)>
#map1 = affine_map<(d0, d1) -> (0, 0, 0)>
module attributes {stable_mosaic.version = 14 : i64} {
  func.func @_agg(%arg0: i32, %arg1: i32, %arg2: memref<10000x64xf32, #tpu.memory_space<hbm>>, %arg3: memref<10000x64xf32, #tpu.memory_space<hbm>>, %arg4: memref<16x250x80xi32, #tpu.memory_space<hbm>>, %arg5: memref<16x250x80xi32, #tpu.memory_space<hbm>>, %arg6: memref<16x250x80xf32, #tpu.memory_space<hbm>>, %arg7: memref<640x64xf32, #tpu.memory_space<hbm>>, %arg8: memref<2x10240x64xf32, #tpu.memory_space<hbm>>, %arg9: memref<250x80xi32, #tpu.memory_space<vmem>>, %arg10: memref<250x80xi32, #tpu.memory_space<vmem>>, %arg11: memref<250x80xf32, #tpu.memory_space<vmem>>, %arg12: memref<80x64xf32, #tpu.memory_space<vmem>>, %arg13: memref<10240x64xf32, #tpu.memory_space<vmem_shared>>, %arg14: memref<!tpu.dma_semaphore, #tpu.memory_space<semaphore_mem>>) attributes {dimension_semantics = [#tpu.dimension_semantics<core_parallel>, #tpu.dimension_semantics<subcore_parallel>], iteration_bounds = array<i64: 2, 16>, scalar_prefetch = 0 : i64, scratch_operands = 6 : i64, tpu.core_type = #tpu.core_type<sc_vector_subcore>, window_params = [{transform_indices = #map}, {transform_indices = #map}, {transform_indices = #map1}, {transform_indices = #map1}, {transform_indices = #map1}, {transform_indices = #map}, {transform_indices = #map1}]} {
    %mul3A = arith.constant 640 : i32
    %mul3A_0 = arith.muli %arg1, %mul3A : i32
    "tpu.region"() ({
      %run_scoped3A = tpu.sem_alloc : memref<!tpu.dma_semaphore, #tpu.memory_space<semaphore_mem>>
      %dma_start3A = arith.constant 0 : i32
      %dma_start3A_13 = tpu.memref_slice %arg13[%mul3A_0, %dma_start3A] : memref<10240x64xf32, #tpu.memory_space<vmem_shared>> -> memref<640x64xf32, #tpu.memory_space<vmem_shared>>
      tpu.enqueue_dma source(%arg7 : memref<640x64xf32, #tpu.memory_space<hbm>>) target(%dma_start3A_13 : memref<640x64xf32, #tpu.memory_space<vmem_shared>>) target_semaphore(%run_scoped3A : memref<!tpu.dma_semaphore, #tpu.memory_space<semaphore_mem>>)
      %dma_wait3A = arith.constant 0 : i32
      %dma_wait3A_14 = tpu.memref_slice %arg13[%mul3A_0, %dma_wait3A] : memref<10240x64xf32, #tpu.memory_space<vmem_shared>> -> memref<640x64xf32, #tpu.memory_space<vmem_shared>>
      tpu.wait_dma2 semaphore(%run_scoped3A : memref<!tpu.dma_semaphore, #tpu.memory_space<semaphore_mem>>) src(%arg7 : memref<640x64xf32, #tpu.memory_space<hbm>>) dst(%dma_wait3A_14 : memref<640x64xf32, #tpu.memory_space<vmem_shared>>)
      tpu.yield
    }) : () -> ()
    "tpu.region"() ({
      %run_scoped3A = tpu.sem_alloc : memref<!tpu.dma_semaphore, #tpu.memory_space<semaphore_mem>>
      %dma_start3A = arith.constant 0 : i32
      %dma_start3A_13 = arith.constant 0 : i32
      %dma_start3A_14 = tpu.memref_slice %arg4[%arg1, %dma_start3A, %dma_start3A_13] : memref<16x250x80xi32, #tpu.memory_space<hbm>> -> memref<1x250x80xi32, #tpu.memory_space<hbm>>
      %dma_start3A_15 = tpu.memref_squeeze %dma_start3A_14 : memref<1x250x80xi32, #tpu.memory_space<hbm>> -> memref<250x80xi32, #tpu.memory_space<hbm>>
      %dma_start3A_16 = arith.constant 0 : i32
      %dma_start3A_17 = arith.constant 0 : i32
      %dma_start3A_18 = tpu.memref_slice %arg4[%arg1, %dma_start3A_16, %dma_start3A_17] : memref<16x250x80xi32, #tpu.memory_space<hbm>> -> memref<1x250x80xi32, #tpu.memory_space<hbm>>
      %dma_start3A_19 = tpu.memref_squeeze %dma_start3A_18 : memref<1x250x80xi32, #tpu.memory_space<hbm>> -> memref<250x80xi32, #tpu.memory_space<hbm>>
      tpu.enqueue_dma source(%dma_start3A_19 : memref<250x80xi32, #tpu.memory_space<hbm>>) target(%arg9 : memref<250x80xi32, #tpu.memory_space<vmem>>) target_semaphore(%run_scoped3A : memref<!tpu.dma_semaphore, #tpu.memory_space<semaphore_mem>>)
      %dma_wait3A = arith.constant 0 : i32
      %dma_wait3A_20 = arith.constant 0 : i32
      %dma_wait3A_21 = tpu.memref_slice %arg4[%arg1, %dma_wait3A, %dma_wait3A_20] : memref<16x250x80xi32, #tpu.memory_space<hbm>> -> memref<1x250x80xi32, #tpu.memory_space<hbm>>
      %dma_wait3A_22 = tpu.memref_squeeze %dma_wait3A_21 : memref<1x250x80xi32, #tpu.memory_space<hbm>> -> memref<250x80xi32, #tpu.memory_space<hbm>>
      %dma_wait3A_23 = arith.constant 0 : i32
      %dma_wait3A_24 = arith.constant 0 : i32
      %dma_wait3A_25 = tpu.memref_slice %arg4[%arg1, %dma_wait3A_23, %dma_wait3A_24] : memref<16x250x80xi32, #tpu.memory_space<hbm>> -> memref<1x250x80xi32, #tpu.memory_space<hbm>>
      %dma_wait3A_26 = tpu.memref_squeeze %dma_wait3A_25 : memref<1x250x80xi32, #tpu.memory_space<hbm>> -> memref<250x80xi32, #tpu.memory_space<hbm>>
      tpu.wait_dma2 semaphore(%run_scoped3A : memref<!tpu.dma_semaphore, #tpu.memory_space<semaphore_mem>>) src(%dma_wait3A_26 : memref<250x80xi32, #tpu.memory_space<hbm>>) dst(%arg9 : memref<250x80xi32, #tpu.memory_space<vmem>>)
      tpu.yield
    }) : () -> ()
    "tpu.region"() ({
      %run_scoped3A = tpu.sem_alloc : memref<!tpu.dma_semaphore, #tpu.memory_space<semaphore_mem>>
      %dma_start3A = arith.constant 0 : i32
      %dma_start3A_13 = arith.constant 0 : i32
      %dma_start3A_14 = tpu.memref_slice %arg5[%arg1, %dma_start3A, %dma_start3A_13] : memref<16x250x80xi32, #tpu.memory_space<hbm>> -> memref<1x250x80xi32, #tpu.memory_space<hbm>>
      %dma_start3A_15 = tpu.memref_squeeze %dma_start3A_14 : memref<1x250x80xi32, #tpu.memory_space<hbm>> -> memref<250x80xi32, #tpu.memory_space<hbm>>
      %dma_start3A_16 = arith.constant 0 : i32
      %dma_start3A_17 = arith.constant 0 : i32
      %dma_start3A_18 = tpu.memref_slice %arg5[%arg1, %dma_start3A_16, %dma_start3A_17] : memref<16x250x80xi32, #tpu.memory_space<hbm>> -> memref<1x250x80xi32, #tpu.memory_space<hbm>>
      %dma_start3A_19 = tpu.memref_squeeze %dma_start3A_18 : memref<1x250x80xi32, #tpu.memory_space<hbm>> -> memref<250x80xi32, #tpu.memory_space<hbm>>
      tpu.enqueue_dma source(%dma_start3A_19 : memref<250x80xi32, #tpu.memory_space<hbm>>) target(%arg10 : memref<250x80xi32, #tpu.memory_space<vmem>>) target_semaphore(%run_scoped3A : memref<!tpu.dma_semaphore, #tpu.memory_space<semaphore_mem>>)
      %dma_wait3A = arith.constant 0 : i32
      %dma_wait3A_20 = arith.constant 0 : i32
      %dma_wait3A_21 = tpu.memref_slice %arg5[%arg1, %dma_wait3A, %dma_wait3A_20] : memref<16x250x80xi32, #tpu.memory_space<hbm>> -> memref<1x250x80xi32, #tpu.memory_space<hbm>>
      %dma_wait3A_22 = tpu.memref_squeeze %dma_wait3A_21 : memref<1x250x80xi32, #tpu.memory_space<hbm>> -> memref<250x80xi32, #tpu.memory_space<hbm>>
      %dma_wait3A_23 = arith.constant 0 : i32
      %dma_wait3A_24 = arith.constant 0 : i32
      %dma_wait3A_25 = tpu.memref_slice %arg5[%arg1, %dma_wait3A_23, %dma_wait3A_24] : memref<16x250x80xi32, #tpu.memory_space<hbm>> -> memref<1x250x80xi32, #tpu.memory_space<hbm>>
      %dma_wait3A_26 = tpu.memref_squeeze %dma_wait3A_25 : memref<1x250x80xi32, #tpu.memory_space<hbm>> -> memref<250x80xi32, #tpu.memory_space<hbm>>
      tpu.wait_dma2 semaphore(%run_scoped3A : memref<!tpu.dma_semaphore, #tpu.memory_space<semaphore_mem>>) src(%dma_wait3A_26 : memref<250x80xi32, #tpu.memory_space<hbm>>) dst(%arg10 : memref<250x80xi32, #tpu.memory_space<vmem>>)
      tpu.yield
    }) : () -> ()
    "tpu.region"() ({
      %run_scoped3A = tpu.sem_alloc : memref<!tpu.dma_semaphore, #tpu.memory_space<semaphore_mem>>
      %dma_start3A = arith.constant 0 : i32
      %dma_start3A_13 = arith.constant 0 : i32
      %dma_start3A_14 = tpu.memref_slice %arg6[%arg1, %dma_start3A, %dma_start3A_13] : memref<16x250x80xf32, #tpu.memory_space<hbm>> -> memref<1x250x80xf32, #tpu.memory_space<hbm>>
      %dma_start3A_15 = tpu.memref_squeeze %dma_start3A_14 : memref<1x250x80xf32, #tpu.memory_space<hbm>> -> memref<250x80xf32, #tpu.memory_space<hbm>>
      %dma_start3A_16 = arith.constant 0 : i32
      %dma_start3A_17 = arith.constant 0 : i32
      %dma_start3A_18 = tpu.memref_slice %arg6[%arg1, %dma_start3A_16, %dma_start3A_17] : memref<16x250x80xf32, #tpu.memory_space<hbm>> -> memref<1x250x80xf32, #tpu.memory_space<hbm>>
      %dma_start3A_19 = tpu.memref_squeeze %dma_start3A_18 : memref<1x250x80xf32, #tpu.memory_space<hbm>> -> memref<250x80xf32, #tpu.memory_space<hbm>>
      tpu.enqueue_dma source(%dma_start3A_19 : memref<250x80xf32, #tpu.memory_space<hbm>>) target(%arg11 : memref<250x80xf32, #tpu.memory_space<vmem>>) target_semaphore(%run_scoped3A : memref<!tpu.dma_semaphore, #tpu.memory_space<semaphore_mem>>)
      %dma_wait3A = arith.constant 0 : i32
      %dma_wait3A_20 = arith.constant 0 : i32
      %dma_wait3A_21 = tpu.memref_slice %arg6[%arg1, %dma_wait3A, %dma_wait3A_20] : memref<16x250x80xf32, #tpu.memory_space<hbm>> -> memref<1x250x80xf32, #tpu.memory_space<hbm>>
      %dma_wait3A_22 = tpu.memref_squeeze %dma_wait3A_21 : memref<1x250x80xf32, #tpu.memory_space<hbm>> -> memref<250x80xf32, #tpu.memory_space<hbm>>
      %dma_wait3A_23 = arith.constant 0 : i32
      %dma_wait3A_24 = arith.constant 0 : i32
      %dma_wait3A_25 = tpu.memref_slice %arg6[%arg1, %dma_wait3A_23, %dma_wait3A_24] : memref<16x250x80xf32, #tpu.memory_space<hbm>> -> memref<1x250x80xf32, #tpu.memory_space<hbm>>
      %dma_wait3A_26 = tpu.memref_squeeze %dma_wait3A_25 : memref<1x250x80xf32, #tpu.memory_space<hbm>> -> memref<250x80xf32, #tpu.memory_space<hbm>>
      tpu.wait_dma2 semaphore(%run_scoped3A : memref<!tpu.dma_semaphore, #tpu.memory_space<semaphore_mem>>) src(%dma_wait3A_26 : memref<250x80xf32, #tpu.memory_space<hbm>>) dst(%arg11 : memref<250x80xf32, #tpu.memory_space<vmem>>)
      tpu.yield
    }) : () -> ()
    %barrier3A = arith.constant 0 : index
    tpu.barrier barrier_id(%barrier3A)
    %eq3A = arith.constant 0 : i32
    %eq3A_1 = arith.cmpi eq, %arg0, %eq3A : i32
    %convert_element_type3A = arith.extui %eq3A_1 : i1 to i32
    %cond3A = arith.constant 0 : i32
    %cond3A_2 = arith.cmpi ne, %convert_element_type3A, %cond3A : i32
    scf.if %cond3A_2 {
      %scan3A = arith.constant 0 : i32
      %scan3A_13 = arith.constant 0 : i32
      %scan3A_14 = arith.constant 250 : i32
      %scan3A_15 = arith.addi %scan3A_13, %scan3A_14 : i32
      %scan3A_16 = arith.constant 1 : i32
      scf.for %scan3A_18 = %scan3A_13 to %scan3A_15 step %scan3A_16  : i32 {
        %dma_start3A = arith.constant 0 : i32
        %dma_start3A_19 = tpu.memref_slice %arg9[%scan3A_18, %dma_start3A] : memref<250x80xi32, #tpu.memory_space<vmem>> -> memref<1x80xi32, #tpu.memory_space<vmem>>
        %dma_start3A_20 = tpu.memref_squeeze %dma_start3A_19 : memref<1x80xi32, #tpu.memory_space<vmem>> -> memref<80xi32, #tpu.memory_space<vmem>>
        %dma_start3A_21 = arith.constant 0 : i32
        %dma_start3A_22 = arith.constant 0 : i32
        %dma_start3A_23 = tpu.memref_slice %arg2[%dma_start3A_21, %dma_start3A_22] : memref<10000x64xf32, #tpu.memory_space<hbm>> -> memref<10000x64xf32, #tpu.memory_space<hbm>>
        tpu.enqueue_indirect_dma source(%dma_start3A_23 : memref<10000x64xf32, #tpu.memory_space<hbm>>) target(%arg12 : memref<80x64xf32, #tpu.memory_space<vmem>>) offsets(%dma_start3A_20 : memref<80xi32, #tpu.memory_space<vmem>>) semaphore(%arg14 : memref<!tpu.dma_semaphore, #tpu.memory_space<semaphore_mem>>)
        %dma_wait3A = arith.constant 0 : i32
        %dma_wait3A_24 = tpu.memref_slice %arg9[%scan3A_18, %dma_wait3A] : memref<250x80xi32, #tpu.memory_space<vmem>> -> memref<1x80xi32, #tpu.memory_space<vmem>>
        %dma_wait3A_25 = tpu.memref_squeeze %dma_wait3A_24 : memref<1x80xi32, #tpu.memory_space<vmem>> -> memref<80xi32, #tpu.memory_space<vmem>>
        %dma_wait3A_26 = arith.constant 0 : i32
        %dma_wait3A_27 = arith.constant 0 : i32
        %dma_wait3A_28 = tpu.memref_slice %arg2[%dma_wait3A_26, %dma_wait3A_27] : memref<10000x64xf32, #tpu.memory_space<hbm>> -> memref<10000x64xf32, #tpu.memory_space<hbm>>
        tpu.wait_indirect_dma semaphore(%arg14 : memref<!tpu.dma_semaphore, #tpu.memory_space<semaphore_mem>>) src(%dma_wait3A_28 : memref<10000x64xf32, #tpu.memory_space<hbm>>) dst(%arg12 : memref<80x64xf32, #tpu.memory_space<vmem>>)
        %scan3A_29 = arith.constant 0 : i32
        %scan3A_30 = arith.constant 0 : i32
        %scan3A_31 = arith.constant 80 : i32
        %scan3A_32 = arith.addi %scan3A_30, %scan3A_31 : i32
        %scan3A_33 = arith.constant 1 : i32
        scf.for %scan3A_35 = %scan3A_30 to %scan3A_32 step %scan3A_33  : i32 {
          %broadcast_in_dim3A = vector.broadcast %scan3A_18 : i32 to vector<16xi32>
          %broadcast_in_dim3A_36 = vector.broadcast %scan3A_35 : i32 to vector<16xi32>
          %gather3A = tpu.vector_load_idx %arg11[%broadcast_in_dim3A, %broadcast_in_dim3A_36] : memref<250x80xf32, #tpu.memory_space<vmem>>[vector<16xi32>, vector<16xi32>], vector<16xf32>,
          %get3A = arith.index_cast %scan3A_35 : i32 to index
          %get3A_37 = arith.constant 0 : index
          %get3A_38 = tpu.vector_load %arg12[%get3A, %get3A_37] {strides = array<i32>} : memref<80x64xf32, #tpu.memory_space<vmem>>, vector<16xf32>,
          %mul3A_39 = arith.mulf %get3A_38, %gather3A : vector<16xf32>
          %swap3A = arith.index_cast %scan3A_35 : i32 to index
          %swap3A_40 = arith.constant 0 : index
          %swap3A_41 = tpu.vector_load %arg12[%swap3A, %swap3A_40] {strides = array<i32>} : memref<80x64xf32, #tpu.memory_space<vmem>>, vector<16xf32>,
          tpu.vector_store %arg12[%swap3A, %swap3A_40], %mul3A_39 {strides = array<i32>} : memref<80x64xf32, #tpu.memory_space<vmem>>, vector<16xf32>,
          %get3A_42 = arith.index_cast %scan3A_35 : i32 to index
          %get3A_43 = arith.constant 16 : index
          %get3A_44 = tpu.vector_load %arg12[%get3A_42, %get3A_43] {strides = array<i32>} : memref<80x64xf32, #tpu.memory_space<vmem>>, vector<16xf32>,
          %mul3A_45 = arith.mulf %get3A_44, %gather3A : vector<16xf32>
          %swap3A_46 = arith.index_cast %scan3A_35 : i32 to index
          %swap3A_47 = arith.constant 16 : index
          %swap3A_48 = tpu.vector_load %arg12[%swap3A_46, %swap3A_47] {strides = array<i32>} : memref<80x64xf32, #tpu.memory_space<vmem>>, vector<16xf32>,
          tpu.vector_store %arg12[%swap3A_46, %swap3A_47], %mul3A_45 {strides = array<i32>} : memref<80x64xf32, #tpu.memory_space<vmem>>, vector<16xf32>,
          %get3A_49 = arith.index_cast %scan3A_35 : i32 to index
          %get3A_50 = arith.constant 32 : index
          %get3A_51 = tpu.vector_load %arg12[%get3A_49, %get3A_50] {strides = array<i32>} : memref<80x64xf32, #tpu.memory_space<vmem>>, vector<16xf32>,
          %mul3A_52 = arith.mulf %get3A_51, %gather3A : vector<16xf32>
          %swap3A_53 = arith.index_cast %scan3A_35 : i32 to index
          %swap3A_54 = arith.constant 32 : index
          %swap3A_55 = tpu.vector_load %arg12[%swap3A_53, %swap3A_54] {strides = array<i32>} : memref<80x64xf32, #tpu.memory_space<vmem>>, vector<16xf32>,
          tpu.vector_store %arg12[%swap3A_53, %swap3A_54], %mul3A_52 {strides = array<i32>} : memref<80x64xf32, #tpu.memory_space<vmem>>, vector<16xf32>,
          %get3A_56 = arith.index_cast %scan3A_35 : i32 to index
          %get3A_57 = arith.constant 48 : index
          %get3A_58 = tpu.vector_load %arg12[%get3A_56, %get3A_57] {strides = array<i32>} : memref<80x64xf32, #tpu.memory_space<vmem>>, vector<16xf32>,
          %mul3A_59 = arith.mulf %get3A_58, %gather3A : vector<16xf32>
          %swap3A_60 = arith.index_cast %scan3A_35 : i32 to index
          %swap3A_61 = arith.constant 48 : index
          %swap3A_62 = tpu.vector_load %arg12[%swap3A_60, %swap3A_61] {strides = array<i32>} : memref<80x64xf32, #tpu.memory_space<vmem>>, vector<16xf32>,
          tpu.vector_store %arg12[%swap3A_60, %swap3A_61], %mul3A_59 {strides = array<i32>} : memref<80x64xf32, #tpu.memory_space<vmem>>, vector<16xf32>,
        }
        %scan3A_34 = arith.constant 80 : i32
        "tpu.region"() ({
          %run_scoped3A = tpu.sem_alloc : memref<!tpu.dma_semaphore, #tpu.memory_space<semaphore_mem>>
          %dma_start3A_35 = arith.constant 0 : i32
          %dma_start3A_36 = tpu.memref_slice %arg10[%scan3A_18, %dma_start3A_35] : memref<250x80xi32, #tpu.memory_space<vmem>> -> memref<1x80xi32, #tpu.memory_space<vmem>>
          %dma_start3A_37 = tpu.memref_squeeze %dma_start3A_36 : memref<1x80xi32, #tpu.memory_space<vmem>> -> memref<80xi32, #tpu.memory_space<vmem>>
          %dma_start3A_38 = arith.constant 0 : i32
          %dma_start3A_39 = arith.constant 0 : i32
          %dma_start3A_40 = tpu.memref_slice %arg13[%dma_start3A_38, %dma_start3A_39] : memref<10240x64xf32, #tpu.memory_space<vmem_shared>> -> memref<10240x64xf32, #tpu.memory_space<vmem_shared>>
          tpu.enqueue_indirect_dma source(%arg12 : memref<80x64xf32, #tpu.memory_space<vmem>>) target(%dma_start3A_40 : memref<10240x64xf32, #tpu.memory_space<vmem_shared>>) offsets(%dma_start3A_37 : memref<80xi32, #tpu.memory_space<vmem>>) semaphore(%run_scoped3A : memref<!tpu.dma_semaphore, #tpu.memory_space<semaphore_mem>>) {add = true}
          %dma_wait3A_41 = arith.constant 0 : i32
          %dma_wait3A_42 = tpu.memref_slice %arg10[%scan3A_18, %dma_wait3A_41] : memref<250x80xi32, #tpu.memory_space<vmem>> -> memref<1x80xi32, #tpu.memory_space<vmem>>
          %dma_wait3A_43 = tpu.memref_squeeze %dma_wait3A_42 : memref<1x80xi32, #tpu.memory_space<vmem>> -> memref<80xi32, #tpu.memory_space<vmem>>
          %dma_wait3A_44 = arith.constant 0 : i32
          %dma_wait3A_45 = arith.constant 0 : i32
          %dma_wait3A_46 = tpu.memref_slice %arg13[%dma_wait3A_44, %dma_wait3A_45] : memref<10240x64xf32, #tpu.memory_space<vmem_shared>> -> memref<10240x64xf32, #tpu.memory_space<vmem_shared>>
          tpu.wait_indirect_dma semaphore(%run_scoped3A : memref<!tpu.dma_semaphore, #tpu.memory_space<semaphore_mem>>) src(%arg12 : memref<80x64xf32, #tpu.memory_space<vmem>>) dst(%dma_wait3A_46 : memref<10240x64xf32, #tpu.memory_space<vmem_shared>>)
          tpu.yield
        }) : () -> ()
      }
      %scan3A_17 = arith.constant 250 : i32
    } else {
    }
    %eq3A_3 = arith.constant 1 : i32
    %eq3A_4 = arith.cmpi eq, %arg0, %eq3A_3 : i32
    %convert_element_type3A_5 = arith.extui %eq3A_4 : i1 to i32
    %cond3A_6 = arith.constant 0 : i32
    %cond3A_7 = arith.cmpi ne, %convert_element_type3A_5, %cond3A_6 : i32
    scf.if %cond3A_7 {
      %scan3A = arith.constant 0 : i32
      %scan3A_13 = arith.constant 0 : i32
      %scan3A_14 = arith.constant 250 : i32
      %scan3A_15 = arith.addi %scan3A_13, %scan3A_14 : i32
      %scan3A_16 = arith.constant 1 : i32
      scf.for %scan3A_18 = %scan3A_13 to %scan3A_15 step %scan3A_16  : i32 {
        %dma_start3A = arith.constant 0 : i32
        %dma_start3A_19 = tpu.memref_slice %arg9[%scan3A_18, %dma_start3A] : memref<250x80xi32, #tpu.memory_space<vmem>> -> memref<1x80xi32, #tpu.memory_space<vmem>>
        %dma_start3A_20 = tpu.memref_squeeze %dma_start3A_19 : memref<1x80xi32, #tpu.memory_space<vmem>> -> memref<80xi32, #tpu.memory_space<vmem>>
        %dma_start3A_21 = arith.constant 0 : i32
        %dma_start3A_22 = arith.constant 0 : i32
        %dma_start3A_23 = tpu.memref_slice %arg3[%dma_start3A_21, %dma_start3A_22] : memref<10000x64xf32, #tpu.memory_space<hbm>> -> memref<10000x64xf32, #tpu.memory_space<hbm>>
        tpu.enqueue_indirect_dma source(%dma_start3A_23 : memref<10000x64xf32, #tpu.memory_space<hbm>>) target(%arg12 : memref<80x64xf32, #tpu.memory_space<vmem>>) offsets(%dma_start3A_20 : memref<80xi32, #tpu.memory_space<vmem>>) semaphore(%arg14 : memref<!tpu.dma_semaphore, #tpu.memory_space<semaphore_mem>>)
        %dma_wait3A = arith.constant 0 : i32
        %dma_wait3A_24 = tpu.memref_slice %arg9[%scan3A_18, %dma_wait3A] : memref<250x80xi32, #tpu.memory_space<vmem>> -> memref<1x80xi32, #tpu.memory_space<vmem>>
        %dma_wait3A_25 = tpu.memref_squeeze %dma_wait3A_24 : memref<1x80xi32, #tpu.memory_space<vmem>> -> memref<80xi32, #tpu.memory_space<vmem>>
        %dma_wait3A_26 = arith.constant 0 : i32
        %dma_wait3A_27 = arith.constant 0 : i32
        %dma_wait3A_28 = tpu.memref_slice %arg3[%dma_wait3A_26, %dma_wait3A_27] : memref<10000x64xf32, #tpu.memory_space<hbm>> -> memref<10000x64xf32, #tpu.memory_space<hbm>>
        tpu.wait_indirect_dma semaphore(%arg14 : memref<!tpu.dma_semaphore, #tpu.memory_space<semaphore_mem>>) src(%dma_wait3A_28 : memref<10000x64xf32, #tpu.memory_space<hbm>>) dst(%arg12 : memref<80x64xf32, #tpu.memory_space<vmem>>)
        %scan3A_29 = arith.constant 0 : i32
        %scan3A_30 = arith.constant 0 : i32
        %scan3A_31 = arith.constant 80 : i32
        %scan3A_32 = arith.addi %scan3A_30, %scan3A_31 : i32
        %scan3A_33 = arith.constant 1 : i32
        scf.for %scan3A_35 = %scan3A_30 to %scan3A_32 step %scan3A_33  : i32 {
          %broadcast_in_dim3A = vector.broadcast %scan3A_18 : i32 to vector<16xi32>
          %broadcast_in_dim3A_36 = vector.broadcast %scan3A_35 : i32 to vector<16xi32>
          %gather3A = tpu.vector_load_idx %arg11[%broadcast_in_dim3A, %broadcast_in_dim3A_36] : memref<250x80xf32, #tpu.memory_space<vmem>>[vector<16xi32>, vector<16xi32>], vector<16xf32>,
          %get3A = arith.index_cast %scan3A_35 : i32 to index
          %get3A_37 = arith.constant 0 : index
          %get3A_38 = tpu.vector_load %arg12[%get3A, %get3A_37] {strides = array<i32>} : memref<80x64xf32, #tpu.memory_space<vmem>>, vector<16xf32>,
          %mul3A_39 = arith.mulf %get3A_38, %gather3A : vector<16xf32>
          %swap3A = arith.index_cast %scan3A_35 : i32 to index
          %swap3A_40 = arith.constant 0 : index
          %swap3A_41 = tpu.vector_load %arg12[%swap3A, %swap3A_40] {strides = array<i32>} : memref<80x64xf32, #tpu.memory_space<vmem>>, vector<16xf32>,
          tpu.vector_store %arg12[%swap3A, %swap3A_40], %mul3A_39 {strides = array<i32>} : memref<80x64xf32, #tpu.memory_space<vmem>>, vector<16xf32>,
          %get3A_42 = arith.index_cast %scan3A_35 : i32 to index
          %get3A_43 = arith.constant 16 : index
          %get3A_44 = tpu.vector_load %arg12[%get3A_42, %get3A_43] {strides = array<i32>} : memref<80x64xf32, #tpu.memory_space<vmem>>, vector<16xf32>,
          %mul3A_45 = arith.mulf %get3A_44, %gather3A : vector<16xf32>
          %swap3A_46 = arith.index_cast %scan3A_35 : i32 to index
          %swap3A_47 = arith.constant 16 : index
          %swap3A_48 = tpu.vector_load %arg12[%swap3A_46, %swap3A_47] {strides = array<i32>} : memref<80x64xf32, #tpu.memory_space<vmem>>, vector<16xf32>,
          tpu.vector_store %arg12[%swap3A_46, %swap3A_47], %mul3A_45 {strides = array<i32>} : memref<80x64xf32, #tpu.memory_space<vmem>>, vector<16xf32>,
          %get3A_49 = arith.index_cast %scan3A_35 : i32 to index
          %get3A_50 = arith.constant 32 : index
          %get3A_51 = tpu.vector_load %arg12[%get3A_49, %get3A_50] {strides = array<i32>} : memref<80x64xf32, #tpu.memory_space<vmem>>, vector<16xf32>,
          %mul3A_52 = arith.mulf %get3A_51, %gather3A : vector<16xf32>
          %swap3A_53 = arith.index_cast %scan3A_35 : i32 to index
          %swap3A_54 = arith.constant 32 : index
          %swap3A_55 = tpu.vector_load %arg12[%swap3A_53, %swap3A_54] {strides = array<i32>} : memref<80x64xf32, #tpu.memory_space<vmem>>, vector<16xf32>,
          tpu.vector_store %arg12[%swap3A_53, %swap3A_54], %mul3A_52 {strides = array<i32>} : memref<80x64xf32, #tpu.memory_space<vmem>>, vector<16xf32>,
          %get3A_56 = arith.index_cast %scan3A_35 : i32 to index
          %get3A_57 = arith.constant 48 : index
          %get3A_58 = tpu.vector_load %arg12[%get3A_56, %get3A_57] {strides = array<i32>} : memref<80x64xf32, #tpu.memory_space<vmem>>, vector<16xf32>,
          %mul3A_59 = arith.mulf %get3A_58, %gather3A : vector<16xf32>
          %swap3A_60 = arith.index_cast %scan3A_35 : i32 to index
          %swap3A_61 = arith.constant 48 : index
          %swap3A_62 = tpu.vector_load %arg12[%swap3A_60, %swap3A_61] {strides = array<i32>} : memref<80x64xf32, #tpu.memory_space<vmem>>, vector<16xf32>,
          tpu.vector_store %arg12[%swap3A_60, %swap3A_61], %mul3A_59 {strides = array<i32>} : memref<80x64xf32, #tpu.memory_space<vmem>>, vector<16xf32>,
        }
        %scan3A_34 = arith.constant 80 : i32
        "tpu.region"() ({
          %run_scoped3A = tpu.sem_alloc : memref<!tpu.dma_semaphore, #tpu.memory_space<semaphore_mem>>
          %dma_start3A_35 = arith.constant 0 : i32
          %dma_start3A_36 = tpu.memref_slice %arg10[%scan3A_18, %dma_start3A_35] : memref<250x80xi32, #tpu.memory_space<vmem>> -> memref<1x80xi32, #tpu.memory_space<vmem>>
          %dma_start3A_37 = tpu.memref_squeeze %dma_start3A_36 : memref<1x80xi32, #tpu.memory_space<vmem>> -> memref<80xi32, #tpu.memory_space<vmem>>
          %dma_start3A_38 = arith.constant 0 : i32
          %dma_start3A_39 = arith.constant 0 : i32
          %dma_start3A_40 = tpu.memref_slice %arg13[%dma_start3A_38, %dma_start3A_39] : memref<10240x64xf32, #tpu.memory_space<vmem_shared>> -> memref<10240x64xf32, #tpu.memory_space<vmem_shared>>
          tpu.enqueue_indirect_dma source(%arg12 : memref<80x64xf32, #tpu.memory_space<vmem>>) target(%dma_start3A_40 : memref<10240x64xf32, #tpu.memory_space<vmem_shared>>) offsets(%dma_start3A_37 : memref<80xi32, #tpu.memory_space<vmem>>) semaphore(%run_scoped3A : memref<!tpu.dma_semaphore, #tpu.memory_space<semaphore_mem>>) {add = true}
          %dma_wait3A_41 = arith.constant 0 : i32
          %dma_wait3A_42 = tpu.memref_slice %arg10[%scan3A_18, %dma_wait3A_41] : memref<250x80xi32, #tpu.memory_space<vmem>> -> memref<1x80xi32, #tpu.memory_space<vmem>>
          %dma_wait3A_43 = tpu.memref_squeeze %dma_wait3A_42 : memref<1x80xi32, #tpu.memory_space<vmem>> -> memref<80xi32, #tpu.memory_space<vmem>>
          %dma_wait3A_44 = arith.constant 0 : i32
          %dma_wait3A_45 = arith.constant 0 : i32
          %dma_wait3A_46 = tpu.memref_slice %arg13[%dma_wait3A_44, %dma_wait3A_45] : memref<10240x64xf32, #tpu.memory_space<vmem_shared>> -> memref<10240x64xf32, #tpu.memory_space<vmem_shared>>
          tpu.wait_indirect_dma semaphore(%run_scoped3A : memref<!tpu.dma_semaphore, #tpu.memory_space<semaphore_mem>>) src(%arg12 : memref<80x64xf32, #tpu.memory_space<vmem>>) dst(%dma_wait3A_46 : memref<10240x64xf32, #tpu.memory_space<vmem_shared>>)
          tpu.yield
        }) : () -> ()
      }
      %scan3A_17 = arith.constant 250 : i32
    } else {
    }
    %barrier3A_8 = arith.constant 0 : index
    tpu.barrier barrier_id(%barrier3A_8)
    %mul3A_9 = arith.constant 640 : i32
    %mul3A_10 = arith.muli %arg1, %mul3A_9 : i32
    %mul3A_11 = arith.constant 640 : i32
    %mul3A_12 = arith.muli %arg1, %mul3A_11 : i32
    "tpu.region"() ({
      %run_scoped3A = tpu.sem_alloc : memref<!tpu.dma_semaphore, #tpu.memory_space<semaphore_mem>>
      %dma_start3A = arith.constant 0 : i32
      %dma_start3A_13 = tpu.memref_slice %arg8[%arg0, %mul3A_12, %dma_start3A] : memref<2x10240x64xf32, #tpu.memory_space<hbm>> -> memref<1x640x64xf32, #tpu.memory_space<hbm>>
      %dma_start3A_14 = tpu.memref_squeeze %dma_start3A_13 : memref<1x640x64xf32, #tpu.memory_space<hbm>> -> memref<640x64xf32, #tpu.memory_space<hbm>>
      %dma_start3A_15 = arith.constant 0 : i32
      %dma_start3A_16 = tpu.memref_slice %arg13[%mul3A_10, %dma_start3A_15] : memref<10240x64xf32, #tpu.memory_space<vmem_shared>> -> memref<640x64xf32, #tpu.memory_space<vmem_shared>>
      tpu.enqueue_dma source(%dma_start3A_16 : memref<640x64xf32, #tpu.memory_space<vmem_shared>>) target(%dma_start3A_14 : memref<640x64xf32, #tpu.memory_space<hbm>>) target_semaphore(%run_scoped3A : memref<!tpu.dma_semaphore, #tpu.memory_space<semaphore_mem>>)
      %dma_wait3A = arith.constant 0 : i32
      %dma_wait3A_17 = tpu.memref_slice %arg8[%arg0, %mul3A_12, %dma_wait3A] : memref<2x10240x64xf32, #tpu.memory_space<hbm>> -> memref<1x640x64xf32, #tpu.memory_space<hbm>>
      %dma_wait3A_18 = tpu.memref_squeeze %dma_wait3A_17 : memref<1x640x64xf32, #tpu.memory_space<hbm>> -> memref<640x64xf32, #tpu.memory_space<hbm>>
      %dma_wait3A_19 = arith.constant 0 : i32
      %dma_wait3A_20 = tpu.memref_slice %arg13[%mul3A_10, %dma_wait3A_19] : memref<10240x64xf32, #tpu.memory_space<vmem_shared>> -> memref<640x64xf32, #tpu.memory_space<vmem_shared>>
      tpu.wait_dma2 semaphore(%run_scoped3A : memref<!tpu.dma_semaphore, #tpu.memory_space<semaphore_mem>>) src(%dma_wait3A_20 : memref<640x64xf32, #tpu.memory_space<vmem_shared>>) dst(%dma_wait3A_18 : memref<640x64xf32, #tpu.memory_space<hbm>>)
      tpu.yield
    }) : () -> ()
    return
  }
}

#map = affine_map<(d0, d1) -> (0, 0)>
#map1 = affine_map<(d0, d1) -> (0, 0, 0)>
module attributes {stable_mosaic.version = 14 : i64} {
  func.func @_agg(%arg0: i32, %arg1: i32, %arg2: memref<10000x64xf32, #tpu.memory_space<hbm>>, %arg3: memref<10000x64xf32, #tpu.memory_space<hbm>>, %arg4: memref<16x250x80xi32, #tpu.memory_space<hbm>>, %arg5: memref<16x250x80xi32, #tpu.memory_space<hbm>>, %arg6: memref<16x250x80xf32, #tpu.memory_space<hbm>>, %arg7: memref<640x64xf32, #tpu.memory_space<hbm>>, %arg8: memref<2x10240x64xf32, #tpu.memory_space<hbm>>, %arg9: memref<250x80xi32, #tpu.memory_space<vmem>>, %arg10: memref<250x80xi32, #tpu.memory_space<vmem>>, %arg11: memref<250x80xf32, #tpu.memory_space<vmem>>, %arg12: memref<80x64xf32, #tpu.memory_space<vmem>>, %arg13: memref<10240x64xf32, #tpu.memory_space<vmem_shared>>, %arg14: memref<!tpu.dma_semaphore, #tpu.memory_space<semaphore_mem>>) attributes {dimension_semantics = [#tpu.dimension_semantics<core_parallel>, #tpu.dimension_semantics<subcore_parallel>], iteration_bounds = array<i64: 2, 16>, scalar_prefetch = 0 : i64, scratch_operands = 6 : i64, tpu.core_type = #tpu.core_type<sc_vector_subcore>, window_params = [{transform_indices = #map}, {transform_indices = #map}, {transform_indices = #map1}, {transform_indices = #map1}, {transform_indices = #map1}, {transform_indices = #map}, {transform_indices = #map1}]} {
    %mul3A = arith.constant 640 : i32
    %mul3A_0 = arith.muli %arg1, %mul3A : i32
    "tpu.region"() ({
      %run_scoped3A = tpu.sem_alloc : memref<!tpu.dma_semaphore, #tpu.memory_space<semaphore_mem>>
      %dma_start3A = arith.constant 0 : i32
      %dma_start3A_13 = tpu.memref_slice %arg13[%mul3A_0, %dma_start3A] : memref<10240x64xf32, #tpu.memory_space<vmem_shared>> -> memref<640x64xf32, #tpu.memory_space<vmem_shared>>
      tpu.enqueue_dma source(%arg7 : memref<640x64xf32, #tpu.memory_space<hbm>>) target(%dma_start3A_13 : memref<640x64xf32, #tpu.memory_space<vmem_shared>>) target_semaphore(%run_scoped3A : memref<!tpu.dma_semaphore, #tpu.memory_space<semaphore_mem>>)
      %dma_wait3A = arith.constant 0 : i32
      %dma_wait3A_14 = tpu.memref_slice %arg13[%mul3A_0, %dma_wait3A] : memref<10240x64xf32, #tpu.memory_space<vmem_shared>> -> memref<640x64xf32, #tpu.memory_space<vmem_shared>>
      tpu.wait_dma2 semaphore(%run_scoped3A : memref<!tpu.dma_semaphore, #tpu.memory_space<semaphore_mem>>) src(%arg7 : memref<640x64xf32, #tpu.memory_space<hbm>>) dst(%dma_wait3A_14 : memref<640x64xf32, #tpu.memory_space<vmem_shared>>)
      tpu.yield
    }) : () -> ()
    "tpu.region"() ({
      %run_scoped3A = tpu.sem_alloc : memref<!tpu.dma_semaphore, #tpu.memory_space<semaphore_mem>>
      %dma_start3A = arith.constant 0 : i32
      %dma_start3A_13 = arith.constant 0 : i32
      %dma_start3A_14 = tpu.memref_slice %arg4[%arg1, %dma_start3A, %dma_start3A_13] : memref<16x250x80xi32, #tpu.memory_space<hbm>> -> memref<1x250x80xi32, #tpu.memory_space<hbm>>
      %dma_start3A_15 = tpu.memref_squeeze %dma_start3A_14 : memref<1x250x80xi32, #tpu.memory_space<hbm>> -> memref<250x80xi32, #tpu.memory_space<hbm>>
      %dma_start3A_16 = arith.constant 0 : i32
      %dma_start3A_17 = arith.constant 0 : i32
      %dma_start3A_18 = tpu.memref_slice %arg4[%arg1, %dma_start3A_16, %dma_start3A_17] : memref<16x250x80xi32, #tpu.memory_space<hbm>> -> memref<1x250x80xi32, #tpu.memory_space<hbm>>
      %dma_start3A_19 = tpu.memref_squeeze %dma_start3A_18 : memref<1x250x80xi32, #tpu.memory_space<hbm>> -> memref<250x80xi32, #tpu.memory_space<hbm>>
      tpu.enqueue_dma source(%dma_start3A_19 : memref<250x80xi32, #tpu.memory_space<hbm>>) target(%arg9 : memref<250x80xi32, #tpu.memory_space<vmem>>) target_semaphore(%run_scoped3A : memref<!tpu.dma_semaphore, #tpu.memory_space<semaphore_mem>>)
      %dma_wait3A = arith.constant 0 : i32
      %dma_wait3A_20 = arith.constant 0 : i32
      %dma_wait3A_21 = tpu.memref_slice %arg4[%arg1, %dma_wait3A, %dma_wait3A_20] : memref<16x250x80xi32, #tpu.memory_space<hbm>> -> memref<1x250x80xi32, #tpu.memory_space<hbm>>
      %dma_wait3A_22 = tpu.memref_squeeze %dma_wait3A_21 : memref<1x250x80xi32, #tpu.memory_space<hbm>> -> memref<250x80xi32, #tpu.memory_space<hbm>>
      %dma_wait3A_23 = arith.constant 0 : i32
      %dma_wait3A_24 = arith.constant 0 : i32
      %dma_wait3A_25 = tpu.memref_slice %arg4[%arg1, %dma_wait3A_23, %dma_wait3A_24] : memref<16x250x80xi32, #tpu.memory_space<hbm>> -> memref<1x250x80xi32, #tpu.memory_space<hbm>>
      %dma_wait3A_26 = tpu.memref_squeeze %dma_wait3A_25 : memref<1x250x80xi32, #tpu.memory_space<hbm>> -> memref<250x80xi32, #tpu.memory_space<hbm>>
      tpu.wait_dma2 semaphore(%run_scoped3A : memref<!tpu.dma_semaphore, #tpu.memory_space<semaphore_mem>>) src(%dma_wait3A_26 : memref<250x80xi32, #tpu.memory_space<hbm>>) dst(%arg9 : memref<250x80xi32, #tpu.memory_space<vmem>>)
      tpu.yield
    }) : () -> ()
    "tpu.region"() ({
      %run_scoped3A = tpu.sem_alloc : memref<!tpu.dma_semaphore, #tpu.memory_space<semaphore_mem>>
      %dma_start3A = arith.constant 0 : i32
      %dma_start3A_13 = arith.constant 0 : i32
      %dma_start3A_14 = tpu.memref_slice %arg5[%arg1, %dma_start3A, %dma_start3A_13] : memref<16x250x80xi32, #tpu.memory_space<hbm>> -> memref<1x250x80xi32, #tpu.memory_space<hbm>>
      %dma_start3A_15 = tpu.memref_squeeze %dma_start3A_14 : memref<1x250x80xi32, #tpu.memory_space<hbm>> -> memref<250x80xi32, #tpu.memory_space<hbm>>
      %dma_start3A_16 = arith.constant 0 : i32
      %dma_start3A_17 = arith.constant 0 : i32
      %dma_start3A_18 = tpu.memref_slice %arg5[%arg1, %dma_start3A_16, %dma_start3A_17] : memref<16x250x80xi32, #tpu.memory_space<hbm>> -> memref<1x250x80xi32, #tpu.memory_space<hbm>>
      %dma_start3A_19 = tpu.memref_squeeze %dma_start3A_18 : memref<1x250x80xi32, #tpu.memory_space<hbm>> -> memref<250x80xi32, #tpu.memory_space<hbm>>
      tpu.enqueue_dma source(%dma_start3A_19 : memref<250x80xi32, #tpu.memory_space<hbm>>) target(%arg10 : memref<250x80xi32, #tpu.memory_space<vmem>>) target_semaphore(%run_scoped3A : memref<!tpu.dma_semaphore, #tpu.memory_space<semaphore_mem>>)
      %dma_wait3A = arith.constant 0 : i32
      %dma_wait3A_20 = arith.constant 0 : i32
      %dma_wait3A_21 = tpu.memref_slice %arg5[%arg1, %dma_wait3A, %dma_wait3A_20] : memref<16x250x80xi32, #tpu.memory_space<hbm>> -> memref<1x250x80xi32, #tpu.memory_space<hbm>>
      %dma_wait3A_22 = tpu.memref_squeeze %dma_wait3A_21 : memref<1x250x80xi32, #tpu.memory_space<hbm>> -> memref<250x80xi32, #tpu.memory_space<hbm>>
      %dma_wait3A_23 = arith.constant 0 : i32
      %dma_wait3A_24 = arith.constant 0 : i32
      %dma_wait3A_25 = tpu.memref_slice %arg5[%arg1, %dma_wait3A_23, %dma_wait3A_24] : memref<16x250x80xi32, #tpu.memory_space<hbm>> -> memref<1x250x80xi32, #tpu.memory_space<hbm>>
      %dma_wait3A_26 = tpu.memref_squeeze %dma_wait3A_25 : memref<1x250x80xi32, #tpu.memory_space<hbm>> -> memref<250x80xi32, #tpu.memory_space<hbm>>
      tpu.wait_dma2 semaphore(%run_scoped3A : memref<!tpu.dma_semaphore, #tpu.memory_space<semaphore_mem>>) src(%dma_wait3A_26 : memref<250x80xi32, #tpu.memory_space<hbm>>) dst(%arg10 : memref<250x80xi32, #tpu.memory_space<vmem>>)
      tpu.yield
    }) : () -> ()
    "tpu.region"() ({
      %run_scoped3A = tpu.sem_alloc : memref<!tpu.dma_semaphore, #tpu.memory_space<semaphore_mem>>
      %dma_start3A = arith.constant 0 : i32
      %dma_start3A_13 = arith.constant 0 : i32
      %dma_start3A_14 = tpu.memref_slice %arg6[%arg1, %dma_start3A, %dma_start3A_13] : memref<16x250x80xf32, #tpu.memory_space<hbm>> -> memref<1x250x80xf32, #tpu.memory_space<hbm>>
      %dma_start3A_15 = tpu.memref_squeeze %dma_start3A_14 : memref<1x250x80xf32, #tpu.memory_space<hbm>> -> memref<250x80xf32, #tpu.memory_space<hbm>>
      %dma_start3A_16 = arith.constant 0 : i32
      %dma_start3A_17 = arith.constant 0 : i32
      %dma_start3A_18 = tpu.memref_slice %arg6[%arg1, %dma_start3A_16, %dma_start3A_17] : memref<16x250x80xf32, #tpu.memory_space<hbm>> -> memref<1x250x80xf32, #tpu.memory_space<hbm>>
      %dma_start3A_19 = tpu.memref_squeeze %dma_start3A_18 : memref<1x250x80xf32, #tpu.memory_space<hbm>> -> memref<250x80xf32, #tpu.memory_space<hbm>>
      tpu.enqueue_dma source(%dma_start3A_19 : memref<250x80xf32, #tpu.memory_space<hbm>>) target(%arg11 : memref<250x80xf32, #tpu.memory_space<vmem>>) target_semaphore(%run_scoped3A : memref<!tpu.dma_semaphore, #tpu.memory_space<semaphore_mem>>)
      %dma_wait3A = arith.constant 0 : i32
      %dma_wait3A_20 = arith.constant 0 : i32
      %dma_wait3A_21 = tpu.memref_slice %arg6[%arg1, %dma_wait3A, %dma_wait3A_20] : memref<16x250x80xf32, #tpu.memory_space<hbm>> -> memref<1x250x80xf32, #tpu.memory_space<hbm>>
      %dma_wait3A_22 = tpu.memref_squeeze %dma_wait3A_21 : memref<1x250x80xf32, #tpu.memory_space<hbm>> -> memref<250x80xf32, #tpu.memory_space<hbm>>
      %dma_wait3A_23 = arith.constant 0 : i32
      %dma_wait3A_24 = arith.constant 0 : i32
      %dma_wait3A_25 = tpu.memref_slice %arg6[%arg1, %dma_wait3A_23, %dma_wait3A_24] : memref<16x250x80xf32, #tpu.memory_space<hbm>> -> memref<1x250x80xf32, #tpu.memory_space<hbm>>
      %dma_wait3A_26 = tpu.memref_squeeze %dma_wait3A_25 : memref<1x250x80xf32, #tpu.memory_space<hbm>> -> memref<250x80xf32, #tpu.memory_space<hbm>>
      tpu.wait_dma2 semaphore(%run_scoped3A : memref<!tpu.dma_semaphore, #tpu.memory_space<semaphore_mem>>) src(%dma_wait3A_26 : memref<250x80xf32, #tpu.memory_space<hbm>>) dst(%arg11 : memref<250x80xf32, #tpu.memory_space<vmem>>)
      tpu.yield
    }) : () -> ()
    %barrier3A = arith.constant 0 : index
    tpu.barrier barrier_id(%barrier3A)
    %eq3A = arith.constant 0 : i32
    %eq3A_1 = arith.cmpi eq, %arg0, %eq3A : i32
    %convert_element_type3A = arith.extui %eq3A_1 : i1 to i32
    %cond3A = arith.constant 0 : i32
    %cond3A_2 = arith.cmpi ne, %convert_element_type3A, %cond3A : i32
    scf.if %cond3A_2 {
      %scan3A = arith.constant 0 : i32
      %scan3A_13 = arith.constant 0 : i32
      %scan3A_14 = arith.constant 250 : i32
      %scan3A_15 = arith.addi %scan3A_13, %scan3A_14 : i32
      %scan3A_16 = arith.constant 1 : i32
      scf.for %scan3A_18 = %scan3A_13 to %scan3A_15 step %scan3A_16  : i32 {
        %dma_start3A = arith.constant 0 : i32
        %dma_start3A_19 = tpu.memref_slice %arg9[%scan3A_18, %dma_start3A] : memref<250x80xi32, #tpu.memory_space<vmem>> -> memref<1x80xi32, #tpu.memory_space<vmem>>
        %dma_start3A_20 = tpu.memref_squeeze %dma_start3A_19 : memref<1x80xi32, #tpu.memory_space<vmem>> -> memref<80xi32, #tpu.memory_space<vmem>>
        %dma_start3A_21 = arith.constant 0 : i32
        %dma_start3A_22 = arith.constant 0 : i32
        %dma_start3A_23 = tpu.memref_slice %arg2[%dma_start3A_21, %dma_start3A_22] : memref<10000x64xf32, #tpu.memory_space<hbm>> -> memref<10000x64xf32, #tpu.memory_space<hbm>>
        tpu.enqueue_indirect_dma source(%dma_start3A_23 : memref<10000x64xf32, #tpu.memory_space<hbm>>) target(%arg12 : memref<80x64xf32, #tpu.memory_space<vmem>>) offsets(%dma_start3A_20 : memref<80xi32, #tpu.memory_space<vmem>>) semaphore(%arg14 : memref<!tpu.dma_semaphore, #tpu.memory_space<semaphore_mem>>)
        %dma_wait3A = arith.constant 0 : i32
        %dma_wait3A_24 = tpu.memref_slice %arg9[%scan3A_18, %dma_wait3A] : memref<250x80xi32, #tpu.memory_space<vmem>> -> memref<1x80xi32, #tpu.memory_space<vmem>>
        %dma_wait3A_25 = tpu.memref_squeeze %dma_wait3A_24 : memref<1x80xi32, #tpu.memory_space<vmem>> -> memref<80xi32, #tpu.memory_space<vmem>>
        %dma_wait3A_26 = arith.constant 0 : i32
        %dma_wait3A_27 = arith.constant 0 : i32
        %dma_wait3A_28 = tpu.memref_slice %arg2[%dma_wait3A_26, %dma_wait3A_27] : memref<10000x64xf32, #tpu.memory_space<hbm>> -> memref<10000x64xf32, #tpu.memory_space<hbm>>
        tpu.wait_indirect_dma semaphore(%arg14 : memref<!tpu.dma_semaphore, #tpu.memory_space<semaphore_mem>>) src(%dma_wait3A_28 : memref<10000x64xf32, #tpu.memory_space<hbm>>) dst(%arg12 : memref<80x64xf32, #tpu.memory_space<vmem>>)
        %scan3A_29 = arith.constant 0 : i32
        %scan3A_30 = arith.constant 0 : i32
        %scan3A_31 = arith.constant 80 : i32
        %scan3A_32 = arith.addi %scan3A_30, %scan3A_31 : i32
        %scan3A_33 = arith.constant 1 : i32
        scf.for %scan3A_35 = %scan3A_30 to %scan3A_32 step %scan3A_33  : i32 {
          %broadcast_in_dim3A = vector.broadcast %scan3A_18 : i32 to vector<16xi32>
          %broadcast_in_dim3A_36 = vector.broadcast %scan3A_35 : i32 to vector<16xi32>
          %gather3A = tpu.vector_load_idx %arg11[%broadcast_in_dim3A, %broadcast_in_dim3A_36] : memref<250x80xf32, #tpu.memory_space<vmem>>[vector<16xi32>, vector<16xi32>], vector<16xf32>,
          %get3A = arith.index_cast %scan3A_35 : i32 to index
          %get3A_37 = arith.constant 0 : index
          %get3A_38 = tpu.vector_load %arg12[%get3A, %get3A_37] {strides = array<i32>} : memref<80x64xf32, #tpu.memory_space<vmem>>, vector<16xf32>,
          %mul3A_39 = arith.mulf %get3A_38, %gather3A : vector<16xf32>
          %swap3A = arith.index_cast %scan3A_35 : i32 to index
          %swap3A_40 = arith.constant 0 : index
          %swap3A_41 = tpu.vector_load %arg12[%swap3A, %swap3A_40] {strides = array<i32>} : memref<80x64xf32, #tpu.memory_space<vmem>>, vector<16xf32>,
          tpu.vector_store %arg12[%swap3A, %swap3A_40], %mul3A_39 {strides = array<i32>} : memref<80x64xf32, #tpu.memory_space<vmem>>, vector<16xf32>,
          %get3A_42 = arith.index_cast %scan3A_35 : i32 to index
          %get3A_43 = arith.constant 16 : index
          %get3A_44 = tpu.vector_load %arg12[%get3A_42, %get3A_43] {strides = array<i32>} : memref<80x64xf32, #tpu.memory_space<vmem>>, vector<16xf32>,
          %mul3A_45 = arith.mulf %get3A_44, %gather3A : vector<16xf32>
          %swap3A_46 = arith.index_cast %scan3A_35 : i32 to index
          %swap3A_47 = arith.constant 16 : index
          %swap3A_48 = tpu.vector_load %arg12[%swap3A_46, %swap3A_47] {strides = array<i32>} : memref<80x64xf32, #tpu.memory_space<vmem>>, vector<16xf32>,
          tpu.vector_store %arg12[%swap3A_46, %swap3A_47], %mul3A_45 {strides = array<i32>} : memref<80x64xf32, #tpu.memory_space<vmem>>, vector<16xf32>,
          %get3A_49 = arith.index_cast %scan3A_35 : i32 to index
          %get3A_50 = arith.constant 32 : index
          %get3A_51 = tpu.vector_load %arg12[%get3A_49, %get3A_50] {strides = array<i32>} : memref<80x64xf32, #tpu.memory_space<vmem>>, vector<16xf32>,
          %mul3A_52 = arith.mulf %get3A_51, %gather3A : vector<16xf32>
          %swap3A_53 = arith.index_cast %scan3A_35 : i32 to index
          %swap3A_54 = arith.constant 32 : index
          %swap3A_55 = tpu.vector_load %arg12[%swap3A_53, %swap3A_54] {strides = array<i32>} : memref<80x64xf32, #tpu.memory_space<vmem>>, vector<16xf32>,
          tpu.vector_store %arg12[%swap3A_53, %swap3A_54], %mul3A_52 {strides = array<i32>} : memref<80x64xf32, #tpu.memory_space<vmem>>, vector<16xf32>,
          %get3A_56 = arith.index_cast %scan3A_35 : i32 to index
          %get3A_57 = arith.constant 48 : index
          %get3A_58 = tpu.vector_load %arg12[%get3A_56, %get3A_57] {strides = array<i32>} : memref<80x64xf32, #tpu.memory_space<vmem>>, vector<16xf32>,
          %mul3A_59 = arith.mulf %get3A_58, %gather3A : vector<16xf32>
          %swap3A_60 = arith.index_cast %scan3A_35 : i32 to index
          %swap3A_61 = arith.constant 48 : index
          %swap3A_62 = tpu.vector_load %arg12[%swap3A_60, %swap3A_61] {strides = array<i32>} : memref<80x64xf32, #tpu.memory_space<vmem>>, vector<16xf32>,
          tpu.vector_store %arg12[%swap3A_60, %swap3A_61], %mul3A_59 {strides = array<i32>} : memref<80x64xf32, #tpu.memory_space<vmem>>, vector<16xf32>,
        }
        %scan3A_34 = arith.constant 80 : i32
        "tpu.region"() ({
          %run_scoped3A = tpu.sem_alloc : memref<!tpu.dma_semaphore, #tpu.memory_space<semaphore_mem>>
          %dma_start3A_35 = arith.constant 0 : i32
          %dma_start3A_36 = tpu.memref_slice %arg10[%scan3A_18, %dma_start3A_35] : memref<250x80xi32, #tpu.memory_space<vmem>> -> memref<1x80xi32, #tpu.memory_space<vmem>>
          %dma_start3A_37 = tpu.memref_squeeze %dma_start3A_36 : memref<1x80xi32, #tpu.memory_space<vmem>> -> memref<80xi32, #tpu.memory_space<vmem>>
          %dma_start3A_38 = arith.constant 0 : i32
          %dma_start3A_39 = arith.constant 0 : i32
          %dma_start3A_40 = tpu.memref_slice %arg13[%dma_start3A_38, %dma_start3A_39] : memref<10240x64xf32, #tpu.memory_space<vmem_shared>> -> memref<10240x64xf32, #tpu.memory_space<vmem_shared>>
          tpu.enqueue_indirect_dma source(%arg12 : memref<80x64xf32, #tpu.memory_space<vmem>>) target(%dma_start3A_40 : memref<10240x64xf32, #tpu.memory_space<vmem_shared>>) offsets(%dma_start3A_37 : memref<80xi32, #tpu.memory_space<vmem>>) semaphore(%run_scoped3A : memref<!tpu.dma_semaphore, #tpu.memory_space<semaphore_mem>>) {add = true}
          %dma_wait3A_41 = arith.constant 0 : i32
          %dma_wait3A_42 = tpu.memref_slice %arg10[%scan3A_18, %dma_wait3A_41] : memref<250x80xi32, #tpu.memory_space<vmem>> -> memref<1x80xi32, #tpu.memory_space<vmem>>
          %dma_wait3A_43 = tpu.memref_squeeze %dma_wait3A_42 : memref<1x80xi32, #tpu.memory_space<vmem>> -> memref<80xi32, #tpu.memory_space<vmem>>
          %dma_wait3A_44 = arith.constant 0 : i32
          %dma_wait3A_45 = arith.constant 0 : i32
          %dma_wait3A_46 = tpu.memref_slice %arg13[%dma_wait3A_44, %dma_wait3A_45] : memref<10240x64xf32, #tpu.memory_space<vmem_shared>> -> memref<10240x64xf32, #tpu.memory_space<vmem_shared>>
          tpu.wait_indirect_dma semaphore(%run_scoped3A : memref<!tpu.dma_semaphore, #tpu.memory_space<semaphore_mem>>) src(%arg12 : memref<80x64xf32, #tpu.memory_space<vmem>>) dst(%dma_wait3A_46 : memref<10240x64xf32, #tpu.memory_space<vmem_shared>>)
          tpu.yield
        }) : () -> ()
      }
      %scan3A_17 = arith.constant 250 : i32
    } else {
    }
    %eq3A_3 = arith.constant 1 : i32
    %eq3A_4 = arith.cmpi eq, %arg0, %eq3A_3 : i32
    %convert_element_type3A_5 = arith.extui %eq3A_4 : i1 to i32
    %cond3A_6 = arith.constant 0 : i32
    %cond3A_7 = arith.cmpi ne, %convert_element_type3A_5, %cond3A_6 : i32
    scf.if %cond3A_7 {
      %scan3A = arith.constant 0 : i32
      %scan3A_13 = arith.constant 0 : i32
      %scan3A_14 = arith.constant 250 : i32
      %scan3A_15 = arith.addi %scan3A_13, %scan3A_14 : i32
      %scan3A_16 = arith.constant 1 : i32
      scf.for %scan3A_18 = %scan3A_13 to %scan3A_15 step %scan3A_16  : i32 {
        %dma_start3A = arith.constant 0 : i32
        %dma_start3A_19 = tpu.memref_slice %arg9[%scan3A_18, %dma_start3A] : memref<250x80xi32, #tpu.memory_space<vmem>> -> memref<1x80xi32, #tpu.memory_space<vmem>>
        %dma_start3A_20 = tpu.memref_squeeze %dma_start3A_19 : memref<1x80xi32, #tpu.memory_space<vmem>> -> memref<80xi32, #tpu.memory_space<vmem>>
        %dma_start3A_21 = arith.constant 0 : i32
        %dma_start3A_22 = arith.constant 0 : i32
        %dma_start3A_23 = tpu.memref_slice %arg3[%dma_start3A_21, %dma_start3A_22] : memref<10000x64xf32, #tpu.memory_space<hbm>> -> memref<10000x64xf32, #tpu.memory_space<hbm>>
        tpu.enqueue_indirect_dma source(%dma_start3A_23 : memref<10000x64xf32, #tpu.memory_space<hbm>>) target(%arg12 : memref<80x64xf32, #tpu.memory_space<vmem>>) offsets(%dma_start3A_20 : memref<80xi32, #tpu.memory_space<vmem>>) semaphore(%arg14 : memref<!tpu.dma_semaphore, #tpu.memory_space<semaphore_mem>>)
        %dma_wait3A = arith.constant 0 : i32
        %dma_wait3A_24 = tpu.memref_slice %arg9[%scan3A_18, %dma_wait3A] : memref<250x80xi32, #tpu.memory_space<vmem>> -> memref<1x80xi32, #tpu.memory_space<vmem>>
        %dma_wait3A_25 = tpu.memref_squeeze %dma_wait3A_24 : memref<1x80xi32, #tpu.memory_space<vmem>> -> memref<80xi32, #tpu.memory_space<vmem>>
        %dma_wait3A_26 = arith.constant 0 : i32
        %dma_wait3A_27 = arith.constant 0 : i32
        %dma_wait3A_28 = tpu.memref_slice %arg3[%dma_wait3A_26, %dma_wait3A_27] : memref<10000x64xf32, #tpu.memory_space<hbm>> -> memref<10000x64xf32, #tpu.memory_space<hbm>>
        tpu.wait_indirect_dma semaphore(%arg14 : memref<!tpu.dma_semaphore, #tpu.memory_space<semaphore_mem>>) src(%dma_wait3A_28 : memref<10000x64xf32, #tpu.memory_space<hbm>>) dst(%arg12 : memref<80x64xf32, #tpu.memory_space<vmem>>)
        %scan3A_29 = arith.constant 0 : i32
        %scan3A_30 = arith.constant 0 : i32
        %scan3A_31 = arith.constant 80 : i32
        %scan3A_32 = arith.addi %scan3A_30, %scan3A_31 : i32
        %scan3A_33 = arith.constant 1 : i32
        scf.for %scan3A_35 = %scan3A_30 to %scan3A_32 step %scan3A_33  : i32 {
          %broadcast_in_dim3A = vector.broadcast %scan3A_18 : i32 to vector<16xi32>
          %broadcast_in_dim3A_36 = vector.broadcast %scan3A_35 : i32 to vector<16xi32>
          %gather3A = tpu.vector_load_idx %arg11[%broadcast_in_dim3A, %broadcast_in_dim3A_36] : memref<250x80xf32, #tpu.memory_space<vmem>>[vector<16xi32>, vector<16xi32>], vector<16xf32>,
          %get3A = arith.index_cast %scan3A_35 : i32 to index
          %get3A_37 = arith.constant 0 : index
          %get3A_38 = tpu.vector_load %arg12[%get3A, %get3A_37] {strides = array<i32>} : memref<80x64xf32, #tpu.memory_space<vmem>>, vector<16xf32>,
          %mul3A_39 = arith.mulf %get3A_38, %gather3A : vector<16xf32>
          %swap3A = arith.index_cast %scan3A_35 : i32 to index
          %swap3A_40 = arith.constant 0 : index
          %swap3A_41 = tpu.vector_load %arg12[%swap3A, %swap3A_40] {strides = array<i32>} : memref<80x64xf32, #tpu.memory_space<vmem>>, vector<16xf32>,
          tpu.vector_store %arg12[%swap3A, %swap3A_40], %mul3A_39 {strides = array<i32>} : memref<80x64xf32, #tpu.memory_space<vmem>>, vector<16xf32>,
          %get3A_42 = arith.index_cast %scan3A_35 : i32 to index
          %get3A_43 = arith.constant 16 : index
          %get3A_44 = tpu.vector_load %arg12[%get3A_42, %get3A_43] {strides = array<i32>} : memref<80x64xf32, #tpu.memory_space<vmem>>, vector<16xf32>,
          %mul3A_45 = arith.mulf %get3A_44, %gather3A : vector<16xf32>
          %swap3A_46 = arith.index_cast %scan3A_35 : i32 to index
          %swap3A_47 = arith.constant 16 : index
          %swap3A_48 = tpu.vector_load %arg12[%swap3A_46, %swap3A_47] {strides = array<i32>} : memref<80x64xf32, #tpu.memory_space<vmem>>, vector<16xf32>,
          tpu.vector_store %arg12[%swap3A_46, %swap3A_47], %mul3A_45 {strides = array<i32>} : memref<80x64xf32, #tpu.memory_space<vmem>>, vector<16xf32>,
          %get3A_49 = arith.index_cast %scan3A_35 : i32 to index
          %get3A_50 = arith.constant 32 : index
          %get3A_51 = tpu.vector_load %arg12[%get3A_49, %get3A_50] {strides = array<i32>} : memref<80x64xf32, #tpu.memory_space<vmem>>, vector<16xf32>,
          %mul3A_52 = arith.mulf %get3A_51, %gather3A : vector<16xf32>
          %swap3A_53 = arith.index_cast %scan3A_35 : i32 to index
          %swap3A_54 = arith.constant 32 : index
          %swap3A_55 = tpu.vector_load %arg12[%swap3A_53, %swap3A_54] {strides = array<i32>} : memref<80x64xf32, #tpu.memory_space<vmem>>, vector<16xf32>,
          tpu.vector_store %arg12[%swap3A_53, %swap3A_54], %mul3A_52 {strides = array<i32>} : memref<80x64xf32, #tpu.memory_space<vmem>>, vector<16xf32>,
          %get3A_56 = arith.index_cast %scan3A_35 : i32 to index
          %get3A_57 = arith.constant 48 : index
          %get3A_58 = tpu.vector_load %arg12[%get3A_56, %get3A_57] {strides = array<i32>} : memref<80x64xf32, #tpu.memory_space<vmem>>, vector<16xf32>,
          %mul3A_59 = arith.mulf %get3A_58, %gather3A : vector<16xf32>
          %swap3A_60 = arith.index_cast %scan3A_35 : i32 to index
          %swap3A_61 = arith.constant 48 : index
          %swap3A_62 = tpu.vector_load %arg12[%swap3A_60, %swap3A_61] {strides = array<i32>} : memref<80x64xf32, #tpu.memory_space<vmem>>, vector<16xf32>,
          tpu.vector_store %arg12[%swap3A_60, %swap3A_61], %mul3A_59 {strides = array<i32>} : memref<80x64xf32, #tpu.memory_space<vmem>>, vector<16xf32>,
        }
        %scan3A_34 = arith.constant 80 : i32
        "tpu.region"() ({
          %run_scoped3A = tpu.sem_alloc : memref<!tpu.dma_semaphore, #tpu.memory_space<semaphore_mem>>
          %dma_start3A_35 = arith.constant 0 : i32
          %dma_start3A_36 = tpu.memref_slice %arg10[%scan3A_18, %dma_start3A_35] : memref<250x80xi32, #tpu.memory_space<vmem>> -> memref<1x80xi32, #tpu.memory_space<vmem>>
          %dma_start3A_37 = tpu.memref_squeeze %dma_start3A_36 : memref<1x80xi32, #tpu.memory_space<vmem>> -> memref<80xi32, #tpu.memory_space<vmem>>
          %dma_start3A_38 = arith.constant 0 : i32
          %dma_start3A_39 = arith.constant 0 : i32
          %dma_start3A_40 = tpu.memref_slice %arg13[%dma_start3A_38, %dma_start3A_39] : memref<10240x64xf32, #tpu.memory_space<vmem_shared>> -> memref<10240x64xf32, #tpu.memory_space<vmem_shared>>
          tpu.enqueue_indirect_dma source(%arg12 : memref<80x64xf32, #tpu.memory_space<vmem>>) target(%dma_start3A_40 : memref<10240x64xf32, #tpu.memory_space<vmem_shared>>) offsets(%dma_start3A_37 : memref<80xi32, #tpu.memory_space<vmem>>) semaphore(%run_scoped3A : memref<!tpu.dma_semaphore, #tpu.memory_space<semaphore_mem>>) {add = true}
          %dma_wait3A_41 = arith.constant 0 : i32
          %dma_wait3A_42 = tpu.memref_slice %arg10[%scan3A_18, %dma_wait3A_41] : memref<250x80xi32, #tpu.memory_space<vmem>> -> memref<1x80xi32, #tpu.memory_space<vmem>>
          %dma_wait3A_43 = tpu.memref_squeeze %dma_wait3A_42 : memref<1x80xi32, #tpu.memory_space<vmem>> -> memref<80xi32, #tpu.memory_space<vmem>>
          %dma_wait3A_44 = arith.constant 0 : i32
          %dma_wait3A_45 = arith.constant 0 : i32
          %dma_wait3A_46 = tpu.memref_slice %arg13[%dma_wait3A_44, %dma_wait3A_45] : memref<10240x64xf32, #tpu.memory_space<vmem_shared>> -> memref<10240x64xf32, #tpu.memory_space<vmem_shared>>
          tpu.wait_indirect_dma semaphore(%run_scoped3A : memref<!tpu.dma_semaphore, #tpu.memory_space<semaphore_mem>>) src(%arg12 : memref<80x64xf32, #tpu.memory_space<vmem>>) dst(%dma_wait3A_46 : memref<10240x64xf32, #tpu.memory_space<vmem_shared>>)
          tpu.yield
        }) : () -> ()
      }
      %scan3A_17 = arith.constant 250 : i32
    } else {
    }
    %barrier3A_8 = arith.constant 0 : index
    tpu.barrier barrier_id(%barrier3A_8)
    %mul3A_9 = arith.constant 640 : i32
    %mul3A_10 = arith.muli %arg1, %mul3A_9 : i32
    %mul3A_11 = arith.constant 640 : i32
    %mul3A_12 = arith.muli %arg1, %mul3A_11 : i32
    "tpu.region"() ({
      %run_scoped3A = tpu.sem_alloc : memref<!tpu.dma_semaphore, #tpu.memory_space<semaphore_mem>>
      %dma_start3A = arith.constant 0 : i32
      %dma_start3A_13 = tpu.memref_slice %arg8[%arg0, %mul3A_12, %dma_start3A] : memref<2x10240x64xf32, #tpu.memory_space<hbm>> -> memref<1x640x64xf32, #tpu.memory_space<hbm>>
      %dma_start3A_14 = tpu.memref_squeeze %dma_start3A_13 : memref<1x640x64xf32, #tpu.memory_space<hbm>> -> memref<640x64xf32, #tpu.memory_space<hbm>>
      %dma_start3A_15 = arith.constant 0 : i32
      %dma_start3A_16 = tpu.memref_slice %arg13[%mul3A_10, %dma_start3A_15] : memref<10240x64xf32, #tpu.memory_space<vmem_shared>> -> memref<640x64xf32, #tpu.memory_space<vmem_shared>>
      tpu.enqueue_dma source(%dma_start3A_16 : memref<640x64xf32, #tpu.memory_space<vmem_shared>>) target(%dma_start3A_14 : memref<640x64xf32, #tpu.memory_space<hbm>>) target_semaphore(%run_scoped3A : memref<!tpu.dma_semaphore, #tpu.memory_space<semaphore_mem>>)
      %dma_wait3A = arith.constant 0 : i32
      %dma_wait3A_17 = tpu.memref_slice %arg8[%arg0, %mul3A_12, %dma_wait3A] : memref<2x10240x64xf32, #tpu.memory_space<hbm>> -> memref<1x640x64xf32, #tpu.memory_space<hbm>>
      %dma_wait3A_18 = tpu.memref_squeeze %dma_wait3A_17 : memref<1x640x64xf32, #tpu.memory_space<hbm>> -> memref<640x64xf32, #tpu.memory_space<hbm>>
      %dma_wait3A_19 = arith.constant 0 : i32
      %dma_wait3A_20 = tpu.memref_slice %arg13[%mul3A_10, %dma_wait3A_19] : memref<10240x64xf32, #tpu.memory_space<vmem_shared>> -> memref<640x64xf32, #tpu.memory_space<vmem_shared>>
      tpu.wait_dma2 semaphore(%run_scoped3A : memref<!tpu.dma_semaphore, #tpu.memory_space<semaphore_mem>>) src(%dma_wait3A_20 : memref<640x64xf32, #tpu.memory_space<vmem_shared>>) dst(%dma_wait3A_18 : memref<640x64xf32, #tpu.memory_space<hbm>>)
      tpu.yield
    }) : () -> ()
    return
  }
}

#map = affine_map<(d0, d1) -> (0, 0)>
#map1 = affine_map<(d0, d1) -> (0, 0, 0)>
module attributes {stable_mosaic.version = 14 : i64} {
  func.func @_agg(%arg0: i32, %arg1: i32, %arg2: memref<10000x32xf32, #tpu.memory_space<hbm>>, %arg3: memref<10000x32xf32, #tpu.memory_space<hbm>>, %arg4: memref<16x250x80xi32, #tpu.memory_space<hbm>>, %arg5: memref<16x250x80xi32, #tpu.memory_space<hbm>>, %arg6: memref<16x250x80xf32, #tpu.memory_space<hbm>>, %arg7: memref<640x32xf32, #tpu.memory_space<hbm>>, %arg8: memref<2x10240x32xf32, #tpu.memory_space<hbm>>, %arg9: memref<250x80xi32, #tpu.memory_space<vmem>>, %arg10: memref<250x80xi32, #tpu.memory_space<vmem>>, %arg11: memref<250x80xf32, #tpu.memory_space<vmem>>, %arg12: memref<80x32xf32, #tpu.memory_space<vmem>>, %arg13: memref<10240x32xf32, #tpu.memory_space<vmem_shared>>, %arg14: memref<!tpu.dma_semaphore, #tpu.memory_space<semaphore_mem>>) attributes {dimension_semantics = [#tpu.dimension_semantics<core_parallel>, #tpu.dimension_semantics<subcore_parallel>], iteration_bounds = array<i64: 2, 16>, scalar_prefetch = 0 : i64, scratch_operands = 6 : i64, tpu.core_type = #tpu.core_type<sc_vector_subcore>, window_params = [{transform_indices = #map}, {transform_indices = #map}, {transform_indices = #map1}, {transform_indices = #map1}, {transform_indices = #map1}, {transform_indices = #map}, {transform_indices = #map1}]} {
    %mul3A = arith.constant 640 : i32
    %mul3A_0 = arith.muli %arg1, %mul3A : i32
    "tpu.region"() ({
      %run_scoped3A = tpu.sem_alloc : memref<!tpu.dma_semaphore, #tpu.memory_space<semaphore_mem>>
      %dma_start3A = arith.constant 0 : i32
      %dma_start3A_13 = tpu.memref_slice %arg13[%mul3A_0, %dma_start3A] : memref<10240x32xf32, #tpu.memory_space<vmem_shared>> -> memref<640x32xf32, #tpu.memory_space<vmem_shared>>
      tpu.enqueue_dma source(%arg7 : memref<640x32xf32, #tpu.memory_space<hbm>>) target(%dma_start3A_13 : memref<640x32xf32, #tpu.memory_space<vmem_shared>>) target_semaphore(%run_scoped3A : memref<!tpu.dma_semaphore, #tpu.memory_space<semaphore_mem>>)
      %dma_wait3A = arith.constant 0 : i32
      %dma_wait3A_14 = tpu.memref_slice %arg13[%mul3A_0, %dma_wait3A] : memref<10240x32xf32, #tpu.memory_space<vmem_shared>> -> memref<640x32xf32, #tpu.memory_space<vmem_shared>>
      tpu.wait_dma2 semaphore(%run_scoped3A : memref<!tpu.dma_semaphore, #tpu.memory_space<semaphore_mem>>) src(%arg7 : memref<640x32xf32, #tpu.memory_space<hbm>>) dst(%dma_wait3A_14 : memref<640x32xf32, #tpu.memory_space<vmem_shared>>)
      tpu.yield
    }) : () -> ()
    "tpu.region"() ({
      %run_scoped3A = tpu.sem_alloc : memref<!tpu.dma_semaphore, #tpu.memory_space<semaphore_mem>>
      %dma_start3A = arith.constant 0 : i32
      %dma_start3A_13 = arith.constant 0 : i32
      %dma_start3A_14 = tpu.memref_slice %arg4[%arg1, %dma_start3A, %dma_start3A_13] : memref<16x250x80xi32, #tpu.memory_space<hbm>> -> memref<1x250x80xi32, #tpu.memory_space<hbm>>
      %dma_start3A_15 = tpu.memref_squeeze %dma_start3A_14 : memref<1x250x80xi32, #tpu.memory_space<hbm>> -> memref<250x80xi32, #tpu.memory_space<hbm>>
      %dma_start3A_16 = arith.constant 0 : i32
      %dma_start3A_17 = arith.constant 0 : i32
      %dma_start3A_18 = tpu.memref_slice %arg4[%arg1, %dma_start3A_16, %dma_start3A_17] : memref<16x250x80xi32, #tpu.memory_space<hbm>> -> memref<1x250x80xi32, #tpu.memory_space<hbm>>
      %dma_start3A_19 = tpu.memref_squeeze %dma_start3A_18 : memref<1x250x80xi32, #tpu.memory_space<hbm>> -> memref<250x80xi32, #tpu.memory_space<hbm>>
      tpu.enqueue_dma source(%dma_start3A_19 : memref<250x80xi32, #tpu.memory_space<hbm>>) target(%arg9 : memref<250x80xi32, #tpu.memory_space<vmem>>) target_semaphore(%run_scoped3A : memref<!tpu.dma_semaphore, #tpu.memory_space<semaphore_mem>>)
      %dma_wait3A = arith.constant 0 : i32
      %dma_wait3A_20 = arith.constant 0 : i32
      %dma_wait3A_21 = tpu.memref_slice %arg4[%arg1, %dma_wait3A, %dma_wait3A_20] : memref<16x250x80xi32, #tpu.memory_space<hbm>> -> memref<1x250x80xi32, #tpu.memory_space<hbm>>
      %dma_wait3A_22 = tpu.memref_squeeze %dma_wait3A_21 : memref<1x250x80xi32, #tpu.memory_space<hbm>> -> memref<250x80xi32, #tpu.memory_space<hbm>>
      %dma_wait3A_23 = arith.constant 0 : i32
      %dma_wait3A_24 = arith.constant 0 : i32
      %dma_wait3A_25 = tpu.memref_slice %arg4[%arg1, %dma_wait3A_23, %dma_wait3A_24] : memref<16x250x80xi32, #tpu.memory_space<hbm>> -> memref<1x250x80xi32, #tpu.memory_space<hbm>>
      %dma_wait3A_26 = tpu.memref_squeeze %dma_wait3A_25 : memref<1x250x80xi32, #tpu.memory_space<hbm>> -> memref<250x80xi32, #tpu.memory_space<hbm>>
      tpu.wait_dma2 semaphore(%run_scoped3A : memref<!tpu.dma_semaphore, #tpu.memory_space<semaphore_mem>>) src(%dma_wait3A_26 : memref<250x80xi32, #tpu.memory_space<hbm>>) dst(%arg9 : memref<250x80xi32, #tpu.memory_space<vmem>>)
      tpu.yield
    }) : () -> ()
    "tpu.region"() ({
      %run_scoped3A = tpu.sem_alloc : memref<!tpu.dma_semaphore, #tpu.memory_space<semaphore_mem>>
      %dma_start3A = arith.constant 0 : i32
      %dma_start3A_13 = arith.constant 0 : i32
      %dma_start3A_14 = tpu.memref_slice %arg5[%arg1, %dma_start3A, %dma_start3A_13] : memref<16x250x80xi32, #tpu.memory_space<hbm>> -> memref<1x250x80xi32, #tpu.memory_space<hbm>>
      %dma_start3A_15 = tpu.memref_squeeze %dma_start3A_14 : memref<1x250x80xi32, #tpu.memory_space<hbm>> -> memref<250x80xi32, #tpu.memory_space<hbm>>
      %dma_start3A_16 = arith.constant 0 : i32
      %dma_start3A_17 = arith.constant 0 : i32
      %dma_start3A_18 = tpu.memref_slice %arg5[%arg1, %dma_start3A_16, %dma_start3A_17] : memref<16x250x80xi32, #tpu.memory_space<hbm>> -> memref<1x250x80xi32, #tpu.memory_space<hbm>>
      %dma_start3A_19 = tpu.memref_squeeze %dma_start3A_18 : memref<1x250x80xi32, #tpu.memory_space<hbm>> -> memref<250x80xi32, #tpu.memory_space<hbm>>
      tpu.enqueue_dma source(%dma_start3A_19 : memref<250x80xi32, #tpu.memory_space<hbm>>) target(%arg10 : memref<250x80xi32, #tpu.memory_space<vmem>>) target_semaphore(%run_scoped3A : memref<!tpu.dma_semaphore, #tpu.memory_space<semaphore_mem>>)
      %dma_wait3A = arith.constant 0 : i32
      %dma_wait3A_20 = arith.constant 0 : i32
      %dma_wait3A_21 = tpu.memref_slice %arg5[%arg1, %dma_wait3A, %dma_wait3A_20] : memref<16x250x80xi32, #tpu.memory_space<hbm>> -> memref<1x250x80xi32, #tpu.memory_space<hbm>>
      %dma_wait3A_22 = tpu.memref_squeeze %dma_wait3A_21 : memref<1x250x80xi32, #tpu.memory_space<hbm>> -> memref<250x80xi32, #tpu.memory_space<hbm>>
      %dma_wait3A_23 = arith.constant 0 : i32
      %dma_wait3A_24 = arith.constant 0 : i32
      %dma_wait3A_25 = tpu.memref_slice %arg5[%arg1, %dma_wait3A_23, %dma_wait3A_24] : memref<16x250x80xi32, #tpu.memory_space<hbm>> -> memref<1x250x80xi32, #tpu.memory_space<hbm>>
      %dma_wait3A_26 = tpu.memref_squeeze %dma_wait3A_25 : memref<1x250x80xi32, #tpu.memory_space<hbm>> -> memref<250x80xi32, #tpu.memory_space<hbm>>
      tpu.wait_dma2 semaphore(%run_scoped3A : memref<!tpu.dma_semaphore, #tpu.memory_space<semaphore_mem>>) src(%dma_wait3A_26 : memref<250x80xi32, #tpu.memory_space<hbm>>) dst(%arg10 : memref<250x80xi32, #tpu.memory_space<vmem>>)
      tpu.yield
    }) : () -> ()
    "tpu.region"() ({
      %run_scoped3A = tpu.sem_alloc : memref<!tpu.dma_semaphore, #tpu.memory_space<semaphore_mem>>
      %dma_start3A = arith.constant 0 : i32
      %dma_start3A_13 = arith.constant 0 : i32
      %dma_start3A_14 = tpu.memref_slice %arg6[%arg1, %dma_start3A, %dma_start3A_13] : memref<16x250x80xf32, #tpu.memory_space<hbm>> -> memref<1x250x80xf32, #tpu.memory_space<hbm>>
      %dma_start3A_15 = tpu.memref_squeeze %dma_start3A_14 : memref<1x250x80xf32, #tpu.memory_space<hbm>> -> memref<250x80xf32, #tpu.memory_space<hbm>>
      %dma_start3A_16 = arith.constant 0 : i32
      %dma_start3A_17 = arith.constant 0 : i32
      %dma_start3A_18 = tpu.memref_slice %arg6[%arg1, %dma_start3A_16, %dma_start3A_17] : memref<16x250x80xf32, #tpu.memory_space<hbm>> -> memref<1x250x80xf32, #tpu.memory_space<hbm>>
      %dma_start3A_19 = tpu.memref_squeeze %dma_start3A_18 : memref<1x250x80xf32, #tpu.memory_space<hbm>> -> memref<250x80xf32, #tpu.memory_space<hbm>>
      tpu.enqueue_dma source(%dma_start3A_19 : memref<250x80xf32, #tpu.memory_space<hbm>>) target(%arg11 : memref<250x80xf32, #tpu.memory_space<vmem>>) target_semaphore(%run_scoped3A : memref<!tpu.dma_semaphore, #tpu.memory_space<semaphore_mem>>)
      %dma_wait3A = arith.constant 0 : i32
      %dma_wait3A_20 = arith.constant 0 : i32
      %dma_wait3A_21 = tpu.memref_slice %arg6[%arg1, %dma_wait3A, %dma_wait3A_20] : memref<16x250x80xf32, #tpu.memory_space<hbm>> -> memref<1x250x80xf32, #tpu.memory_space<hbm>>
      %dma_wait3A_22 = tpu.memref_squeeze %dma_wait3A_21 : memref<1x250x80xf32, #tpu.memory_space<hbm>> -> memref<250x80xf32, #tpu.memory_space<hbm>>
      %dma_wait3A_23 = arith.constant 0 : i32
      %dma_wait3A_24 = arith.constant 0 : i32
      %dma_wait3A_25 = tpu.memref_slice %arg6[%arg1, %dma_wait3A_23, %dma_wait3A_24] : memref<16x250x80xf32, #tpu.memory_space<hbm>> -> memref<1x250x80xf32, #tpu.memory_space<hbm>>
      %dma_wait3A_26 = tpu.memref_squeeze %dma_wait3A_25 : memref<1x250x80xf32, #tpu.memory_space<hbm>> -> memref<250x80xf32, #tpu.memory_space<hbm>>
      tpu.wait_dma2 semaphore(%run_scoped3A : memref<!tpu.dma_semaphore, #tpu.memory_space<semaphore_mem>>) src(%dma_wait3A_26 : memref<250x80xf32, #tpu.memory_space<hbm>>) dst(%arg11 : memref<250x80xf32, #tpu.memory_space<vmem>>)
      tpu.yield
    }) : () -> ()
    %barrier3A = arith.constant 0 : index
    tpu.barrier barrier_id(%barrier3A)
    %eq3A = arith.constant 0 : i32
    %eq3A_1 = arith.cmpi eq, %arg0, %eq3A : i32
    %convert_element_type3A = arith.extui %eq3A_1 : i1 to i32
    %cond3A = arith.constant 0 : i32
    %cond3A_2 = arith.cmpi ne, %convert_element_type3A, %cond3A : i32
    scf.if %cond3A_2 {
      %scan3A = arith.constant 0 : i32
      %scan3A_13 = arith.constant 0 : i32
      %scan3A_14 = arith.constant 250 : i32
      %scan3A_15 = arith.addi %scan3A_13, %scan3A_14 : i32
      %scan3A_16 = arith.constant 1 : i32
      scf.for %scan3A_18 = %scan3A_13 to %scan3A_15 step %scan3A_16  : i32 {
        %dma_start3A = arith.constant 0 : i32
        %dma_start3A_19 = tpu.memref_slice %arg9[%scan3A_18, %dma_start3A] : memref<250x80xi32, #tpu.memory_space<vmem>> -> memref<1x80xi32, #tpu.memory_space<vmem>>
        %dma_start3A_20 = tpu.memref_squeeze %dma_start3A_19 : memref<1x80xi32, #tpu.memory_space<vmem>> -> memref<80xi32, #tpu.memory_space<vmem>>
        %dma_start3A_21 = arith.constant 0 : i32
        %dma_start3A_22 = arith.constant 0 : i32
        %dma_start3A_23 = tpu.memref_slice %arg2[%dma_start3A_21, %dma_start3A_22] : memref<10000x32xf32, #tpu.memory_space<hbm>> -> memref<10000x32xf32, #tpu.memory_space<hbm>>
        tpu.enqueue_indirect_dma source(%dma_start3A_23 : memref<10000x32xf32, #tpu.memory_space<hbm>>) target(%arg12 : memref<80x32xf32, #tpu.memory_space<vmem>>) offsets(%dma_start3A_20 : memref<80xi32, #tpu.memory_space<vmem>>) semaphore(%arg14 : memref<!tpu.dma_semaphore, #tpu.memory_space<semaphore_mem>>)
        %dma_wait3A = arith.constant 0 : i32
        %dma_wait3A_24 = tpu.memref_slice %arg9[%scan3A_18, %dma_wait3A] : memref<250x80xi32, #tpu.memory_space<vmem>> -> memref<1x80xi32, #tpu.memory_space<vmem>>
        %dma_wait3A_25 = tpu.memref_squeeze %dma_wait3A_24 : memref<1x80xi32, #tpu.memory_space<vmem>> -> memref<80xi32, #tpu.memory_space<vmem>>
        %dma_wait3A_26 = arith.constant 0 : i32
        %dma_wait3A_27 = arith.constant 0 : i32
        %dma_wait3A_28 = tpu.memref_slice %arg2[%dma_wait3A_26, %dma_wait3A_27] : memref<10000x32xf32, #tpu.memory_space<hbm>> -> memref<10000x32xf32, #tpu.memory_space<hbm>>
        tpu.wait_indirect_dma semaphore(%arg14 : memref<!tpu.dma_semaphore, #tpu.memory_space<semaphore_mem>>) src(%dma_wait3A_28 : memref<10000x32xf32, #tpu.memory_space<hbm>>) dst(%arg12 : memref<80x32xf32, #tpu.memory_space<vmem>>)
        %scan3A_29 = arith.constant 0 : i32
        %scan3A_30 = arith.constant 0 : i32
        %scan3A_31 = arith.constant 80 : i32
        %scan3A_32 = arith.addi %scan3A_30, %scan3A_31 : i32
        %scan3A_33 = arith.constant 1 : i32
        scf.for %scan3A_35 = %scan3A_30 to %scan3A_32 step %scan3A_33  : i32 {
          %broadcast_in_dim3A = vector.broadcast %scan3A_18 : i32 to vector<16xi32>
          %broadcast_in_dim3A_36 = vector.broadcast %scan3A_35 : i32 to vector<16xi32>
          %gather3A = tpu.vector_load_idx %arg11[%broadcast_in_dim3A, %broadcast_in_dim3A_36] : memref<250x80xf32, #tpu.memory_space<vmem>>[vector<16xi32>, vector<16xi32>], vector<16xf32>,
          %get3A = arith.index_cast %scan3A_35 : i32 to index
          %get3A_37 = arith.constant 0 : index
          %get3A_38 = tpu.vector_load %arg12[%get3A, %get3A_37] {strides = array<i32>} : memref<80x32xf32, #tpu.memory_space<vmem>>, vector<16xf32>,
          %mul3A_39 = arith.mulf %get3A_38, %gather3A : vector<16xf32>
          %swap3A = arith.index_cast %scan3A_35 : i32 to index
          %swap3A_40 = arith.constant 0 : index
          %swap3A_41 = tpu.vector_load %arg12[%swap3A, %swap3A_40] {strides = array<i32>} : memref<80x32xf32, #tpu.memory_space<vmem>>, vector<16xf32>,
          tpu.vector_store %arg12[%swap3A, %swap3A_40], %mul3A_39 {strides = array<i32>} : memref<80x32xf32, #tpu.memory_space<vmem>>, vector<16xf32>,
          %get3A_42 = arith.index_cast %scan3A_35 : i32 to index
          %get3A_43 = arith.constant 16 : index
          %get3A_44 = tpu.vector_load %arg12[%get3A_42, %get3A_43] {strides = array<i32>} : memref<80x32xf32, #tpu.memory_space<vmem>>, vector<16xf32>,
          %mul3A_45 = arith.mulf %get3A_44, %gather3A : vector<16xf32>
          %swap3A_46 = arith.index_cast %scan3A_35 : i32 to index
          %swap3A_47 = arith.constant 16 : index
          %swap3A_48 = tpu.vector_load %arg12[%swap3A_46, %swap3A_47] {strides = array<i32>} : memref<80x32xf32, #tpu.memory_space<vmem>>, vector<16xf32>,
          tpu.vector_store %arg12[%swap3A_46, %swap3A_47], %mul3A_45 {strides = array<i32>} : memref<80x32xf32, #tpu.memory_space<vmem>>, vector<16xf32>,
        }
        %scan3A_34 = arith.constant 80 : i32
        "tpu.region"() ({
          %run_scoped3A = tpu.sem_alloc : memref<!tpu.dma_semaphore, #tpu.memory_space<semaphore_mem>>
          %dma_start3A_35 = arith.constant 0 : i32
          %dma_start3A_36 = tpu.memref_slice %arg10[%scan3A_18, %dma_start3A_35] : memref<250x80xi32, #tpu.memory_space<vmem>> -> memref<1x80xi32, #tpu.memory_space<vmem>>
          %dma_start3A_37 = tpu.memref_squeeze %dma_start3A_36 : memref<1x80xi32, #tpu.memory_space<vmem>> -> memref<80xi32, #tpu.memory_space<vmem>>
          %dma_start3A_38 = arith.constant 0 : i32
          %dma_start3A_39 = arith.constant 0 : i32
          %dma_start3A_40 = tpu.memref_slice %arg13[%dma_start3A_38, %dma_start3A_39] : memref<10240x32xf32, #tpu.memory_space<vmem_shared>> -> memref<10240x32xf32, #tpu.memory_space<vmem_shared>>
          tpu.enqueue_indirect_dma source(%arg12 : memref<80x32xf32, #tpu.memory_space<vmem>>) target(%dma_start3A_40 : memref<10240x32xf32, #tpu.memory_space<vmem_shared>>) offsets(%dma_start3A_37 : memref<80xi32, #tpu.memory_space<vmem>>) semaphore(%run_scoped3A : memref<!tpu.dma_semaphore, #tpu.memory_space<semaphore_mem>>) {add = true}
          %dma_wait3A_41 = arith.constant 0 : i32
          %dma_wait3A_42 = tpu.memref_slice %arg10[%scan3A_18, %dma_wait3A_41] : memref<250x80xi32, #tpu.memory_space<vmem>> -> memref<1x80xi32, #tpu.memory_space<vmem>>
          %dma_wait3A_43 = tpu.memref_squeeze %dma_wait3A_42 : memref<1x80xi32, #tpu.memory_space<vmem>> -> memref<80xi32, #tpu.memory_space<vmem>>
          %dma_wait3A_44 = arith.constant 0 : i32
          %dma_wait3A_45 = arith.constant 0 : i32
          %dma_wait3A_46 = tpu.memref_slice %arg13[%dma_wait3A_44, %dma_wait3A_45] : memref<10240x32xf32, #tpu.memory_space<vmem_shared>> -> memref<10240x32xf32, #tpu.memory_space<vmem_shared>>
          tpu.wait_indirect_dma semaphore(%run_scoped3A : memref<!tpu.dma_semaphore, #tpu.memory_space<semaphore_mem>>) src(%arg12 : memref<80x32xf32, #tpu.memory_space<vmem>>) dst(%dma_wait3A_46 : memref<10240x32xf32, #tpu.memory_space<vmem_shared>>)
          tpu.yield
        }) : () -> ()
      }
      %scan3A_17 = arith.constant 250 : i32
    } else {
    }
    %eq3A_3 = arith.constant 1 : i32
    %eq3A_4 = arith.cmpi eq, %arg0, %eq3A_3 : i32
    %convert_element_type3A_5 = arith.extui %eq3A_4 : i1 to i32
    %cond3A_6 = arith.constant 0 : i32
    %cond3A_7 = arith.cmpi ne, %convert_element_type3A_5, %cond3A_6 : i32
    scf.if %cond3A_7 {
      %scan3A = arith.constant 0 : i32
      %scan3A_13 = arith.constant 0 : i32
      %scan3A_14 = arith.constant 250 : i32
      %scan3A_15 = arith.addi %scan3A_13, %scan3A_14 : i32
      %scan3A_16 = arith.constant 1 : i32
      scf.for %scan3A_18 = %scan3A_13 to %scan3A_15 step %scan3A_16  : i32 {
        %dma_start3A = arith.constant 0 : i32
        %dma_start3A_19 = tpu.memref_slice %arg9[%scan3A_18, %dma_start3A] : memref<250x80xi32, #tpu.memory_space<vmem>> -> memref<1x80xi32, #tpu.memory_space<vmem>>
        %dma_start3A_20 = tpu.memref_squeeze %dma_start3A_19 : memref<1x80xi32, #tpu.memory_space<vmem>> -> memref<80xi32, #tpu.memory_space<vmem>>
        %dma_start3A_21 = arith.constant 0 : i32
        %dma_start3A_22 = arith.constant 0 : i32
        %dma_start3A_23 = tpu.memref_slice %arg3[%dma_start3A_21, %dma_start3A_22] : memref<10000x32xf32, #tpu.memory_space<hbm>> -> memref<10000x32xf32, #tpu.memory_space<hbm>>
        tpu.enqueue_indirect_dma source(%dma_start3A_23 : memref<10000x32xf32, #tpu.memory_space<hbm>>) target(%arg12 : memref<80x32xf32, #tpu.memory_space<vmem>>) offsets(%dma_start3A_20 : memref<80xi32, #tpu.memory_space<vmem>>) semaphore(%arg14 : memref<!tpu.dma_semaphore, #tpu.memory_space<semaphore_mem>>)
        %dma_wait3A = arith.constant 0 : i32
        %dma_wait3A_24 = tpu.memref_slice %arg9[%scan3A_18, %dma_wait3A] : memref<250x80xi32, #tpu.memory_space<vmem>> -> memref<1x80xi32, #tpu.memory_space<vmem>>
        %dma_wait3A_25 = tpu.memref_squeeze %dma_wait3A_24 : memref<1x80xi32, #tpu.memory_space<vmem>> -> memref<80xi32, #tpu.memory_space<vmem>>
        %dma_wait3A_26 = arith.constant 0 : i32
        %dma_wait3A_27 = arith.constant 0 : i32
        %dma_wait3A_28 = tpu.memref_slice %arg3[%dma_wait3A_26, %dma_wait3A_27] : memref<10000x32xf32, #tpu.memory_space<hbm>> -> memref<10000x32xf32, #tpu.memory_space<hbm>>
        tpu.wait_indirect_dma semaphore(%arg14 : memref<!tpu.dma_semaphore, #tpu.memory_space<semaphore_mem>>) src(%dma_wait3A_28 : memref<10000x32xf32, #tpu.memory_space<hbm>>) dst(%arg12 : memref<80x32xf32, #tpu.memory_space<vmem>>)
        %scan3A_29 = arith.constant 0 : i32
        %scan3A_30 = arith.constant 0 : i32
        %scan3A_31 = arith.constant 80 : i32
        %scan3A_32 = arith.addi %scan3A_30, %scan3A_31 : i32
        %scan3A_33 = arith.constant 1 : i32
        scf.for %scan3A_35 = %scan3A_30 to %scan3A_32 step %scan3A_33  : i32 {
          %broadcast_in_dim3A = vector.broadcast %scan3A_18 : i32 to vector<16xi32>
          %broadcast_in_dim3A_36 = vector.broadcast %scan3A_35 : i32 to vector<16xi32>
          %gather3A = tpu.vector_load_idx %arg11[%broadcast_in_dim3A, %broadcast_in_dim3A_36] : memref<250x80xf32, #tpu.memory_space<vmem>>[vector<16xi32>, vector<16xi32>], vector<16xf32>,
          %get3A = arith.index_cast %scan3A_35 : i32 to index
          %get3A_37 = arith.constant 0 : index
          %get3A_38 = tpu.vector_load %arg12[%get3A, %get3A_37] {strides = array<i32>} : memref<80x32xf32, #tpu.memory_space<vmem>>, vector<16xf32>,
          %mul3A_39 = arith.mulf %get3A_38, %gather3A : vector<16xf32>
          %swap3A = arith.index_cast %scan3A_35 : i32 to index
          %swap3A_40 = arith.constant 0 : index
          %swap3A_41 = tpu.vector_load %arg12[%swap3A, %swap3A_40] {strides = array<i32>} : memref<80x32xf32, #tpu.memory_space<vmem>>, vector<16xf32>,
          tpu.vector_store %arg12[%swap3A, %swap3A_40], %mul3A_39 {strides = array<i32>} : memref<80x32xf32, #tpu.memory_space<vmem>>, vector<16xf32>,
          %get3A_42 = arith.index_cast %scan3A_35 : i32 to index
          %get3A_43 = arith.constant 16 : index
          %get3A_44 = tpu.vector_load %arg12[%get3A_42, %get3A_43] {strides = array<i32>} : memref<80x32xf32, #tpu.memory_space<vmem>>, vector<16xf32>,
          %mul3A_45 = arith.mulf %get3A_44, %gather3A : vector<16xf32>
          %swap3A_46 = arith.index_cast %scan3A_35 : i32 to index
          %swap3A_47 = arith.constant 16 : index
          %swap3A_48 = tpu.vector_load %arg12[%swap3A_46, %swap3A_47] {strides = array<i32>} : memref<80x32xf32, #tpu.memory_space<vmem>>, vector<16xf32>,
          tpu.vector_store %arg12[%swap3A_46, %swap3A_47], %mul3A_45 {strides = array<i32>} : memref<80x32xf32, #tpu.memory_space<vmem>>, vector<16xf32>,
        }
        %scan3A_34 = arith.constant 80 : i32
        "tpu.region"() ({
          %run_scoped3A = tpu.sem_alloc : memref<!tpu.dma_semaphore, #tpu.memory_space<semaphore_mem>>
          %dma_start3A_35 = arith.constant 0 : i32
          %dma_start3A_36 = tpu.memref_slice %arg10[%scan3A_18, %dma_start3A_35] : memref<250x80xi32, #tpu.memory_space<vmem>> -> memref<1x80xi32, #tpu.memory_space<vmem>>
          %dma_start3A_37 = tpu.memref_squeeze %dma_start3A_36 : memref<1x80xi32, #tpu.memory_space<vmem>> -> memref<80xi32, #tpu.memory_space<vmem>>
          %dma_start3A_38 = arith.constant 0 : i32
          %dma_start3A_39 = arith.constant 0 : i32
          %dma_start3A_40 = tpu.memref_slice %arg13[%dma_start3A_38, %dma_start3A_39] : memref<10240x32xf32, #tpu.memory_space<vmem_shared>> -> memref<10240x32xf32, #tpu.memory_space<vmem_shared>>
          tpu.enqueue_indirect_dma source(%arg12 : memref<80x32xf32, #tpu.memory_space<vmem>>) target(%dma_start3A_40 : memref<10240x32xf32, #tpu.memory_space<vmem_shared>>) offsets(%dma_start3A_37 : memref<80xi32, #tpu.memory_space<vmem>>) semaphore(%run_scoped3A : memref<!tpu.dma_semaphore, #tpu.memory_space<semaphore_mem>>) {add = true}
          %dma_wait3A_41 = arith.constant 0 : i32
          %dma_wait3A_42 = tpu.memref_slice %arg10[%scan3A_18, %dma_wait3A_41] : memref<250x80xi32, #tpu.memory_space<vmem>> -> memref<1x80xi32, #tpu.memory_space<vmem>>
          %dma_wait3A_43 = tpu.memref_squeeze %dma_wait3A_42 : memref<1x80xi32, #tpu.memory_space<vmem>> -> memref<80xi32, #tpu.memory_space<vmem>>
          %dma_wait3A_44 = arith.constant 0 : i32
          %dma_wait3A_45 = arith.constant 0 : i32
          %dma_wait3A_46 = tpu.memref_slice %arg13[%dma_wait3A_44, %dma_wait3A_45] : memref<10240x32xf32, #tpu.memory_space<vmem_shared>> -> memref<10240x32xf32, #tpu.memory_space<vmem_shared>>
          tpu.wait_indirect_dma semaphore(%run_scoped3A : memref<!tpu.dma_semaphore, #tpu.memory_space<semaphore_mem>>) src(%arg12 : memref<80x32xf32, #tpu.memory_space<vmem>>) dst(%dma_wait3A_46 : memref<10240x32xf32, #tpu.memory_space<vmem_shared>>)
          tpu.yield
        }) : () -> ()
      }
      %scan3A_17 = arith.constant 250 : i32
    } else {
    }
    %barrier3A_8 = arith.constant 0 : index
    tpu.barrier barrier_id(%barrier3A_8)
    %mul3A_9 = arith.constant 640 : i32
    %mul3A_10 = arith.muli %arg1, %mul3A_9 : i32
    %mul3A_11 = arith.constant 640 : i32
    %mul3A_12 = arith.muli %arg1, %mul3A_11 : i32
    "tpu.region"() ({
      %run_scoped3A = tpu.sem_alloc : memref<!tpu.dma_semaphore, #tpu.memory_space<semaphore_mem>>
      %dma_start3A = arith.constant 0 : i32
      %dma_start3A_13 = tpu.memref_slice %arg8[%arg0, %mul3A_12, %dma_start3A] : memref<2x10240x32xf32, #tpu.memory_space<hbm>> -> memref<1x640x32xf32, #tpu.memory_space<hbm>>
      %dma_start3A_14 = tpu.memref_squeeze %dma_start3A_13 : memref<1x640x32xf32, #tpu.memory_space<hbm>> -> memref<640x32xf32, #tpu.memory_space<hbm>>
      %dma_start3A_15 = arith.constant 0 : i32
      %dma_start3A_16 = tpu.memref_slice %arg13[%mul3A_10, %dma_start3A_15] : memref<10240x32xf32, #tpu.memory_space<vmem_shared>> -> memref<640x32xf32, #tpu.memory_space<vmem_shared>>
      tpu.enqueue_dma source(%dma_start3A_16 : memref<640x32xf32, #tpu.memory_space<vmem_shared>>) target(%dma_start3A_14 : memref<640x32xf32, #tpu.memory_space<hbm>>) target_semaphore(%run_scoped3A : memref<!tpu.dma_semaphore, #tpu.memory_space<semaphore_mem>>)
      %dma_wait3A = arith.constant 0 : i32
      %dma_wait3A_17 = tpu.memref_slice %arg8[%arg0, %mul3A_12, %dma_wait3A] : memref<2x10240x32xf32, #tpu.memory_space<hbm>> -> memref<1x640x32xf32, #tpu.memory_space<hbm>>
      %dma_wait3A_18 = tpu.memref_squeeze %dma_wait3A_17 : memref<1x640x32xf32, #tpu.memory_space<hbm>> -> memref<640x32xf32, #tpu.memory_space<hbm>>
      %dma_wait3A_19 = arith.constant 0 : i32
      %dma_wait3A_20 = tpu.memref_slice %arg13[%mul3A_10, %dma_wait3A_19] : memref<10240x32xf32, #tpu.memory_space<vmem_shared>> -> memref<640x32xf32, #tpu.memory_space<vmem_shared>>
      tpu.wait_dma2 semaphore(%run_scoped3A : memref<!tpu.dma_semaphore, #tpu.memory_space<semaphore_mem>>) src(%dma_wait3A_20 : memref<640x32xf32, #tpu.memory_space<vmem_shared>>) dst(%dma_wait3A_18 : memref<640x32xf32, #tpu.memory_space<hbm>>)
      tpu.yield
    }) : () -> ()
    return
  }
}

module attributes {stable_mosaic.version = 14 : i64} {
  func.func @_tc_dinv_kern(%arg0: memref<2x10240xf32, #tpu.memory_space<vmem>>, %arg1: memref<1x10240xf32, #tpu.memory_space<vmem>>) attributes {dimension_semantics = [], scalar_prefetch = 0 : i64, scratch_operands = 0 : i64, tpu.core_type = #tpu.core_type<tc>} {
    %get3A = arith.constant 0 : index
    %get3A_0 = arith.constant 0 : index
    %get3A_1 = vector.load %arg0[%get3A, %get3A_0] : memref<2x10240xf32, #tpu.memory_space<vmem>>, vector<1x10240xf32>
    %add3A = arith.constant 1.000000e+00 : f32
    %add3A_2 = vector.broadcast %add3A : f32 to vector<1x10240xf32>
    %add3A_3 = arith.addf %add3A_2, %get3A_1 : vector<1x10240xf32>
    %get3A_4 = arith.constant 1 : index
    %get3A_5 = arith.constant 0 : index
    %get3A_6 = vector.load %arg0[%get3A_4, %get3A_5] : memref<2x10240xf32, #tpu.memory_space<vmem>>, vector<1x10240xf32>
    %add3A_7 = arith.addf %add3A_3, %get3A_6 : vector<1x10240xf32>
    %rsqrt3A = math.rsqrt %add3A_7 : vector<1x10240xf32>
    %swap3A = arith.constant 0 : index
    %swap3A_8 = arith.constant 0 : index
    %swap3A_9 = vector.load %arg1[%swap3A, %swap3A_8] : memref<1x10240xf32, #tpu.memory_space<vmem>>, vector<1x10240xf32>
    tpu.vector_store %arg1[%swap3A, %swap3A_8], %rsqrt3A {strides = array<i32>} : memref<1x10240xf32, #tpu.memory_space<vmem>>, vector<1x10240xf32>,
    return
  }
}

module attributes {stable_mosaic.version = 14 : i64} {
  func.func @_tc_a_kern(%arg0: i32, %arg1: memref<2000x128xf32, #tpu.memory_space<vmem>>, %arg2: memref<2x2000x64xf32, #tpu.memory_space<vmem>>, %arg3: memref<2000x1xf32, #tpu.memory_space<vmem>>, %arg4: memref<128x128xf32, #tpu.memory_space<vmem>>, %arg5: memref<1x128xf32, #tpu.memory_space<vmem>>, %arg6: memref<128x128xf32, #tpu.memory_space<vmem>>, %arg7: memref<2000x64xf32, #tpu.memory_space<vmem>>, %arg8: memref<2000x64xf32, #tpu.memory_space<vmem>>) attributes {dimension_semantics = [#tpu.dimension_semantics<arbitrary>], iteration_bounds = array<i64: 5>, scalar_prefetch = 0 : i64, scratch_operands = 0 : i64, tpu.core_type = #tpu.core_type<tc>, window_params = [{transform_indices = @transform_0, window_bounds = array<i64: 2000, 128>}, {transform_indices = @transform_1, window_bounds = array<i64: 2, 2000, 64>}, {transform_indices = @transform_2, window_bounds = array<i64: 2000, 1>}, {pipeline_mode = #tpu.pipeline_mode<synchronous>, transform_indices = @transform_3, window_bounds = array<i64: 128, 128>}, {pipeline_mode = #tpu.pipeline_mode<synchronous>, transform_indices = @transform_4, window_bounds = array<i64: 1, 128>}, {pipeline_mode = #tpu.pipeline_mode<synchronous>, transform_indices = @transform_5, window_bounds = array<i64: 128, 128>}, {transform_indices = @transform_6, window_bounds = array<i64: 2000, 64>}, {transform_indices = @transform_7, window_bounds = array<i64: 2000, 64>}]} {
    %get3A = arith.constant 0 : index
    %get3A_0 = arith.constant 0 : index
    %get3A_1 = vector.load %arg1[%get3A, %get3A_0] : memref<2000x128xf32, #tpu.memory_space<vmem>>, vector<2000x128xf32>
    %get3A_2 = arith.constant 0 : index
    %get3A_3 = arith.constant 0 : index
    %get3A_4 = vector.load %arg3[%get3A_2, %get3A_3] : memref<2000x1xf32, #tpu.memory_space<vmem>>, vector<2000x1xf32>
    %mul3A = arith.constant 1.000000e-01 : f32
    %mul3A_5 = vector.broadcast %mul3A : f32 to vector<2000x1xf32>
    %mul3A_6 = arith.mulf %mul3A_5, %get3A_4 : vector<2000x1xf32>
    %mul3A_7 = arith.mulf %mul3A_6, %get3A_4 : vector<2000x1xf32>
    %add3A = arith.constant 0.899999976 : f32
    %add3A_8 = vector.broadcast %add3A : f32 to vector<2000x1xf32>
    %add3A_9 = arith.addf %add3A_8, %mul3A_7 : vector<2000x1xf32>
    %get3A_10 = arith.constant 0 : index
    %get3A_11 = arith.constant 0 : index
    %get3A_12 = arith.constant 0 : index
    %get3A_13 = vector.load %arg2[%get3A_10, %get3A_11, %get3A_12] : memref<2x2000x64xf32, #tpu.memory_space<vmem>>, vector<1x2000x64xf32>
    %get3A_14 = vector.shape_cast %get3A_13 : vector<1x2000x64xf32> to vector<2000x64xf32>
    %get3A_15 = arith.constant 1 : index
    %get3A_16 = arith.constant 0 : index
    %get3A_17 = arith.constant 0 : index
    %get3A_18 = vector.load %arg2[%get3A_15, %get3A_16, %get3A_17] : memref<2x2000x64xf32, #tpu.memory_space<vmem>>, vector<1x2000x64xf32>
    %get3A_19 = vector.shape_cast %get3A_18 : vector<1x2000x64xf32> to vector<2000x64xf32>
    %concatenate3A = tpu.concatenate %get3A_14, %get3A_19 in 1 : vector<2000x64xf32>, vector<2000x64xf32> -> vector<2000x128xf32>
    %mul3A_20 = vector.broadcast %add3A_9 : vector<2000x1xf32> to vector<2000x128xf32>
    %mul3A_21 = arith.mulf %mul3A_20, %get3A_1 : vector<2000x128xf32>
    %mul3A_22 = arith.constant 1.000000e-01 : f32
    %mul3A_23 = vector.broadcast %mul3A_22 : f32 to vector<2000x128xf32>
    %mul3A_24 = arith.mulf %mul3A_23, %concatenate3A : vector<2000x128xf32>
    %add3A_25 = arith.addf %mul3A_21, %mul3A_24 : vector<2000x128xf32>
    %get3A_26 = arith.constant 0 : index
    %get3A_27 = arith.constant 0 : index
    %get3A_28 = vector.load %arg4[%get3A_26, %get3A_27] : memref<128x128xf32, #tpu.memory_space<vmem>>, vector<128x128xf32>
    %dot_general3A = arith.constant dense<0.000000e+00> : vector<2000x128xf32>
    %dot_general3A_29 = tpu.matmul %add3A_25, %get3A_28, %dot_general3A {dimension_numbers = #tpu.dot_dimension_numbers<[1], [0], [0], [1], [0, 0, 1, 1], [], []>, precision = #tpu.contract_precision<fp32>, transpose_lhs_hint = false} : vector<2000x128xf32>, vector<128x128xf32>, vector<2000x128xf32> -> vector<2000x128xf32>
    %get3A_30 = arith.constant 0 : index
    %get3A_31 = arith.constant 0 : index
    %get3A_32 = vector.load %arg5[%get3A_30, %get3A_31] : memref<1x128xf32, #tpu.memory_space<vmem>>, vector<1x128xf32>
    %add3A_33 = vector.broadcast %get3A_32 : vector<1x128xf32> to vector<2000x128xf32>
    %add3A_34 = arith.addf %dot_general3A_29, %add3A_33 : vector<2000x128xf32>
    %gt3A = arith.constant 0.000000e+00 : f32
    %gt3A_35 = vector.broadcast %gt3A : f32 to vector<2000x128xf32>
    %gt3A_36 = arith.cmpf ogt, %add3A_34, %gt3A_35 : vector<2000x128xf32>
    %min3A = arith.constant 0.000000e+00 : f32
    %min3A_37 = vector.broadcast %min3A : f32 to vector<2000x128xf32>
    %min3A_38 = arith.minimumf %add3A_34, %min3A_37 : vector<2000x128xf32>
    %exp3A = math.exp %min3A_38 : vector<2000x128xf32>
    %sub3A = arith.constant 1.000000e+00 : f32
    %sub3A_39 = vector.broadcast %sub3A : f32 to vector<2000x128xf32>
    %sub3A_40 = arith.subf %exp3A, %sub3A_39 : vector<2000x128xf32>
    %select_n3A = arith.select %gt3A_36, %add3A_34, %sub3A_40 : vector<2000x128xi1>, vector<2000x128xf32>
    %get3A_41 = arith.constant 0 : index
    %get3A_42 = arith.constant 0 : index
    %get3A_43 = vector.load %arg6[%get3A_41, %get3A_42] : memref<128x128xf32, #tpu.memory_space<vmem>>, vector<128x128xf32>
    %dot_general3A_44 = arith.constant dense<0.000000e+00> : vector<2000x128xf32>
    %dot_general3A_45 = tpu.matmul %select_n3A, %get3A_43, %dot_general3A_44 {dimension_numbers = #tpu.dot_dimension_numbers<[1], [0], [0], [1], [0, 0, 1, 1], [], []>, precision = #tpu.contract_precision<fp32>, transpose_lhs_hint = false} : vector<2000x128xf32>, vector<128x128xf32>, vector<2000x128xf32> -> vector<2000x128xf32>
    %slice3A = vector.extract_strided_slice %dot_general3A_45 {offsets = [0, 0], sizes = [2000, 64], strides = [1, 1]} : vector<2000x128xf32> to vector<2000x64xf32>
    %swap3A = arith.constant 0 : index
    %swap3A_46 = arith.constant 0 : index
    %swap3A_47 = vector.load %arg7[%swap3A, %swap3A_46] : memref<2000x64xf32, #tpu.memory_space<vmem>>, vector<2000x64xf32>
    tpu.vector_store %arg7[%swap3A, %swap3A_46], %slice3A {strides = array<i32>} : memref<2000x64xf32, #tpu.memory_space<vmem>>, vector<2000x64xf32>,
    %slice3A_48 = vector.extract_strided_slice %dot_general3A_45 {offsets = [0, 64], sizes = [2000, 64], strides = [1, 1]} : vector<2000x128xf32> to vector<2000x64xf32>
    %swap3A_49 = arith.constant 0 : index
    %swap3A_50 = arith.constant 0 : index
    %swap3A_51 = vector.load %arg8[%swap3A_49, %swap3A_50] : memref<2000x64xf32, #tpu.memory_space<vmem>>, vector<2000x64xf32>
    tpu.vector_store %arg8[%swap3A_49, %swap3A_50], %slice3A_48 {strides = array<i32>} : memref<2000x64xf32, #tpu.memory_space<vmem>>, vector<2000x64xf32>,
    return
  }
  func.func @transform_0(%arg0: i32) -> (i32, i32) {
    %c0_i32 = arith.constant 0 : i32
    %c0_i32_0 = arith.constant 0 : i32
    return %arg0, %c0_i32 : i32, i32
  }
  func.func @transform_1(%arg0: i32) -> (i32, i32, i32) {
    %c0_i32 = arith.constant 0 : i32
    %c0_i32_0 = arith.constant 0 : i32
    %c0_i32_1 = arith.constant 0 : i32
    return %c0_i32, %arg0, %c0_i32_0 : i32, i32, i32
  }
  func.func @transform_2(%arg0: i32) -> (i32, i32) {
    %c0_i32 = arith.constant 0 : i32
    %c0_i32_0 = arith.constant 0 : i32
    return %arg0, %c0_i32 : i32, i32
  }
  func.func @transform_3(%arg0: i32) -> (i32, i32) {
    %c0_i32 = arith.constant 0 : i32
    %c0_i32_0 = arith.constant 0 : i32
    %c0_i32_1 = arith.constant 0 : i32
    return %c0_i32, %c0_i32_0 : i32, i32
  }
  func.func @transform_4(%arg0: i32) -> (i32, i32) {
    %c0_i32 = arith.constant 0 : i32
    %c0_i32_0 = arith.constant 0 : i32
    %c0_i32_1 = arith.constant 0 : i32
    return %c0_i32, %c0_i32_0 : i32, i32
  }
  func.func @transform_5(%arg0: i32) -> (i32, i32) {
    %c0_i32 = arith.constant 0 : i32
    %c0_i32_0 = arith.constant 0 : i32
    %c0_i32_1 = arith.constant 0 : i32
    return %c0_i32, %c0_i32_0 : i32, i32
  }
  func.func @transform_6(%arg0: i32) -> (i32, i32) {
    %c0_i32 = arith.constant 0 : i32
    %c0_i32_0 = arith.constant 0 : i32
    return %arg0, %c0_i32 : i32, i32
  }
  func.func @transform_7(%arg0: i32) -> (i32, i32) {
    %c0_i32 = arith.constant 0 : i32
    %c0_i32_0 = arith.constant 0 : i32
    return %arg0, %c0_i32 : i32, i32
  }
}

module attributes {stable_mosaic.version = 14 : i64} {
  func.func @_tc_b_kern(%arg0: i32, %arg1: memref<2000x64xf32, #tpu.memory_space<vmem>>, %arg2: memref<2000x64xf32, #tpu.memory_space<vmem>>, %arg3: memref<2x2000x64xf32, #tpu.memory_space<vmem>>, %arg4: memref<2000x1xf32, #tpu.memory_space<vmem>>, %arg5: memref<1x128xf32, #tpu.memory_space<vmem>>, %arg6: memref<128x64xf32, #tpu.memory_space<vmem>>, %arg7: memref<2000x32xf32, #tpu.memory_space<vmem>>, %arg8: memref<2000x32xf32, #tpu.memory_space<vmem>>) attributes {dimension_semantics = [#tpu.dimension_semantics<arbitrary>], iteration_bounds = array<i64: 5>, scalar_prefetch = 0 : i64, scratch_operands = 0 : i64, tpu.core_type = #tpu.core_type<tc>, window_params = [{transform_indices = @transform_0, window_bounds = array<i64: 2000, 64>}, {transform_indices = @transform_1, window_bounds = array<i64: 2000, 64>}, {transform_indices = @transform_2, window_bounds = array<i64: 2, 2000, 64>}, {transform_indices = @transform_3, window_bounds = array<i64: 2000, 1>}, {pipeline_mode = #tpu.pipeline_mode<synchronous>, transform_indices = @transform_4, window_bounds = array<i64: 1, 128>}, {pipeline_mode = #tpu.pipeline_mode<synchronous>, transform_indices = @transform_5, window_bounds = array<i64: 128, 64>}, {transform_indices = @transform_6, window_bounds = array<i64: 2000, 32>}, {transform_indices = @transform_7, window_bounds = array<i64: 2000, 32>}]} {
    %get3A = arith.constant 0 : index
    %get3A_0 = arith.constant 0 : index
    %get3A_1 = vector.load %arg1[%get3A, %get3A_0] : memref<2000x64xf32, #tpu.memory_space<vmem>>, vector<2000x64xf32>
    %get3A_2 = arith.constant 0 : index
    %get3A_3 = arith.constant 0 : index
    %get3A_4 = vector.load %arg2[%get3A_2, %get3A_3] : memref<2000x64xf32, #tpu.memory_space<vmem>>, vector<2000x64xf32>
    %concatenate3A = tpu.concatenate %get3A_1, %get3A_4 in 1 : vector<2000x64xf32>, vector<2000x64xf32> -> vector<2000x128xf32>
    %get3A_5 = arith.constant 0 : index
    %get3A_6 = arith.constant 0 : index
    %get3A_7 = vector.load %arg4[%get3A_5, %get3A_6] : memref<2000x1xf32, #tpu.memory_space<vmem>>, vector<2000x1xf32>
    %mul3A = arith.constant 1.000000e-01 : f32
    %mul3A_8 = vector.broadcast %mul3A : f32 to vector<2000x1xf32>
    %mul3A_9 = arith.mulf %mul3A_8, %get3A_7 : vector<2000x1xf32>
    %mul3A_10 = arith.mulf %mul3A_9, %get3A_7 : vector<2000x1xf32>
    %add3A = arith.constant 0.899999976 : f32
    %add3A_11 = vector.broadcast %add3A : f32 to vector<2000x1xf32>
    %add3A_12 = arith.addf %add3A_11, %mul3A_10 : vector<2000x1xf32>
    %get3A_13 = arith.constant 0 : index
    %get3A_14 = arith.constant 0 : index
    %get3A_15 = arith.constant 0 : index
    %get3A_16 = vector.load %arg3[%get3A_13, %get3A_14, %get3A_15] : memref<2x2000x64xf32, #tpu.memory_space<vmem>>, vector<1x2000x64xf32>
    %get3A_17 = vector.shape_cast %get3A_16 : vector<1x2000x64xf32> to vector<2000x64xf32>
    %get3A_18 = arith.constant 1 : index
    %get3A_19 = arith.constant 0 : index
    %get3A_20 = arith.constant 0 : index
    %get3A_21 = vector.load %arg3[%get3A_18, %get3A_19, %get3A_20] : memref<2x2000x64xf32, #tpu.memory_space<vmem>>, vector<1x2000x64xf32>
    %get3A_22 = vector.shape_cast %get3A_21 : vector<1x2000x64xf32> to vector<2000x64xf32>
    %concatenate3A_23 = tpu.concatenate %get3A_17, %get3A_22 in 1 : vector<2000x64xf32>, vector<2000x64xf32> -> vector<2000x128xf32>
    %mul3A_24 = vector.broadcast %add3A_12 : vector<2000x1xf32> to vector<2000x128xf32>
    %mul3A_25 = arith.mulf %mul3A_24, %concatenate3A : vector<2000x128xf32>
    %mul3A_26 = arith.constant 1.000000e-01 : f32
    %mul3A_27 = vector.broadcast %mul3A_26 : f32 to vector<2000x128xf32>
    %mul3A_28 = arith.mulf %mul3A_27, %concatenate3A_23 : vector<2000x128xf32>
    %add3A_29 = arith.addf %mul3A_25, %mul3A_28 : vector<2000x128xf32>
    %get3A_30 = arith.constant 0 : index
    %get3A_31 = arith.constant 0 : index
    %get3A_32 = vector.load %arg5[%get3A_30, %get3A_31] : memref<1x128xf32, #tpu.memory_space<vmem>>, vector<1x128xf32>
    %add3A_33 = vector.broadcast %get3A_32 : vector<1x128xf32> to vector<2000x128xf32>
    %add3A_34 = arith.addf %add3A_29, %add3A_33 : vector<2000x128xf32>
    %gt3A = arith.constant 0.000000e+00 : f32
    %gt3A_35 = vector.broadcast %gt3A : f32 to vector<2000x128xf32>
    %gt3A_36 = arith.cmpf ogt, %add3A_34, %gt3A_35 : vector<2000x128xf32>
    %min3A = arith.constant 0.000000e+00 : f32
    %min3A_37 = vector.broadcast %min3A : f32 to vector<2000x128xf32>
    %min3A_38 = arith.minimumf %add3A_34, %min3A_37 : vector<2000x128xf32>
    %exp3A = math.exp %min3A_38 : vector<2000x128xf32>
    %sub3A = arith.constant 1.000000e+00 : f32
    %sub3A_39 = vector.broadcast %sub3A : f32 to vector<2000x128xf32>
    %sub3A_40 = arith.subf %exp3A, %sub3A_39 : vector<2000x128xf32>
    %select_n3A = arith.select %gt3A_36, %add3A_34, %sub3A_40 : vector<2000x128xi1>, vector<2000x128xf32>
    %get3A_41 = arith.constant 0 : index
    %get3A_42 = arith.constant 0 : index
    %get3A_43 = vector.load %arg6[%get3A_41, %get3A_42] : memref<128x64xf32, #tpu.memory_space<vmem>>, vector<128x64xf32>
    %dot_general3A = arith.constant dense<0.000000e+00> : vector<2000x64xf32>
    %dot_general3A_44 = tpu.matmul %select_n3A, %get3A_43, %dot_general3A {dimension_numbers = #tpu.dot_dimension_numbers<[1], [0], [0], [1], [0, 0, 1, 1], [], []>, precision = #tpu.contract_precision<fp32>, transpose_lhs_hint = false} : vector<2000x128xf32>, vector<128x64xf32>, vector<2000x64xf32> -> vector<2000x64xf32>
    %slice3A = vector.extract_strided_slice %dot_general3A_44 {offsets = [0, 0], sizes = [2000, 32], strides = [1, 1]} : vector<2000x64xf32> to vector<2000x32xf32>
    %swap3A = arith.constant 0 : index
    %swap3A_45 = arith.constant 0 : index
    %swap3A_46 = vector.load %arg7[%swap3A, %swap3A_45] : memref<2000x32xf32, #tpu.memory_space<vmem>>, vector<2000x32xf32>
    tpu.vector_store %arg7[%swap3A, %swap3A_45], %slice3A {strides = array<i32>} : memref<2000x32xf32, #tpu.memory_space<vmem>>, vector<2000x32xf32>,
    %slice3A_47 = vector.extract_strided_slice %dot_general3A_44 {offsets = [0, 32], sizes = [2000, 32], strides = [1, 1]} : vector<2000x64xf32> to vector<2000x32xf32>
    %swap3A_48 = arith.constant 0 : index
    %swap3A_49 = arith.constant 0 : index
    %swap3A_50 = vector.load %arg8[%swap3A_48, %swap3A_49] : memref<2000x32xf32, #tpu.memory_space<vmem>>, vector<2000x32xf32>
    tpu.vector_store %arg8[%swap3A_48, %swap3A_49], %slice3A_47 {strides = array<i32>} : memref<2000x32xf32, #tpu.memory_space<vmem>>, vector<2000x32xf32>,
    return
  }
  func.func @transform_0(%arg0: i32) -> (i32, i32) {
    %c0_i32 = arith.constant 0 : i32
    %c0_i32_0 = arith.constant 0 : i32
    return %arg0, %c0_i32 : i32, i32
  }
  func.func @transform_1(%arg0: i32) -> (i32, i32) {
    %c0_i32 = arith.constant 0 : i32
    %c0_i32_0 = arith.constant 0 : i32
    return %arg0, %c0_i32 : i32, i32
  }
  func.func @transform_2(%arg0: i32) -> (i32, i32, i32) {
    %c0_i32 = arith.constant 0 : i32
    %c0_i32_0 = arith.constant 0 : i32
    %c0_i32_1 = arith.constant 0 : i32
    return %c0_i32, %arg0, %c0_i32_0 : i32, i32, i32
  }
  func.func @transform_3(%arg0: i32) -> (i32, i32) {
    %c0_i32 = arith.constant 0 : i32
    %c0_i32_0 = arith.constant 0 : i32
    return %arg0, %c0_i32 : i32, i32
  }
  func.func @transform_4(%arg0: i32) -> (i32, i32) {
    %c0_i32 = arith.constant 0 : i32
    %c0_i32_0 = arith.constant 0 : i32
    %c0_i32_1 = arith.constant 0 : i32
    return %c0_i32, %c0_i32_0 : i32, i32
  }
  func.func @transform_5(%arg0: i32) -> (i32, i32) {
    %c0_i32 = arith.constant 0 : i32
    %c0_i32_0 = arith.constant 0 : i32
    %c0_i32_1 = arith.constant 0 : i32
    return %c0_i32, %c0_i32_0 : i32, i32
  }
  func.func @transform_6(%arg0: i32) -> (i32, i32) {
    %c0_i32 = arith.constant 0 : i32
    %c0_i32_0 = arith.constant 0 : i32
    return %arg0, %c0_i32 : i32, i32
  }
  func.func @transform_7(%arg0: i32) -> (i32, i32) {
    %c0_i32 = arith.constant 0 : i32
    %c0_i32_0 = arith.constant 0 : i32
    return %arg0, %c0_i32 : i32, i32
  }
}

module attributes {stable_mosaic.version = 14 : i64} {
  func.func @_tc_c_kern(%arg0: i32, %arg1: memref<2000x32xf32, #tpu.memory_space<vmem>>, %arg2: memref<2000x32xf32, #tpu.memory_space<vmem>>, %arg3: memref<2x2000x32xf32, #tpu.memory_space<vmem>>, %arg4: memref<2000x1xf32, #tpu.memory_space<vmem>>, %arg5: memref<1x64xf32, #tpu.memory_space<vmem>>, %arg6: memref<2000x64xf32, #tpu.memory_space<vmem>>) attributes {dimension_semantics = [#tpu.dimension_semantics<arbitrary>], iteration_bounds = array<i64: 5>, scalar_prefetch = 0 : i64, scratch_operands = 0 : i64, tpu.core_type = #tpu.core_type<tc>, window_params = [{transform_indices = @transform_0, window_bounds = array<i64: 2000, 32>}, {transform_indices = @transform_1, window_bounds = array<i64: 2000, 32>}, {transform_indices = @transform_2, window_bounds = array<i64: 2, 2000, 32>}, {transform_indices = @transform_3, window_bounds = array<i64: 2000, 1>}, {pipeline_mode = #tpu.pipeline_mode<synchronous>, transform_indices = @transform_4, window_bounds = array<i64: 1, 64>}, {transform_indices = @transform_5, window_bounds = array<i64: 2000, 64>}]} {
    %get3A = arith.constant 0 : index
    %get3A_0 = arith.constant 0 : index
    %get3A_1 = vector.load %arg1[%get3A, %get3A_0] : memref<2000x32xf32, #tpu.memory_space<vmem>>, vector<2000x32xf32>
    %get3A_2 = arith.constant 0 : index
    %get3A_3 = arith.constant 0 : index
    %get3A_4 = vector.load %arg2[%get3A_2, %get3A_3] : memref<2000x32xf32, #tpu.memory_space<vmem>>, vector<2000x32xf32>
    %concatenate3A = tpu.concatenate %get3A_1, %get3A_4 in 1 : vector<2000x32xf32>, vector<2000x32xf32> -> vector<2000x64xf32>
    %get3A_5 = arith.constant 0 : index
    %get3A_6 = arith.constant 0 : index
    %get3A_7 = vector.load %arg4[%get3A_5, %get3A_6] : memref<2000x1xf32, #tpu.memory_space<vmem>>, vector<2000x1xf32>
    %mul3A = arith.constant 1.000000e-01 : f32
    %mul3A_8 = vector.broadcast %mul3A : f32 to vector<2000x1xf32>
    %mul3A_9 = arith.mulf %mul3A_8, %get3A_7 : vector<2000x1xf32>
    %mul3A_10 = arith.mulf %mul3A_9, %get3A_7 : vector<2000x1xf32>
    %add3A = arith.constant 0.899999976 : f32
    %add3A_11 = vector.broadcast %add3A : f32 to vector<2000x1xf32>
    %add3A_12 = arith.addf %add3A_11, %mul3A_10 : vector<2000x1xf32>
    %get3A_13 = arith.constant 0 : index
    %get3A_14 = arith.constant 0 : index
    %get3A_15 = arith.constant 0 : index
    %get3A_16 = vector.load %arg3[%get3A_13, %get3A_14, %get3A_15] : memref<2x2000x32xf32, #tpu.memory_space<vmem>>, vector<1x2000x32xf32>
    %get3A_17 = vector.shape_cast %get3A_16 : vector<1x2000x32xf32> to vector<2000x32xf32>
    %get3A_18 = arith.constant 1 : index
    %get3A_19 = arith.constant 0 : index
    %get3A_20 = arith.constant 0 : index
    %get3A_21 = vector.load %arg3[%get3A_18, %get3A_19, %get3A_20] : memref<2x2000x32xf32, #tpu.memory_space<vmem>>, vector<1x2000x32xf32>
    %get3A_22 = vector.shape_cast %get3A_21 : vector<1x2000x32xf32> to vector<2000x32xf32>
    %concatenate3A_23 = tpu.concatenate %get3A_17, %get3A_22 in 1 : vector<2000x32xf32>, vector<2000x32xf32> -> vector<2000x64xf32>
    %mul3A_24 = vector.broadcast %add3A_12 : vector<2000x1xf32> to vector<2000x64xf32>
    %mul3A_25 = arith.mulf %mul3A_24, %concatenate3A : vector<2000x64xf32>
    %mul3A_26 = arith.constant 1.000000e-01 : f32
    %mul3A_27 = vector.broadcast %mul3A_26 : f32 to vector<2000x64xf32>
    %mul3A_28 = arith.mulf %mul3A_27, %concatenate3A_23 : vector<2000x64xf32>
    %add3A_29 = arith.addf %mul3A_25, %mul3A_28 : vector<2000x64xf32>
    %get3A_30 = arith.constant 0 : index
    %get3A_31 = arith.constant 0 : index
    %get3A_32 = vector.load %arg5[%get3A_30, %get3A_31] : memref<1x64xf32, #tpu.memory_space<vmem>>, vector<1x64xf32>
    %add3A_33 = vector.broadcast %get3A_32 : vector<1x64xf32> to vector<2000x64xf32>
    %add3A_34 = arith.addf %add3A_29, %add3A_33 : vector<2000x64xf32>
    %swap3A = arith.constant 0 : index
    %swap3A_35 = arith.constant 0 : index
    %swap3A_36 = vector.load %arg6[%swap3A, %swap3A_35] : memref<2000x64xf32, #tpu.memory_space<vmem>>, vector<2000x64xf32>
    tpu.vector_store %arg6[%swap3A, %swap3A_35], %add3A_34 {strides = array<i32>} : memref<2000x64xf32, #tpu.memory_space<vmem>>, vector<2000x64xf32>,
    return
  }
  func.func @transform_0(%arg0: i32) -> (i32, i32) {
    %c0_i32 = arith.constant 0 : i32
    %c0_i32_0 = arith.constant 0 : i32
    return %arg0, %c0_i32 : i32, i32
  }
  func.func @transform_1(%arg0: i32) -> (i32, i32) {
    %c0_i32 = arith.constant 0 : i32
    %c0_i32_0 = arith.constant 0 : i32
    return %arg0, %c0_i32 : i32, i32
  }
  func.func @transform_2(%arg0: i32) -> (i32, i32, i32) {
    %c0_i32 = arith.constant 0 : i32
    %c0_i32_0 = arith.constant 0 : i32
    %c0_i32_1 = arith.constant 0 : i32
    return %c0_i32, %arg0, %c0_i32_0 : i32, i32, i32
  }
  func.func @transform_3(%arg0: i32) -> (i32, i32) {
    %c0_i32 = arith.constant 0 : i32
    %c0_i32_0 = arith.constant 0 : i32
    return %arg0, %c0_i32 : i32, i32
  }
  func.func @transform_4(%arg0: i32) -> (i32, i32) {
    %c0_i32 = arith.constant 0 : i32
    %c0_i32_0 = arith.constant 0 : i32
    %c0_i32_1 = arith.constant 0 : i32
    return %c0_i32, %c0_i32_0 : i32, i32
  }
  func.func @transform_5(%arg0: i32) -> (i32, i32) {
    %c0_i32 = arith.constant 0 : i32
    %c0_i32_0 = arith.constant 0 : i32
    return %arg0, %c0_i32 : i32, i32
  }
}

</mosaic_0001>

<sc_bundles>
// kernel: kernel.11.cloned.1.call-start
scs
__scs_entry_jumppad:
0x0: {  	(pc) =	sbr.rel $0x88, $3  }
0x1: {  	(tag) =	ssettag $0x0;
	lr =	simm.s32 $0x1  }
0x2: {  	[smem:$0x3F98] =	sst lr;
	_ =	strace $0xD0000000  }
0x3: {  	_ = 	snop  }
0x4: {  	_ = 	snop  }
0x5: {  	_ = 	snop  }
0x6: {  	_ = 	snop  }
0x7: {  	_ = 	snop  }
__scs_overlays_trampoline_lowered:
0x8: {  	[smem:$0x3FA7] =	sst s0  }
0x9: {  	[smem:$0x3FA8] =	sst s1  }
0xa: {  	[smem:$0x3FA9] =	sst s2  }
0xb: {  	[smem:$0x3FAA] =	sst s3  }
0xc: {  	[smem:$0x3FAB] =	sst s4  }
0xd: {  	[smem:$0x3FAC] =	sst s5  }
0xe: {  	[smem:$0x3FAD] =	sst s6  }
0xf: {  	[smem:$0x3FAE] =	sst s7  }
0x10: {  	[smem:$0x3FAF] =	sst s8  }
0x11: {  	[smem:$0x3FB0] =	sst s9;
	s0 =	simm.s32 @!p0 $0x0  }
0x12: {  	s1 =	sld [smem:$0x3F96];
	s0 =	simm.s32 @p0 $0x1  }
0x13: {  	[smem:$0x3FB1] =	sst s0;
	s0 =	simm.s32 @!p1 $0x0  }
0x14: {  	s2 =	sld [smem:$0x3F95];
	s0 =	simm.s32 @p1 $0x1  }
0x15: {  	[smem:$0x3FB2] =	sst s0;
	s0 =	simm.s32 @!p2 $0x0  }
0x16: {  	s3 =	sld [smem:$0x3FDB];
	s0 =	simm.s32 @p2 $0x1  }
0x17: {  	s4 =	simm.s32 $0x1BF5;
	[smem:$0x3FB4] =	sst s0  }
0x18: {  	s0 =	sld [smem:$0x3F97];
	_ =	swait.ge [sflag:s4], $0x0  }
0x19: {  	s7 =	sld [smem:$0x3F98]  }
0x1a: {  	s8 =	sadd.s32 $0xFFFFE003, lr  }
0x1b: {  	s9 =	sadd.s32 $0xFFFFFEF7, lr;
	s5 =	simm.s32 $0xFFFFFFFF;
	p2 =	slt.u32 s8, $0xFFFFF086  }
0x1c: {  	p1 =	slt.u32 s9, $0xF7A;
	s5 =	simm.s32 @!p2 $0x0  }
0x1d: {  	s5 =	simm.s32 @p1 $0x1;
	p0 =	seq.s32 s7, s2  }
0x1e: {  	s7 =	smul.u32 @!p0 $0xF7A, s2;
	p2 =	seq.s32 @!p0 s5, $0x0  }
0x1f: {  	s9 =	smul.u32 $0xF7A, s1;
	s8 =	simm.s32 @!p0 $0x1BF5;
	p2 =	por !p2, p0  }
0x20: {  	[sflag:s8] =	ssyncset.s32 @!p0 $0xFFFFF086;
	s6 =	sadd.s32 @!p0 s3, s7;
	s7 =	simm.s32 @!p0 $0x108  }
0x21: {  	s3 =	sadd.s32 s3, s9;
	s6 =	sadd.s32 @!p0 $0x88, s6;
	s7 =	simm.s32 @p2 $0x1082  }
0x22: {  	[simem:s7], [sflag:s8] =	dma.local @!p0 [hbm:s6], $0xF7A  }
0x23: {  	s9 =	sor.u32 $0xD0000000, s2;
	s6 =	simm.s32 $0x108;
	_ =	swait.ge @!p0 [sflag:s8], $0x0  }
0x24: {  	s3 =	sadd.s32 $0x88, s3;
	s6 =	simm.s32 @!p1 $0x1082;
	[sflag:s4] =	ssyncset.s32 $0xFFFFF086  }
0x25: {  	[simem:s6], [sflag:s4] =	dma.local [hbm:s3], $0xF7A  }
0x26: {  	[smem:$0x3F98] =	sst s1;
	(tag) =	ssettag s2;
	_ =	strace s9  }
0x27: {  	s1 =	sld [smem:$0x3FA8]  }
0x28: {  	s2 =	sld [smem:$0x3FA9]  }
0x29: {  	s4 =	sld [smem:$0x3FAB]  }
0x2a: {  	p0 =	seq.s32 s5, $0x0;
	s5 =	sld [smem:$0x3FAC]  }
0x2b: {  	s6 =	sld [smem:$0x3FAD]  }
0x2c: {  	s7 =	sld [smem:$0x3FAE]  }
0x2d: {  	s3 =	simm.s32 $0x108;
	s8 =	sld [smem:$0x3FAF]  }
0x2e: {  	s3 =	simm.s32 @!p0 $0x1082;
	s9 =	sld [smem:$0x3FB0]  }
0x2f: {  	lr =	sadd.s32 s0, s3;
	s0 =	sld [smem:$0x3FA7]  }
0x30: {  	s3 =	sld [smem:$0x3FAA]  }
0x31: {  	[smem:$0x3FB3] =	sst s10  }
0x32: {  	s10 =	sld [smem:$0x3FB1];
	_ =	sdelay $0x3  }
0x33: {  	p0 =	seq.s32 s10, $0x1;
	s10 =	sld [smem:$0x3FB3];
	_ =	sdelay $0x3  }
0x34: {  	[smem:$0x3FB3] =	sst s10  }
0x35: {  	s10 =	sld [smem:$0x3FB2];
	_ =	sdelay $0x3  }
0x36: {  	p1 =	seq.s32 s10, $0x1;
	s10 =	sld [smem:$0x3FB3];
	_ =	sdelay $0x3  }
0x37: {  	[smem:$0x3FB3] =	sst s10  }
0x38: {  	s10 =	sld [smem:$0x3FB4]  }
0x39: {  	_ = 	snop;
	(pc) =	sbr.ind lr, $3  }
0x3a: {  	_ = 	snop  }
0x3b: {  	_ = 	snop  }
0x3c: {  	p2 =	seq.s32 s10, $0x1;
	s10 =	sld [smem:$0x3FB3]  }
0x3d: {  	_ =	shalt  }
0x3e: {  	_ =	shalt  }
0x3f: {  	_ =	shalt  }
0x40: {  	_ =	shalt  }
0x41: {  	_ =	shalt  }
0x42: {  	_ =	shalt  }
0x43: {  	_ =	shalt  }
0x44: {  	_ =	shalt  }
0x45: {  	_ =	shalt  }
0x46: {  	_ =	shalt  }
0x47: {  	_ =	shalt  }
0x48: {  	_ =	shalt  }
0x49: {  	_ =	shalt  }
0x4a: {  	_ =	shalt  }
0x4b: {  	_ =	shalt  }
0x4c: {  	_ =	shalt  }
0x4d: {  	_ =	shalt  }
0x4e: {  	_ =	shalt  }
0x4f: {  	_ =	shalt  }
0x50: {  	_ =	shalt  }
0x51: {  	_ =	shalt  }
0x52: {  	_ =	shalt  }
0x53: {  	_ =	shalt  }
0x54: {  	_ =	shalt  }
0x55: {  	_ =	shalt  }
0x56: {  	_ =	shalt  }
0x57: {  	_ =	shalt  }
0x58: {  	_ =	shalt  }
0x59: {  	_ =	shalt  }
0x5a: {  	_ =	shalt  }
0x5b: {  	_ =	shalt  }
0x5c: {  	_ =	shalt  }
0x5d: {  	_ =	shalt  }
0x5e: {  	_ =	shalt  }
0x5f: {  	_ =	shalt  }
0x60: {  	_ =	shalt  }
0x61: {  	_ =	shalt  }
0x62: {  	_ =	shalt  }
0x63: {  	_ =	shalt  }
0x64: {  	_ =	shalt  }
0x65: {  	_ =	shalt  }
0x66: {  	_ =	shalt  }
0x67: {  	_ =	shalt  }
0x68: {  	_ =	shalt  }
0x69: {  	_ =	shalt  }
0x6a: {  	_ =	shalt  }
0x6b: {  	_ =	shalt  }
0x6c: {  	_ =	shalt  }
0x6d: {  	_ =	shalt  }
0x6e: {  	_ =	shalt  }
0x6f: {  	_ =	shalt  }
0x70: {  	_ =	shalt  }
0x71: {  	_ =	shalt  }
0x72: {  	_ =	shalt  }
0x73: {  	_ =	shalt  }
0x74: {  	_ =	shalt  }
0x75: {  	_ =	shalt  }
0x76: {  	_ =	shalt  }
0x77: {  	_ =	shalt  }
0x78: {  	_ =	shalt  }
0x79: {  	_ =	shalt  }
0x7a: {  	_ =	shalt  }
0x7b: {  	_ =	shalt  }
0x7c: {  	_ =	shalt  }
0x7d: {  	_ =	shalt  }
0x7e: {  	_ =	shalt  }
0x7f: {  	_ =	shalt  }
0x80: {  	_ =	shalt  }
0x81: {  	_ =	shalt  }
0x82: {  	_ =	shalt  }
0x83: {  	_ =	shalt  }
0x84: {  	_ =	shalt  }
0x85: {  	_ =	shalt  }
0x86: {  	_ =	shalt  }
0x87: {  	_ =	shalt  }
.Lfunc_end0:
.L_simem_size_0:
called_computation_lowered:
.L_overlay_start_0:
0x88: {  	s2 =	sld [smem:$0x3FD9]  }
0x89: {  	s3 =	sld [smem:$0x3FFE];
	_ =	sdelay $0x1  }
0x8a: {  	s1 =	srdreg.scid  }
0x8b: {  	s0 =	sand.u32 $0x1, s1  }
0x8c: {  	s17 =	sshll.u32 s0, $0xA;
	s2 =	sadd.s32 s3, s2  }
0x8d: {  	s2 =	sadd.s32 s2, s17  }
0x8e: {  	[smem:$0x3FBF] =	sst s2  }
0x8f: {  	_ = 	snop  }
0x90: {  	s2 =	sld [smem:$0x3FC7]  }
0x91: {  	s18 =	sld [smem:$0x3FD0];
	(tm) =	ssettm $0x1  }
0x92: {  	s4 =	sld [smem:$0x3FFB];
	_ =	sdelay $0x3  }
0x93: {  	_ =	strace s4  }
0x94: {  	s4 =	sld [smem:$0x3FFC];
	_ =	sdelay $0x3  }
0x95: {  	_ =	strace s4  }
0x96: {  	s4 =	sld [smem:$0x3FFD];
	_ =	sdelay $0x3  }
0x97: {  	_ =	strace s4  }
0x98: {  	_ =	strace $0x8FFFFFFF  }
0x99: {  	s19 =	sld [smem:$0x3FDB];
	_ =	sdelay $0x1  }
0x9a: {  	s5 =	simm.s32 $_scs_section_size  }
0x9b: {  	s6 =	simm.s32 $_size__tile_overlayer_lowered;
	s7 =	simm.s32 $_tile_overlayer_lowered  }
0x9c: {  	s22 =	simm.s32 $0x1BFF;
	s21 =	sshll.u32 s7, $0x1;
	s4 =	sadd.s32 s5, s19  }
0x9d: {  	s8 =	simm.s32 $0x0;
	s20 =	sshll.u32 s6, $0x1;
	s6 =	sadd.s32 s21, s4  }
0x9e: {  	[timem:s8], [sflag:s22] =	dma.local [hbm:s6], s20  }
0x9f: {  	_ =	swait.ge [sflag:s22], s20  }
0xa0: {  	s5 =	ssub.s32 $0x0, s20;
	[sflag:s22] =	ssyncset.done $0x0  }
0xa1: {  	[sflag:s22] =	ssyncadd.s32 s5;
	_ =	sdelay $0x1  }
0xa2: {  	s23 =	simm.s32 $0x1B8B  }
0xa3: {  	_ =	swait.ge [sflag:s23], $0x1  }
0xa4: {  	[sflag:s23] =	ssyncset.done $0x0  }
0xa5: {  	s25 =	simm.s32 $0x1B8E;
	s24 =	sld [smem:$0x3FFE];
	[sflag:s23] =	ssyncadd.s32 $0xFFFFFFFF  }
0xa6: {  	s26 =	simm.s32 $execute0_lowered;
	[smem:$0x3FD2] =	sst s25  }
0xa7: {  	s6 =	sshll.u32 s26, $0x1;
	_ =	strace $0x80000046;
	[dreg:$0x1] =	wrdreg $0xFFFFFFFF  }
0xa8: {  	s28 =	simm.s32 $_size_execute0_lowered;
	s4 =	sadd.s32 s4, s6;
	[dreg:$0x0] =	wrdreg $0x0  }
0xa9: {  	s6 =	sshll.u32 s28, $0x1;
	[dreg:$0x2] =	wrdreg s4  }
0xaa: {  	[dreg:$0x3] =	wrdreg s6  }
0xab: {  	[dreg:$0x4] =	wrdreg $0xC0  }
0xac: {  	_ =	task [dreg:s8], $0x5FFFF  }
0xad: {  	[dreg:$0x1] =	wrdreg $0xFFFFFFFF  }
0xae: {  	[dreg:$0x0] =	wrdreg $0x60  }
0xaf: {  	[dreg:$0x2] =	wrdreg s18  }
0xb0: {  	[dreg:$0x3] =	wrdreg s2  }
0xb1: {  	[dreg:$0x4] =	wrdreg s24  }
0xb2: {  	[dreg:$0x5] =	wrdreg $0x4E200  }
0xb3: {  	[dreg:$0x6] =	wrdreg $0x9  }
0xb4: {  	_ =	task.clear_ibuf [dreg:s8], $0x7FFFF;
	_ =	strace $0x90000046  }
0xb5: {  	s29 =	simm.s32 $0x9;
	_ =	strace $0x80000048  }
0xb6: {  	_ =	swait.ge [sflag:s29], $0x1  }
0xb7: {  	[sflag:s29] =	ssyncadd.s32 $0xFFFFFFFF  }
0xb8: {  	_ =	strace $0x90000048  }
0xb9: {  	_ =	sfence  }
0xba: {  	s30 =	sld [smem:$0x0];
	_ =	sdelay $0x2  }
0xbb: {  	s31 =	sshll.u32 s1, $0xD;
	s1 =	sshrl.u32 s1, $0x2  }
0xbc: {  	s3 =	sand.u32 $0x4000, s31;
	s1 =	sadd.s32 s1, s30  }
0xbd: {  	s0 =	sor.u32 s3, s0;
	s1 =	sshll.u32 s1, $0x11  }
0xbe: {  	s0 =	sor.u32 s1, s0  }
0xbf: {  	s0 =	sadd.s32 $0x8F2B, s0  }
0xc0: {  	[sflag:s0] =	ssyncadd.remote.s32 $0x1  }
0xc1: {  	_ =	sfence.sel $0xFFFF  }
0xc2: {  	[dreg:$0x0] =	wrdreg $0xFFFFFFFF;
	(pc) =	sbr.abs _section_cstart, $3  }
0xc3: {  	[dreg:$0x1] =	wrdreg $0xFFFFFFFF  }
0xc4: {  	_ =	task.clear_ibuf [dreg:s8], $0x2FFFF;
	_ =	strace $0x9FFFFFFF  }
0xc5: {  	(tm) =	ssettm $0x7FFFFFFF  }
tec
execute0_lowered:
.L_overlay_start_1:
0x0: {  	(tag) =	ssettag $0x1  }
0x1: {  	s6 =	rddreg [dreg:$0x0]  }
0x2: {  	s7 =	rddreg [dreg:$0x1]  }
0x3: {  	s5 =	rddreg [dreg:$0x2]  }
0x4: {  	s1 =	srdreg.scid;
	s0 =	stileid.u32  }
0x5: {  	s2 =	rddreg [dreg:$0x3];
	s3 =	simm.s32 $0x0;
	s14 =	simm.s32 $0x0  }
0x6: {  	s8 =	sand.u32 $0x1, s1;
	s9 =	smul.u32 $0x280, s0;
	s1 =	rddreg [dreg:$0x4]  }
0x7: {  	[smem:$0x7FF] =	sst s3;
	s12 =	sshll.u32 s0, $0x6;
	s4 =	smul.u32 $0x2800, s8  }
0x8: {  	_ =	strace $0x80000047;
	s11 =	sshll.u32 s8, $0x4;
	s29 =	ssub.s32 $0x2, s8  }
0x9: {  	s30 =	sor.u32 s0, s11;
	s31 =	sshrl.u32 s29, $0x1;
	s13 =	sadd.s32 s9, s2  }
0xa: {  	s10 =	sadd.s32 s9, s4;
	s4 =	sadd.s32 $0xCC00, s5;
	s11 =	ssub.s32 s29, s31  }
0xb: {  	s8 =	smul.u32 $0x4E2, s30;
	s10 =	sshrl.u32 s10, $0x3;
	s9 =	smax.u32 s11, $0x1  }
0xc: {  	s11 =	simm.s32 $0x1;
	s10 =	sadd.s32 s10, s5;
	s5 =	sor.u32 $0x1C01, s12  }
0xd: {  	s6 =	sadd.s32 s6, s8;
	s7 =	sadd.s32 s7, s8;
	s12 =	simm.s32 $0x2710  }
0xe: {  	s8 =	sadd.s32 $0xCE00, s10;
	s10 =	sshrl.u32 s13, $0x3;
	s13 =	simm.s32 $0x50  }
.LBB2_1:
0xf: {  	[spmem:s10], [sflag:s5] =	dma.local [hbm:s4], $0x50  }
0x10: {  	_ =	swait.ge [sflag:s11], $0x50  }
0x11: {  	[sflag:s11] =	ssyncset.done $0x0  }
0x12: {  	[sflag:s11] =	ssyncadd.s32 $0xFFFFFFB0  }
0x13: {  	[tilespmem:s3], [sflag:$0x1] =	stream.linear.gather [hbm4b:s6+s3], $0x2710, $0x38;
	[tilespmem:$0x50A0] =	vst v63  }
0x14: {  	_ =	swait.ge [sflag:s11], $0x2710  }
0x15: {  	[sflag:s11] =	ssyncset.done $0x0  }
0x16: {  	[sflag:s11] =	ssyncadd.s32 $0xFFFFD8F0  }
0x17: {  	[tilespmem:s12], [sflag:$0x1] =	stream.linear.gather [hbm4b:s7+s3], $0x2710, $0x38;
	[tilespmem:$0x50A0] =	vst v63  }
0x18: {  	_ =	swait.ge [sflag:s11], $0x2710  }
0x19: {  	[sflag:s11] =	ssyncset.done $0x0  }
0x1a: {  	[sflag:s11] =	ssyncadd.s32 $0xFFFFD8F0  }
0x1b: {  	s15 =	simm.s32 $0x0;
	s16 =	simm.s32 $0x2710;
	[bflag:$0x0] =	sbarrier.arrive $0xFFFF  }
0x1c: {  	[spmem:s2] =	stream.indirect.scatter.add.f32 [tilespmem:s16], [sflag:$0x1], $0x1, s15, s13, $0xb8;
	[tilespmem:$0x50A0] =	vst v63  }
0x1d: {  	s15 =	simm.s32 $0x140;
	_ =	swait.ge [sflag:s11], $0x50  }
.LBB2_2:
0x1e: {  	s16 =	sshra.s32 s15, $0x2;
	[sflag:s11] =	ssyncset.done $0x0;
	p0 =	sne.s32 s15, $0x9B00  }
.Ltmp0:
0x1f: {  	s17 =	sadd.s32 $0x2710, s16;
	[sflag:s11] =	ssyncadd.s32 $0xFFFFFFB0;
	(pc) =	sbr.rel @p0 .LBB2_2-.Ltmp0, $3  }
0x20: {  	[spmem:s2] =	stream.indirect.scatter.add.f32 [tilespmem:s17], [sflag:$0x1], $0x1, s16, s13, $0xb8;
	[tilespmem:$0x50A0] =	vst v63  }
0x21: {  	s15 =	sadd.s32 $0x140, s15;
	_ =	sdelay $0x1  }
0x22: {  	_ =	swait.ge [sflag:s11], $0x50  }
0x23: {  	[sflag:s11] =	ssyncset.done $0x0;
	s14 =	sadd.s32 $0x1, s14  }
0x24: {  	[sflag:s11] =	ssyncadd.s32 $0xFFFFFFB0;
	p0 =	sne.s32 s14, s9  }
.Ltmp1:
0x25: {  	[bflag:$0x0] =	sbarrier.arrive $0xFFFF;
	(pc) =	sbr.rel @p0 .LBB2_1-.Ltmp1, $4  }
0x26: {  	[hbm:s8], [sflag:s5] =	dma.local [spmem:s10], $0x50  }
0x27: {  	_ =	swait.ge [sflag:s11], $0x50  }
0x28: {  	[sflag:s11] =	ssyncset.done $0x0  }
0x29: {  	[sflag:s11] =	ssyncadd.s32 $0xFFFFFFB0  }
0x2a: {  	_ =	sfence.sel $0x180000  }
0x2b: {  	[bflag:$0x0] =	sbarrier.arrive $0xFFFF  }
0x2c: {  	p0 =	sne.s32 s0, $0x0;
	_ =	strace $0x90000047  }
0x2d: {  	s0 =	sadd.s32 @!p0 $0x100000, s1;
	[bflag:$0x2] =	sbarrier.arrive $0xFFFF  }
0x2e: {  	[sflag:s0] =	ssyncadd.tile.s32 @!p0 $0x1;
	_ =	shalt  }
.Lfunc_end2:
_tile_overlayer_lowered:
.L_overlay_start_2:
0x2f: {  	(tag) =	ssettag $0x2  }
0x30: {  	s0 =	rddreg [dreg:$0x0];
	s2 =	stileid.u32  }
0x31: {  	s1 =	rddreg [dreg:$0x1];
	p0 =	sne.s32 s2, $0x0  }
0x32: {  	s3 =	rddreg [dreg:$0x2];
	[bflag:$0x3] =	sbarrier.arrive $0xFFFF;
	s2 =	simm.s32 @!p0 $0x1C01  }
0x33: {  	[timem:s3], [sflag:s2] =	dma.local @!p0 [hbm:s0], s1  }
0x34: {  	s0 =	simm.s32 @!p0 $0x1  }
0x35: {  	_ =	swait.ge @!p0 [sflag:s0], s1  }
0x36: {  	s1 =	ssub.s32 @!p0 $0x0, s1;
	[sflag:s0] =	ssyncset.done @!p0 $0x0  }
0x37: {  	[sflag:s0] =	ssyncadd.s32 @!p0 s1  }
0x38: {  	[bflag:$0x3] =	sbarrier.arrive $0xFFFF  }
0x39: {  	_ =	shalt  }

// kernel: kernel.14.cloned.1.call-start
scs
__scs_entry_jumppad:
0x0: {  	(pc) =	sbr.rel $0x88, $3  }
0x1: {  	(tag) =	ssettag $0x0;
	lr =	simm.s32 $0x1  }
0x2: {  	[smem:$0x3F98] =	sst lr;
	_ =	strace $0xD0000000  }
0x3: {  	_ = 	snop  }
0x4: {  	_ = 	snop  }
0x5: {  	_ = 	snop  }
0x6: {  	_ = 	snop  }
0x7: {  	_ = 	snop  }
__scs_overlays_trampoline_lowered:
0x8: {  	[smem:$0x3FA7] =	sst s0  }
0x9: {  	[smem:$0x3FA8] =	sst s1  }
0xa: {  	[smem:$0x3FA9] =	sst s2  }
0xb: {  	[smem:$0x3FAA] =	sst s3  }
0xc: {  	[smem:$0x3FAB] =	sst s4  }
0xd: {  	[smem:$0x3FAC] =	sst s5  }
0xe: {  	[smem:$0x3FAD] =	sst s6  }
0xf: {  	[smem:$0x3FAE] =	sst s7  }
0x10: {  	[smem:$0x3FAF] =	sst s8  }
0x11: {  	[smem:$0x3FB0] =	sst s9;
	s0 =	simm.s32 @!p0 $0x0  }
0x12: {  	s1 =	sld [smem:$0x3F96];
	s0 =	simm.s32 @p0 $0x1  }
0x13: {  	[smem:$0x3FB1] =	sst s0;
	s0 =	simm.s32 @!p1 $0x0  }
0x14: {  	s2 =	sld [smem:$0x3F95];
	s0 =	simm.s32 @p1 $0x1  }
0x15: {  	[smem:$0x3FB2] =	sst s0;
	s0 =	simm.s32 @!p2 $0x0  }
0x16: {  	s3 =	sld [smem:$0x3FDB];
	s0 =	simm.s32 @p2 $0x1  }
0x17: {  	s4 =	simm.s32 $0x1BF5;
	[smem:$0x3FB4] =	sst s0  }
0x18: {  	s0 =	sld [smem:$0x3F97];
	_ =	swait.ge [sflag:s4], $0x0  }
0x19: {  	s7 =	sld [smem:$0x3F98]  }
0x1a: {  	s8 =	sadd.s32 $0xFFFFE003, lr  }
0x1b: {  	s9 =	sadd.s32 $0xFFFFFEF7, lr;
	s5 =	simm.s32 $0xFFFFFFFF;
	p2 =	slt.u32 s8, $0xFFFFF086  }
0x1c: {  	p1 =	slt.u32 s9, $0xF7A;
	s5 =	simm.s32 @!p2 $0x0  }
0x1d: {  	s5 =	simm.s32 @p1 $0x1;
	p0 =	seq.s32 s7, s2  }
0x1e: {  	s7 =	smul.u32 @!p0 $0xF7A, s2;
	p2 =	seq.s32 @!p0 s5, $0x0  }
0x1f: {  	s9 =	smul.u32 $0xF7A, s1;
	s8 =	simm.s32 @!p0 $0x1BF5;
	p2 =	por !p2, p0  }
0x20: {  	[sflag:s8] =	ssyncset.s32 @!p0 $0xFFFFF086;
	s6 =	sadd.s32 @!p0 s3, s7;
	s7 =	simm.s32 @!p0 $0x108  }
0x21: {  	s3 =	sadd.s32 s3, s9;
	s6 =	sadd.s32 @!p0 $0x88, s6;
	s7 =	simm.s32 @p2 $0x1082  }
0x22: {  	[simem:s7], [sflag:s8] =	dma.local @!p0 [hbm:s6], $0xF7A  }
0x23: {  	s9 =	sor.u32 $0xD0000000, s2;
	s6 =	simm.s32 $0x108;
	_ =	swait.ge @!p0 [sflag:s8], $0x0  }
0x24: {  	s3 =	sadd.s32 $0x88, s3;
	s6 =	simm.s32 @!p1 $0x1082;
	[sflag:s4] =	ssyncset.s32 $0xFFFFF086  }
0x25: {  	[simem:s6], [sflag:s4] =	dma.local [hbm:s3], $0xF7A  }
0x26: {  	[smem:$0x3F98] =	sst s1;
	(tag) =	ssettag s2;
	_ =	strace s9  }
0x27: {  	s1 =	sld [smem:$0x3FA8]  }
0x28: {  	s2 =	sld [smem:$0x3FA9]  }
0x29: {  	s4 =	sld [smem:$0x3FAB]  }
0x2a: {  	p0 =	seq.s32 s5, $0x0;
	s5 =	sld [smem:$0x3FAC]  }
0x2b: {  	s6 =	sld [smem:$0x3FAD]  }
0x2c: {  	s7 =	sld [smem:$0x3FAE]  }
0x2d: {  	s3 =	simm.s32 $0x108;
	s8 =	sld [smem:$0x3FAF]  }
0x2e: {  	s3 =	simm.s32 @!p0 $0x1082;
	s9 =	sld [smem:$0x3FB0]  }
0x2f: {  	lr =	sadd.s32 s0, s3;
	s0 =	sld [smem:$0x3FA7]  }
0x30: {  	s3 =	sld [smem:$0x3FAA]  }
0x31: {  	[smem:$0x3FB3] =	sst s10  }
0x32: {  	s10 =	sld [smem:$0x3FB1];
	_ =	sdelay $0x3  }
0x33: {  	p0 =	seq.s32 s10, $0x1;
	s10 =	sld [smem:$0x3FB3];
	_ =	sdelay $0x3  }
0x34: {  	[smem:$0x3FB3] =	sst s10  }
0x35: {  	s10 =	sld [smem:$0x3FB2];
	_ =	sdelay $0x3  }
0x36: {  	p1 =	seq.s32 s10, $0x1;
	s10 =	sld [smem:$0x3FB3];
	_ =	sdelay $0x3  }
0x37: {  	[smem:$0x3FB3] =	sst s10  }
0x38: {  	s10 =	sld [smem:$0x3FB4]  }
0x39: {  	_ = 	snop;
	(pc) =	sbr.ind lr, $3  }
0x3a: {  	_ = 	snop  }
0x3b: {  	_ = 	snop  }
0x3c: {  	p2 =	seq.s32 s10, $0x1;
	s10 =	sld [smem:$0x3FB3]  }
0x3d: {  	_ =	shalt  }
0x3e: {  	_ =	shalt  }
0x3f: {  	_ =	shalt  }
0x40: {  	_ =	shalt  }
0x41: {  	_ =	shalt  }
0x42: {  	_ =	shalt  }
0x43: {  	_ =	shalt  }
0x44: {  	_ =	shalt  }
0x45: {  	_ =	shalt  }
0x46: {  	_ =	shalt  }
0x47: {  	_ =	shalt  }
0x48: {  	_ =	shalt  }
0x49: {  	_ =	shalt  }
0x4a: {  	_ =	shalt  }
0x4b: {  	_ =	shalt  }
0x4c: {  	_ =	shalt  }
0x4d: {  	_ =	shalt  }
0x4e: {  	_ =	shalt  }
0x4f: {  	_ =	shalt  }
0x50: {  	_ =	shalt  }
0x51: {  	_ =	shalt  }
0x52: {  	_ =	shalt  }
0x53: {  	_ =	shalt  }
0x54: {  	_ =	shalt  }
0x55: {  	_ =	shalt  }
0x56: {  	_ =	shalt  }
0x57: {  	_ =	shalt  }
0x58: {  	_ =	shalt  }
0x59: {  	_ =	shalt  }
0x5a: {  	_ =	shalt  }
0x5b: {  	_ =	shalt  }
0x5c: {  	_ =	shalt  }
0x5d: {  	_ =	shalt  }
0x5e: {  	_ =	shalt  }
0x5f: {  	_ =	shalt  }
0x60: {  	_ =	shalt  }
0x61: {  	_ =	shalt  }
0x62: {  	_ =	shalt  }
0x63: {  	_ =	shalt  }
0x64: {  	_ =	shalt  }
0x65: {  	_ =	shalt  }
0x66: {  	_ =	shalt  }
0x67: {  	_ =	shalt  }
0x68: {  	_ =	shalt  }
0x69: {  	_ =	shalt  }
0x6a: {  	_ =	shalt  }
0x6b: {  	_ =	shalt  }
0x6c: {  	_ =	shalt  }
0x6d: {  	_ =	shalt  }
0x6e: {  	_ =	shalt  }
0x6f: {  	_ =	shalt  }
0x70: {  	_ =	shalt  }
0x71: {  	_ =	shalt  }
0x72: {  	_ =	shalt  }
0x73: {  	_ =	shalt  }
0x74: {  	_ =	shalt  }
0x75: {  	_ =	shalt  }
0x76: {  	_ =	shalt  }
0x77: {  	_ =	shalt  }
0x78: {  	_ =	shalt  }
0x79: {  	_ =	shalt  }
0x7a: {  	_ =	shalt  }
0x7b: {  	_ =	shalt  }
0x7c: {  	_ =	shalt  }
0x7d: {  	_ =	shalt  }
0x7e: {  	_ =	shalt  }
0x7f: {  	_ =	shalt  }
0x80: {  	_ =	shalt  }
0x81: {  	_ =	shalt  }
0x82: {  	_ =	shalt  }
0x83: {  	_ =	shalt  }
0x84: {  	_ =	shalt  }
0x85: {  	_ =	shalt  }
0x86: {  	_ =	shalt  }
0x87: {  	_ =	shalt  }
.Lfunc_end0:
.L_simem_size_0:
called_computation.1_lowered:
.L_overlay_start_0:
0x88: {  	s2 =	sld [smem:$0x3FD9]  }
0x89: {  	s3 =	sld [smem:$0x3FFE];
	_ =	sdelay $0x1  }
0x8a: {  	s1 =	srdreg.scid  }
0x8b: {  	s0 =	sand.u32 $0x1, s1  }
0x8c: {  	s17 =	sshll.u32 s0, $0xA;
	s2 =	sadd.s32 s3, s2  }
0x8d: {  	s2 =	sadd.s32 s2, s17  }
0x8e: {  	[smem:$0x3FBF] =	sst s2  }
0x8f: {  	_ = 	snop  }
0x90: {  	s2 =	sld [smem:$0x3FC7]  }
0x91: {  	s18 =	sld [smem:$0x3FD0];
	(tm) =	ssettm $0x1  }
0x92: {  	s4 =	sld [smem:$0x3FFB];
	_ =	sdelay $0x3  }
0x93: {  	_ =	strace s4  }
0x94: {  	s4 =	sld [smem:$0x3FFC];
	_ =	sdelay $0x3  }
0x95: {  	_ =	strace s4  }
0x96: {  	s4 =	sld [smem:$0x3FFD];
	_ =	sdelay $0x3  }
0x97: {  	_ =	strace s4  }
0x98: {  	_ =	strace $0x8FFFFFFF  }
0x99: {  	s19 =	sld [smem:$0x3FDB];
	_ =	sdelay $0x1  }
0x9a: {  	s5 =	simm.s32 $_scs_section_size  }
0x9b: {  	s6 =	simm.s32 $_size__tile_overlayer_lowered;
	s7 =	simm.s32 $_tile_overlayer_lowered  }
0x9c: {  	s22 =	simm.s32 $0x1BFF;
	s21 =	sshll.u32 s7, $0x1;
	s4 =	sadd.s32 s5, s19  }
0x9d: {  	s8 =	simm.s32 $0x0;
	s20 =	sshll.u32 s6, $0x1;
	s6 =	sadd.s32 s21, s4  }
0x9e: {  	[timem:s8], [sflag:s22] =	dma.local [hbm:s6], s20  }
0x9f: {  	_ =	swait.ge [sflag:s22], s20  }
0xa0: {  	s5 =	ssub.s32 $0x0, s20;
	[sflag:s22] =	ssyncset.done $0x0  }
0xa1: {  	[sflag:s22] =	ssyncadd.s32 s5;
	_ =	sdelay $0x1  }
0xa2: {  	s23 =	simm.s32 $0x1B8B  }
0xa3: {  	_ =	swait.ge [sflag:s23], $0x1  }
0xa4: {  	[sflag:s23] =	ssyncset.done $0x0  }
0xa5: {  	s25 =	simm.s32 $0x1B8E;
	s24 =	sld [smem:$0x3FFE];
	[sflag:s23] =	ssyncadd.s32 $0xFFFFFFFF  }
0xa6: {  	s26 =	simm.s32 $execute0_lowered;
	[smem:$0x3FD2] =	sst s25  }
0xa7: {  	s6 =	sshll.u32 s26, $0x1;
	_ =	strace $0x80000049;
	[dreg:$0x1] =	wrdreg $0xFFFFFFFF  }
0xa8: {  	s28 =	simm.s32 $_size_execute0_lowered;
	s4 =	sadd.s32 s4, s6;
	[dreg:$0x0] =	wrdreg $0x0  }
0xa9: {  	s6 =	sshll.u32 s28, $0x1;
	[dreg:$0x2] =	wrdreg s4  }
0xaa: {  	[dreg:$0x3] =	wrdreg s6  }
0xab: {  	[dreg:$0x4] =	wrdreg $0xC0  }
0xac: {  	_ =	task [dreg:s8], $0x5FFFF  }
0xad: {  	[dreg:$0x1] =	wrdreg $0xFFFFFFFF  }
0xae: {  	[dreg:$0x0] =	wrdreg $0x60  }
0xaf: {  	[dreg:$0x2] =	wrdreg s24  }
0xb0: {  	[dreg:$0x3] =	wrdreg s18  }
0xb1: {  	[dreg:$0x4] =	wrdreg s2  }
0xb2: {  	[dreg:$0x5] =	wrdreg $0x9  }
0xb3: {  	_ =	task.clear_ibuf [dreg:s8], $0x6FFFF;
	_ =	strace $0x90000049  }
0xb4: {  	s29 =	simm.s32 $0x9;
	_ =	strace $0x8000004B  }
0xb5: {  	_ =	swait.ge [sflag:s29], $0x1  }
0xb6: {  	[sflag:s29] =	ssyncadd.s32 $0xFFFFFFFF  }
0xb7: {  	_ =	strace $0x9000004B  }
0xb8: {  	_ =	sfence  }
0xb9: {  	s30 =	sld [smem:$0x0];
	_ =	sdelay $0x2  }
0xba: {  	s31 =	sshll.u32 s1, $0xD;
	s1 =	sshrl.u32 s1, $0x2  }
0xbb: {  	s3 =	sand.u32 $0x4000, s31;
	s1 =	sadd.s32 s1, s30  }
0xbc: {  	s0 =	sor.u32 s3, s0;
	s1 =	sshll.u32 s1, $0x11  }
0xbd: {  	s0 =	sor.u32 s1, s0  }
0xbe: {  	s0 =	sadd.s32 $0x8F2B, s0  }
0xbf: {  	[sflag:s0] =	ssyncadd.remote.s32 $0x1  }
0xc0: {  	_ =	sfence.sel $0xFFFF  }
0xc1: {  	[dreg:$0x0] =	wrdreg $0xFFFFFFFF;
	(pc) =	sbr.abs _section_cstart, $3  }
0xc2: {  	[dreg:$0x1] =	wrdreg $0xFFFFFFFF  }
0xc3: {  	_ =	task.clear_ibuf [dreg:s8], $0x2FFFF;
	_ =	strace $0x9FFFFFFF  }
0xc4: {  	(tm) =	ssettm $0x7FFFFFFF  }
0xc5: {  	_ =	shalt  }
tec
execute0_lowered:
.L_overlay_start_1:
0x0: {  	(tag) =	ssettag $0x1  }
0x1: {  	s4 =	rddreg [dreg:$0x0]  }
0x2: {  	s0 =	srdreg.scid;
	s5 =	rddreg [dreg:$0x1]  }
0x3: {  	s6 =	rddreg [dreg:$0x2];
	s1 =	stileid.u32  }
0x4: {  	s2 =	simm.s32 $0x0;
	s10 =	simm.s32 $0x2800;
	s11 =	simm.s32 $0x4F10  }
0x5: {  	s12 =	simm.s32 $0x7620;
	s13 =	simm.s32 $0x9D30;
	s3 =	sand.u32 $0x1, s0  }
0x6: {  	s14 =	simm.s32 $0x0;
	s7 =	sshll.u32 s3, $0x4;
	s8 =	ssub.s32 $0x2, s3  }
0x7: {  	s0 =	rddreg [dreg:$0x3];
	s7 =	sor.u32 s1, s7;
	s31 =	sshrl.u32 s8, $0x1  }
0x8: {  	[smem:$0x7FF] =	sst s2;
	s7 =	smul.u32 $0x4E2, s7;
	s8 =	ssub.s32 s8, s31  }
0x9: {  	_ =	strace $0x8000004A;
	s3 =	sadd.s32 $0xCC00, s4;
	s8 =	smax.u32 s8, $0x1  }
0xa: {  	s9 =	sadd.s32 s7, s4;
	s5 =	sadd.s32 s5, s7;
	s6 =	sadd.s32 s6, s7  }
0xb: {  	s4 =	sadd.s32 $0x2E00, s9;
	s7 =	sadd.s32 $0xD200, s9;
	s9 =	simm.s32 $0x1  }
.LBB2_1:
0xc: {  	[tilespmem:s2], [sflag:$0x1] =	stream.linear.gather [hbm4b:s3+s2], $0x2800, $0x38;
	[tilespmem:$0xC440] =	vst v63  }
0xd: {  	_ =	swait.ge [sflag:s9], $0x2800  }
0xe: {  	[sflag:s9] =	ssyncset.done $0x0  }
0xf: {  	[sflag:s9] =	ssyncadd.s32 $0xFFFFD800  }
0x10: {  	[tilespmem:s10], [sflag:$0x1] =	stream.linear.gather [hbm4b:s4+s2], $0x2710, $0x38;
	[tilespmem:$0xC440] =	vst v63  }
0x11: {  	_ =	swait.ge [sflag:s9], $0x2710  }
0x12: {  	[sflag:s9] =	ssyncset.done $0x0  }
0x13: {  	[sflag:s9] =	ssyncadd.s32 $0xFFFFD8F0  }
0x14: {  	[tilespmem:s11], [sflag:$0x1] =	stream.linear.gather [hbm4b:s5+s2], $0x2710, $0x38;
	[tilespmem:$0xC440] =	vst v63  }
0x15: {  	_ =	swait.ge [sflag:s9], $0x2710  }
0x16: {  	[sflag:s9] =	ssyncset.done $0x0  }
0x17: {  	[sflag:s9] =	ssyncadd.s32 $0xFFFFD8F0  }
0x18: {  	[tilespmem:s12], [sflag:$0x1] =	stream.linear.gather [hbm4b:s6+s2], $0x2710, $0x38;
	[tilespmem:$0xC440] =	vst v63  }
0x19: {  	_ =	swait.ge [sflag:s9], $0x2710  }
0x1a: {  	[sflag:s9] =	ssyncset.done $0x0  }
0x1b: {  	s15 =	simm.s32 $0x0;
	[sflag:s9] =	ssyncadd.s32 $0xFFFFD8F0  }
0x1c: {  	v0 =	vld [tilespmem:s15+$0x2800];
	_ =	sdelay $0x1  }
0x1d: {  	v1 =	vld [tilespmem:s15+$0x4F10];
	_ =	sdelay $0x4  }
0x1e: {  	v2 =	vld [tilespmem:s15+$0x7620]  }
0x1f: {  	v0 =	vld.idx.msk [tilespmem:v0+s2+$0x0], $0xffff  }
0x20: {  	v3 =	vld [tilespmem:s15+$0x2810]  }
0x21: {  	v1 =	vld.idx.msk [tilespmem:v1+s2+$0x0], $0xffff  }
0x22: {  	v4 =	vld [tilespmem:s15+$0x4F20];
	_ =	sdelay $0x1  }
0x23: {  	v0 =	vmul.f32 v2, v0;
	_ =	sdelay $0x1  }
0x24: {  	v0 =	vmul.f32 v0, v1;
	_ =	sdelay $0x1  }
0x25: {  	v1 =	vld [tilespmem:s15+$0x7630];
	[tilespmem:s15+$0x9D30] =	vst v0  }
0x26: {  	v0 =	vld.idx.msk [tilespmem:v3+s2+$0x0], $0xffff  }
0x27: {  	v2 =	vld.idx.msk [tilespmem:v4+s2+$0x0], $0xffff  }
0x28: {  	v3 =	vld [tilespmem:s15+$0x2820]  }
0x29: {  	v61 =	vld [tilespmem:s15+$0x4F30];
	_ =	sdelay $0x1  }
0x2a: {  	v0 =	vmul.f32 v1, v0;
	_ =	sdelay $0x1  }
0x2b: {  	v0 =	vmul.f32 v0, v2;
	_ =	sdelay $0x1  }
0x2c: {  	v1 =	vld [tilespmem:s15+$0x7640];
	[tilespmem:s15+$0x9D40] =	vst v0  }
0x2d: {  	v0 =	vld.idx.msk [tilespmem:v3+s2+$0x0], $0xffff  }
0x2e: {  	v2 =	vld.idx.msk [tilespmem:v61+s2+$0x0], $0xffff  }
0x2f: {  	v3 =	vld [tilespmem:s15+$0x2830]  }
0x30: {  	v62 =	vld [tilespmem:s15+$0x4F40];
	_ =	sdelay $0x1  }
0x31: {  	v0 =	vmul.f32 v1, v0;
	_ =	sdelay $0x1  }
0x32: {  	v0 =	vmul.f32 v0, v2;
	_ =	sdelay $0x1  }
0x33: {  	v1 =	vld [tilespmem:s15+$0x7650];
	[tilespmem:s15+$0x9D50] =	vst v0  }
0x34: {  	v0 =	vld.idx.msk [tilespmem:v3+s2+$0x0], $0xffff  }
0x35: {  	v2 =	vld.idx.msk [tilespmem:v62+s2+$0x0], $0xffff  }
0x36: {  	v3 =	vld [tilespmem:s15+$0x2840]  }
0x37: {  	v63 =	vld [tilespmem:s15+$0x4F50];
	_ =	sdelay $0x1  }
0x38: {  	v0 =	vmul.f32 v1, v0;
	_ =	sdelay $0x1  }
0x39: {  	v0 =	vmul.f32 v0, v2;
	_ =	sdelay $0x1  }
0x3a: {  	[tilespmem:s15+$0x9D60] =	vst v0;
	v0 =	vld [tilespmem:s15+$0x7660]  }
0x3b: {  	v2 =	vld.idx.msk [tilespmem:v3+s2+$0x0], $0xffff  }
0x3c: {  	s17 =	simm.s32 $0x50;
	s16 =	simm.s32 $0x280;
	v1 =	vld.idx.msk [tilespmem:v63+s2+$0x0], $0xffff  }
.LBB2_2:
0x3d: {  	p0 =	sne.s32 s16, $0x9B00;
	v3 =	vld [tilespmem:s17+$0x2800]  }
0x3e: {  	v4 =	vld [tilespmem:s17+$0x4F10];
	_ =	sdelay $0x1  }
0x3f: {  	v0 =	vmul.f32 v0, v2;
	_ =	sdelay $0x1  }
0x40: {  	v0 =	vmul.f32 v0, v1;
	_ =	sdelay $0x1  }
0x41: {  	v1 =	vld [tilespmem:s17+$0x7620];
	[tilespmem:s15+$0x9D70] =	vst v0;
	s15 =	smov.u32 s17  }
0x42: {  	v0 =	vld.idx.msk [tilespmem:v3+s2+$0x0], $0xffff  }
0x43: {  	v2 =	vld.idx.msk [tilespmem:v4+s2+$0x0], $0xffff;
	_ =	sdelay $0x1  }
0x44: {  	v3 =	vld [tilespmem:s15+$0x2810];
	_ =	sdelay $0x1  }
0x45: {  	v4 =	vld [tilespmem:s15+$0x4F20]  }
0x46: {  	v0 =	vmul.f32 v1, v0;
	_ =	sdelay $0x1  }
0x47: {  	v0 =	vmul.f32 v0, v2;
	_ =	sdelay $0x1  }
0x48: {  	[tilespmem:s15+$0x9D30] =	vst v0  }
0x49: {  	v0 =	vld.idx.msk [tilespmem:v3+s2+$0x0], $0xffff  }
0x4a: {  	v1 =	vld [tilespmem:s15+$0x7630]  }
0x4b: {  	v2 =	vld.idx.msk [tilespmem:v4+s2+$0x0], $0xffff  }
0x4c: {  	v3 =	vld [tilespmem:s15+$0x2820];
	_ =	sdelay $0x1  }
0x4d: {  	v4 =	vld [tilespmem:s15+$0x4F30]  }
0x4e: {  	v0 =	vmul.f32 v1, v0;
	_ =	sdelay $0x1  }
0x4f: {  	v0 =	vmul.f32 v0, v2;
	_ =	sdelay $0x1  }
0x50: {  	[tilespmem:s15+$0x9D40] =	vst v0  }
0x51: {  	v0 =	vld.idx.msk [tilespmem:v3+s2+$0x0], $0xffff  }
0x52: {  	v1 =	vld [tilespmem:s15+$0x7640]  }
0x53: {  	v2 =	vld.idx.msk [tilespmem:v4+s2+$0x0], $0xffff  }
0x54: {  	v3 =	vld [tilespmem:s15+$0x2830];
	_ =	sdelay $0x1  }
0x55: {  	v4 =	vld [tilespmem:s15+$0x4F40]  }
0x56: {  	v0 =	vmul.f32 v1, v0;
	_ =	sdelay $0x1  }
0x57: {  	v0 =	vmul.f32 v0, v2;
	_ =	sdelay $0x1  }
0x58: {  	[tilespmem:s15+$0x9D50] =	vst v0  }
0x59: {  	v0 =	vld.idx.msk [tilespmem:v3+s2+$0x0], $0xffff  }
0x5a: {  	v1 =	vld [tilespmem:s15+$0x7650]  }
0x5b: {  	v2 =	vld.idx.msk [tilespmem:v4+s2+$0x0], $0xffff  }
0x5c: {  	v3 =	vld [tilespmem:s15+$0x2840]  }
0x5d: {  	v4 =	vld [tilespmem:s15+$0x4F50];
	_ =	sdelay $0x1  }
0x5e: {  	v0 =	vmul.f32 v1, v0;
	_ =	sdelay $0x1  }
0x5f: {  	v0 =	vmul.f32 v0, v2  }
.Ltmp0:
0x60: {  	(pc) =	sbr.rel @p0 .LBB2_2-.Ltmp0, $4  }
0x61: {  	[tilespmem:s15+$0x9D60] =	vst v0;
	v0 =	vld [tilespmem:s15+$0x7660]  }
0x62: {  	v2 =	vld.idx.msk [tilespmem:v3+s2+$0x0], $0xffff  }
0x63: {  	v1 =	vld.idx.msk [tilespmem:v4+s2+$0x0], $0xffff  }
0x64: {  	s17 =	sshra.s32 s16, $0x2;
	s16 =	sadd.s32 $0x140, s16  }
0x65: {  	v3 =	vld [tilespmem:s17+$0x2800];
	_ =	sdelay $0x1  }
0x66: {  	v4 =	vld [tilespmem:s17+$0x4F10]  }
0x67: {  	v0 =	vmul.f32 v0, v2;
	_ =	sdelay $0x1  }
0x68: {  	v0 =	vmul.f32 v0, v1;
	_ =	sdelay $0x1  }
0x69: {  	v45 =	vld [tilespmem:s17+$0x7620];
	[tilespmem:s15+$0x9D70] =	vst v0  }
0x6a: {  	v0 =	vld.idx.msk [tilespmem:v3+s2+$0x0], $0xffff  }
0x6b: {  	v47 =	vld [tilespmem:s17+$0x2810]  }
0x6c: {  	v46 =	vld.idx.msk [tilespmem:v4+s2+$0x0], $0xffff;
	_ =	sdelay $0x1  }
0x6d: {  	v48 =	vld [tilespmem:s17+$0x4F20]  }
0x6e: {  	v0 =	vmul.f32 v45, v0;
	_ =	sdelay $0x1  }
0x6f: {  	v0 =	vmul.f32 v0, v46;
	_ =	sdelay $0x1  }
0x70: {  	v49 =	vld [tilespmem:s17+$0x7630];
	[tilespmem:s17+$0x9D30] =	vst v0  }
0x71: {  	v0 =	vld.idx.msk [tilespmem:v47+s2+$0x0], $0xffff  }
0x72: {  	v51 =	vld [tilespmem:s17+$0x2820]  }
0x73: {  	v50 =	vld.idx.msk [tilespmem:v48+s2+$0x0], $0xffff;
	_ =	sdelay $0x1  }
0x74: {  	v52 =	vld [tilespmem:s17+$0x4F30]  }
0x75: {  	v0 =	vmul.f32 v49, v0;
	_ =	sdelay $0x1  }
0x76: {  	v0 =	vmul.f32 v0, v50;
	_ =	sdelay $0x1  }
0x77: {  	v53 =	vld [tilespmem:s17+$0x7640];
	[tilespmem:s17+$0x9D40] =	vst v0  }
0x78: {  	v0 =	vld.idx.msk [tilespmem:v51+s2+$0x0], $0xffff  }
0x79: {  	v55 =	vld [tilespmem:s17+$0x2830]  }
0x7a: {  	v54 =	vld.idx.msk [tilespmem:v52+s2+$0x0], $0xffff;
	_ =	sdelay $0x1  }
0x7b: {  	v56 =	vld [tilespmem:s17+$0x4F40]  }
0x7c: {  	v0 =	vmul.f32 v53, v0;
	_ =	sdelay $0x1  }
0x7d: {  	v0 =	vmul.f32 v0, v54;
	_ =	sdelay $0x1  }
0x7e: {  	v57 =	vld [tilespmem:s17+$0x7650];
	[tilespmem:s17+$0x9D50] =	vst v0  }
0x7f: {  	v0 =	vld.idx.msk [tilespmem:v55+s2+$0x0], $0xffff  }
0x80: {  	v59 =	vld [tilespmem:s17+$0x2840]  }
0x81: {  	v58 =	vld.idx.msk [tilespmem:v56+s2+$0x0], $0xffff;
	_ =	sdelay $0x1  }
0x82: {  	v60 =	vld [tilespmem:s17+$0x4F50]  }
0x83: {  	v0 =	vmul.f32 v57, v0;
	_ =	sdelay $0x1  }
0x84: {  	v0 =	vmul.f32 v0, v58;
	_ =	sdelay $0x1  }
0x85: {  	v61 =	vld [tilespmem:s17+$0x7660];
	[tilespmem:s17+$0x9D60] =	vst v0  }
0x86: {  	v62 =	vld.idx.msk [tilespmem:v59+s2+$0x0], $0xffff;
	_ =	sdelay $0x1  }
0x87: {  	v63 =	vld.idx.msk [tilespmem:v60+s2+$0x0], $0xffff;
	_ =	sdelay $0x2  }
0x88: {  	v0 =	vmul.f32 v61, v62;
	_ =	sdelay $0x1  }
0x89: {  	s14 =	sadd.s32 $0x1, s14;
	v0 =	vmul.f32 v0, v63  }
0x8a: {  	p0 =	sne.s32 s14, s8  }
.Ltmp1:
0x8b: {  	[tilespmem:s17+$0x9D70] =	vst v0;
	(pc) =	sbr.rel @p0 .LBB2_1-.Ltmp1, $4  }
0x8c: {  	[hbm4b:s7+s2] =	stream.linear.scatter [tilespmem:s13], [sflag:$0x1], $0x2710, $0x38;
	[tilespmem:$0xC440] =	vst v63  }
0x8d: {  	_ =	swait.ge [sflag:s9], $0x2710  }
0x8e: {  	[sflag:s9] =	ssyncset.done $0x0  }
0x8f: {  	[sflag:s9] =	ssyncadd.s32 $0xFFFFD8F0  }
0x90: {  	_ =	sfence.sel $0x180000  }
0x91: {  	[bflag:$0x0] =	sbarrier.arrive $0xFFFF  }
0x92: {  	p0 =	sne.s32 s1, $0x0;
	_ =	strace $0x9000004A  }
0x93: {  	s0 =	sadd.s32 @!p0 $0x100000, s0;
	[bflag:$0x2] =	sbarrier.arrive $0xFFFF  }
0x94: {  	[sflag:s0] =	ssyncadd.tile.s32 @!p0 $0x1;
	_ =	shalt  }
.Lfunc_end2:
_tile_overlayer_lowered:
.L_overlay_start_2:
0x95: {  	(tag) =	ssettag $0x2  }
0x96: {  	s0 =	rddreg [dreg:$0x0];
	s2 =	stileid.u32  }
0x97: {  	s1 =	rddreg [dreg:$0x1];
	p0 =	sne.s32 s2, $0x0  }
0x98: {  	s3 =	rddreg [dreg:$0x2];
	[bflag:$0x3] =	sbarrier.arrive $0xFFFF;
	s2 =	simm.s32 @!p0 $0x1C01  }
0x99: {  	[timem:s3], [sflag:s2] =	dma.local @!p0 [hbm:s0], s1  }
0x9a: {  	s0 =	simm.s32 @!p0 $0x1  }
0x9b: {  	_ =	swait.ge @!p0 [sflag:s0], s1  }
0x9c: {  	s1 =	ssub.s32 @!p0 $0x0, s1;
	[sflag:s0] =	ssyncset.done @!p0 $0x0  }
0x9d: {  	[sflag:s0] =	ssyncadd.s32 @!p0 s1  }
0x9e: {  	[bflag:$0x3] =	sbarrier.arrive $0xFFFF  }
0x9f: {  	_ =	shalt  }

// kernel: kernel.17.cloned.1.call-start
scs
__scs_entry_jumppad:
0x0: {  	(pc) =	sbr.rel $0x88, $3  }
0x1: {  	(tag) =	ssettag $0x0;
	lr =	simm.s32 $0x1  }
0x2: {  	[smem:$0x3F98] =	sst lr;
	_ =	strace $0xD0000000  }
0x3: {  	_ = 	snop  }
0x4: {  	_ = 	snop  }
0x5: {  	_ = 	snop  }
0x6: {  	_ = 	snop  }
0x7: {  	_ = 	snop  }
__scs_overlays_trampoline_lowered:
0x8: {  	[smem:$0x3FA7] =	sst s0  }
0x9: {  	[smem:$0x3FA8] =	sst s1  }
0xa: {  	[smem:$0x3FA9] =	sst s2  }
0xb: {  	[smem:$0x3FAA] =	sst s3  }
0xc: {  	[smem:$0x3FAB] =	sst s4  }
0xd: {  	[smem:$0x3FAC] =	sst s5  }
0xe: {  	[smem:$0x3FAD] =	sst s6  }
0xf: {  	[smem:$0x3FAE] =	sst s7  }
0x10: {  	[smem:$0x3FAF] =	sst s8  }
0x11: {  	[smem:$0x3FB0] =	sst s9;
	s0 =	simm.s32 @!p0 $0x0  }
0x12: {  	s1 =	sld [smem:$0x3F96];
	s0 =	simm.s32 @p0 $0x1  }
0x13: {  	[smem:$0x3FB1] =	sst s0;
	s0 =	simm.s32 @!p1 $0x0  }
0x14: {  	s2 =	sld [smem:$0x3F95];
	s0 =	simm.s32 @p1 $0x1  }
0x15: {  	[smem:$0x3FB2] =	sst s0;
	s0 =	simm.s32 @!p2 $0x0  }
0x16: {  	s3 =	sld [smem:$0x3FDB];
	s0 =	simm.s32 @p2 $0x1  }
0x17: {  	s4 =	simm.s32 $0x1BF5;
	[smem:$0x3FB4] =	sst s0  }
0x18: {  	s0 =	sld [smem:$0x3F97];
	_ =	swait.ge [sflag:s4], $0x0  }
0x19: {  	s7 =	sld [smem:$0x3F98]  }
0x1a: {  	s8 =	sadd.s32 $0xFFFFE003, lr  }
0x1b: {  	s9 =	sadd.s32 $0xFFFFFEF7, lr;
	s5 =	simm.s32 $0xFFFFFFFF;
	p2 =	slt.u32 s8, $0xFFFFF086  }
0x1c: {  	p1 =	slt.u32 s9, $0xF7A;
	s5 =	simm.s32 @!p2 $0x0  }
0x1d: {  	s5 =	simm.s32 @p1 $0x1;
	p0 =	seq.s32 s7, s2  }
0x1e: {  	s7 =	smul.u32 @!p0 $0xF7A, s2;
	p2 =	seq.s32 @!p0 s5, $0x0  }
0x1f: {  	s9 =	smul.u32 $0xF7A, s1;
	s8 =	simm.s32 @!p0 $0x1BF5;
	p2 =	por !p2, p0  }
0x20: {  	[sflag:s8] =	ssyncset.s32 @!p0 $0xFFFFF086;
	s6 =	sadd.s32 @!p0 s3, s7;
	s7 =	simm.s32 @!p0 $0x108  }
0x21: {  	s3 =	sadd.s32 s3, s9;
	s6 =	sadd.s32 @!p0 $0x88, s6;
	s7 =	simm.s32 @p2 $0x1082  }
0x22: {  	[simem:s7], [sflag:s8] =	dma.local @!p0 [hbm:s6], $0xF7A  }
0x23: {  	s9 =	sor.u32 $0xD0000000, s2;
	s6 =	simm.s32 $0x108;
	_ =	swait.ge @!p0 [sflag:s8], $0x0  }
0x24: {  	s3 =	sadd.s32 $0x88, s3;
	s6 =	simm.s32 @!p1 $0x1082;
	[sflag:s4] =	ssyncset.s32 $0xFFFFF086  }
0x25: {  	[simem:s6], [sflag:s4] =	dma.local [hbm:s3], $0xF7A  }
0x26: {  	[smem:$0x3F98] =	sst s1;
	(tag) =	ssettag s2;
	_ =	strace s9  }
0x27: {  	s1 =	sld [smem:$0x3FA8]  }
0x28: {  	s2 =	sld [smem:$0x3FA9]  }
0x29: {  	s4 =	sld [smem:$0x3FAB]  }
0x2a: {  	p0 =	seq.s32 s5, $0x0;
	s5 =	sld [smem:$0x3FAC]  }
0x2b: {  	s6 =	sld [smem:$0x3FAD]  }
0x2c: {  	s7 =	sld [smem:$0x3FAE]  }
0x2d: {  	s3 =	simm.s32 $0x108;
	s8 =	sld [smem:$0x3FAF]  }
0x2e: {  	s3 =	simm.s32 @!p0 $0x1082;
	s9 =	sld [smem:$0x3FB0]  }
0x2f: {  	lr =	sadd.s32 s0, s3;
	s0 =	sld [smem:$0x3FA7]  }
0x30: {  	s3 =	sld [smem:$0x3FAA]  }
0x31: {  	[smem:$0x3FB3] =	sst s10  }
0x32: {  	s10 =	sld [smem:$0x3FB1];
	_ =	sdelay $0x3  }
0x33: {  	p0 =	seq.s32 s10, $0x1;
	s10 =	sld [smem:$0x3FB3];
	_ =	sdelay $0x3  }
0x34: {  	[smem:$0x3FB3] =	sst s10  }
0x35: {  	s10 =	sld [smem:$0x3FB2];
	_ =	sdelay $0x3  }
0x36: {  	p1 =	seq.s32 s10, $0x1;
	s10 =	sld [smem:$0x3FB3];
	_ =	sdelay $0x3  }
0x37: {  	[smem:$0x3FB3] =	sst s10  }
0x38: {  	s10 =	sld [smem:$0x3FB4]  }
0x39: {  	_ = 	snop;
	(pc) =	sbr.ind lr, $3  }
0x3a: {  	_ = 	snop  }
0x3b: {  	_ = 	snop  }
0x3c: {  	p2 =	seq.s32 s10, $0x1;
	s10 =	sld [smem:$0x3FB3]  }
0x3d: {  	_ =	shalt  }
0x3e: {  	_ =	shalt  }
0x3f: {  	_ =	shalt  }
0x40: {  	_ =	shalt  }
0x41: {  	_ =	shalt  }
0x42: {  	_ =	shalt  }
0x43: {  	_ =	shalt  }
0x44: {  	_ =	shalt  }
0x45: {  	_ =	shalt  }
0x46: {  	_ =	shalt  }
0x47: {  	_ =	shalt  }
0x48: {  	_ =	shalt  }
0x49: {  	_ =	shalt  }
0x4a: {  	_ =	shalt  }
0x4b: {  	_ =	shalt  }
0x4c: {  	_ =	shalt  }
0x4d: {  	_ =	shalt  }
0x4e: {  	_ =	shalt  }
0x4f: {  	_ =	shalt  }
0x50: {  	_ =	shalt  }
0x51: {  	_ =	shalt  }
0x52: {  	_ =	shalt  }
0x53: {  	_ =	shalt  }
0x54: {  	_ =	shalt  }
0x55: {  	_ =	shalt  }
0x56: {  	_ =	shalt  }
0x57: {  	_ =	shalt  }
0x58: {  	_ =	shalt  }
0x59: {  	_ =	shalt  }
0x5a: {  	_ =	shalt  }
0x5b: {  	_ =	shalt  }
0x5c: {  	_ =	shalt  }
0x5d: {  	_ =	shalt  }
0x5e: {  	_ =	shalt  }
0x5f: {  	_ =	shalt  }
0x60: {  	_ =	shalt  }
0x61: {  	_ =	shalt  }
0x62: {  	_ =	shalt  }
0x63: {  	_ =	shalt  }
0x64: {  	_ =	shalt  }
0x65: {  	_ =	shalt  }
0x66: {  	_ =	shalt  }
0x67: {  	_ =	shalt  }
0x68: {  	_ =	shalt  }
0x69: {  	_ =	shalt  }
0x6a: {  	_ =	shalt  }
0x6b: {  	_ =	shalt  }
0x6c: {  	_ =	shalt  }
0x6d: {  	_ =	shalt  }
0x6e: {  	_ =	shalt  }
0x6f: {  	_ =	shalt  }
0x70: {  	_ =	shalt  }
0x71: {  	_ =	shalt  }
0x72: {  	_ =	shalt  }
0x73: {  	_ =	shalt  }
0x74: {  	_ =	shalt  }
0x75: {  	_ =	shalt  }
0x76: {  	_ =	shalt  }
0x77: {  	_ =	shalt  }
0x78: {  	_ =	shalt  }
0x79: {  	_ =	shalt  }
0x7a: {  	_ =	shalt  }
0x7b: {  	_ =	shalt  }
0x7c: {  	_ =	shalt  }
0x7d: {  	_ =	shalt  }
0x7e: {  	_ =	shalt  }
0x7f: {  	_ =	shalt  }
0x80: {  	_ =	shalt  }
0x81: {  	_ =	shalt  }
0x82: {  	_ =	shalt  }
0x83: {  	_ =	shalt  }
0x84: {  	_ =	shalt  }
0x85: {  	_ =	shalt  }
0x86: {  	_ =	shalt  }
0x87: {  	_ =	shalt  }
.Lfunc_end0:
.L_simem_size_0:
called_computation.2_lowered:
.L_overlay_start_0:
0x88: {  	s2 =	sld [smem:$0x3FD9]  }
0x89: {  	s3 =	sld [smem:$0x3FFE];
	_ =	sdelay $0x1  }
0x8a: {  	s1 =	srdreg.scid  }
0x8b: {  	s0 =	sand.u32 $0x1, s1  }
0x8c: {  	s17 =	sshll.u32 s0, $0xA;
	s2 =	sadd.s32 s3, s2  }
0x8d: {  	s2 =	sadd.s32 s2, s17  }
0x8e: {  	[smem:$0x3FBF] =	sst s2  }
0x8f: {  	_ = 	snop  }
0x90: {  	s2 =	sld [smem:$0x3FD0];
	(tm) =	ssettm $0x1  }
0x91: {  	s18 =	sld [smem:$0x3FFB];
	_ =	sdelay $0x3  }
0x92: {  	_ =	strace s18  }
0x93: {  	s3 =	sld [smem:$0x3FFC];
	_ =	sdelay $0x3  }
0x94: {  	_ =	strace s3  }
0x95: {  	s3 =	sld [smem:$0x3FFD];
	_ =	sdelay $0x3  }
0x96: {  	_ =	strace s3  }
0x97: {  	_ =	strace $0x8FFFFFFF  }
0x98: {  	s19 =	sld [smem:$0x3FDB];
	_ =	sdelay $0x1  }
0x99: {  	s4 =	simm.s32 $_scs_section_size  }
0x9a: {  	s5 =	simm.s32 $_size__tile_overlayer_lowered;
	s6 =	simm.s32 $_tile_overlayer_lowered  }
0x9b: {  	s22 =	simm.s32 $0x1BFF;
	s21 =	sshll.u32 s6, $0x1;
	s3 =	sadd.s32 s4, s19  }
0x9c: {  	s7 =	simm.s32 $0x0;
	s20 =	sshll.u32 s5, $0x1;
	s5 =	sadd.s32 s21, s3  }
0x9d: {  	[timem:s7], [sflag:s22] =	dma.local [hbm:s5], s20  }
0x9e: {  	_ =	swait.ge [sflag:s22], s20  }
0x9f: {  	s4 =	ssub.s32 $0x0, s20;
	[sflag:s22] =	ssyncset.done $0x0  }
0xa0: {  	[sflag:s22] =	ssyncadd.s32 s4;
	_ =	sdelay $0x1  }
0xa1: {  	s23 =	simm.s32 $0x1B8B  }
0xa2: {  	_ =	swait.ge [sflag:s23], $0x1  }
0xa3: {  	[sflag:s23] =	ssyncset.done $0x0  }
0xa4: {  	s25 =	simm.s32 $0x1B8E;
	s24 =	sld [smem:$0x3FFE];
	[sflag:s23] =	ssyncadd.s32 $0xFFFFFFFF  }
0xa5: {  	s26 =	simm.s32 $execute0_lowered;
	[smem:$0x3FD2] =	sst s25  }
0xa6: {  	s5 =	sshll.u32 s26, $0x1;
	_ =	strace $0x8000004C;
	[dreg:$0x1] =	wrdreg $0xFFFFFFFF  }
0xa7: {  	s28 =	simm.s32 $_size_execute0_lowered;
	s3 =	sadd.s32 s3, s5;
	[dreg:$0x0] =	wrdreg $0x0  }
0xa8: {  	s5 =	sshll.u32 s28, $0x1;
	[dreg:$0x2] =	wrdreg s3  }
0xa9: {  	[dreg:$0x3] =	wrdreg s5  }
0xaa: {  	[dreg:$0x4] =	wrdreg $0xC0  }
0xab: {  	_ =	task [dreg:s7], $0x5FFFF  }
0xac: {  	[dreg:$0x1] =	wrdreg $0xFFFFFFFF  }
0xad: {  	[dreg:$0x0] =	wrdreg $0x60  }
0xae: {  	[dreg:$0x2] =	wrdreg s24  }
0xaf: {  	[dreg:$0x3] =	wrdreg s2  }
0xb0: {  	[dreg:$0x4] =	wrdreg $0xFE600  }
0xb1: {  	[dreg:$0x5] =	wrdreg $0x9  }
0xb2: {  	_ =	task.clear_ibuf [dreg:s7], $0x6FFFF;
	_ =	strace $0x9000004C  }
0xb3: {  	s29 =	simm.s32 $0x9;
	_ =	strace $0x8000004E  }
0xb4: {  	_ =	swait.ge [sflag:s29], $0x1  }
0xb5: {  	[sflag:s29] =	ssyncadd.s32 $0xFFFFFFFF  }
0xb6: {  	_ =	strace $0x9000004E  }
0xb7: {  	_ =	sfence  }
0xb8: {  	s30 =	sld [smem:$0x0];
	_ =	sdelay $0x2  }
0xb9: {  	s31 =	sshll.u32 s1, $0xD;
	s1 =	sshrl.u32 s1, $0x2  }
0xba: {  	s3 =	sand.u32 $0x4000, s31;
	s1 =	sadd.s32 s1, s30  }
0xbb: {  	s0 =	sor.u32 s3, s0;
	s1 =	sshll.u32 s1, $0x11  }
0xbc: {  	s0 =	sor.u32 s1, s0  }
0xbd: {  	s0 =	sadd.s32 $0x8F2B, s0  }
0xbe: {  	[sflag:s0] =	ssyncadd.remote.s32 $0x1  }
0xbf: {  	_ =	sfence.sel $0xFFFF  }
0xc0: {  	[dreg:$0x0] =	wrdreg $0xFFFFFFFF;
	(pc) =	sbr.abs _section_cstart, $3  }
0xc1: {  	[dreg:$0x1] =	wrdreg $0xFFFFFFFF  }
0xc2: {  	_ =	task.clear_ibuf [dreg:s7], $0x2FFFF;
	_ =	strace $0x9FFFFFFF  }
0xc3: {  	(tm) =	ssettm $0x7FFFFFFF  }
tec
execute0_lowered:
.L_overlay_start_1:
0x0: {  	(tag) =	ssettag $0x1  }
0x1: {  	s7 =	rddreg [dreg:$0x0]  }
0x2: {  	s9 =	rddreg [dreg:$0x1]  }
0x3: {  	s2 =	rddreg [dreg:$0x2]  }
0x4: {  	s0 =	rddreg [dreg:$0x3];
	s1 =	stileid.u32  }
0x5: {  	s4 =	srdreg.scid;
	s3 =	simm.s32 $0x0;
	s16 =	simm.s32 $0x9C40  }
0x6: {  	s17 =	simm.s32 $0x50;
	s18 =	simm.s32 $0xEA60;
	s19 =	simm.s32 $0x1  }
0x7: {  	s20 =	simm.s32 $0x0;
	s11 =	sand.u32 $0x1, s4;
	s8 =	smul.u32 $0xA000, s1  }
0x8: {  	[smem:$0x7FF] =	sst s3;
	s10 =	smul.u32 $0x9C4, s1;
	s4 =	sadd.s32 $0x2AA00, s7  }
0x9: {  	s5 =	sadd.s32 $0x17000, s7;
	s31 =	sshll.u32 s1, $0x6;
	s6 =	smul.u32 $0xA0000, s11  }
0xa: {  	_ =	strace $0x8000004D;
	s14 =	ssub.s32 $0x2, s11;
	p0 =	seq.s32 s11, $0x1  }
0xb: {  	s12 =	sadd.s32 s10, s7;
	s30 =	sshrl.u32 s14, $0x1;
	s15 =	sadd.s32 s8, s2  }
.Ltmp0:
0xc: {  	s9 =	sadd.s32 s9, s10;
	s6 =	sadd.s32 s8, s6;
	(pc) =	sbr.rel .LBB2_1-.Ltmp0, $4  }
0xd: {  	s14 =	ssub.s32 s14, s30;
	s8 =	sadd.s32 $0x2E00, s12;
	s10 =	sadd.s32 $0xD200, s12  }
0xe: {  	s13 =	sshrl.u32 s6, $0x3;
	s6 =	sadd.s32 $0x3E400, s7;
	s12 =	smax.u32 s14, $0x1  }
0xf: {  	s14 =	simm.s32 $0x2;
	s13 =	sadd.s32 s13, s7;
	s7 =	sor.u32 $0x1C02, s31  }
0x10: {  	s11 =	sadd.s32 $0x3F800, s13;
	s13 =	sshrl.u32 s15, $0x3;
	s15 =	simm.s32 $0x4E20  }
.LBB2_8:
0x11: {  	s20 =	sadd.s32 $0x1, s20  }
0x12: {  	p1 =	sne.s32 s20, s12  }
.Ltmp1:
0x13: {  	[bflag:$0x0] =	sbarrier.arrive $0xFFFF;
	(pc) =	sbr.rel @!p1 .LBB2_9-.Ltmp1, $4  }
0x14: {  	[hbm:s11], [sflag:s7] =	dma.local [spmem:s13], $0x1400  }
0x15: {  	_ =	swait.ge [sflag:s14], $0x1400  }
0x16: {  	[sflag:s14] =	ssyncset.done $0x0  }
0x17: {  	[sflag:s14] =	ssyncadd.s32 $0xFFFFEC00  }
.LBB2_1:
0x18: {  	[spmem:s13], [sflag:s7] =	dma.local [hbm:s6], $0x1400  }
0x19: {  	_ =	swait.ge [sflag:s14], $0x1400  }
0x1a: {  	[sflag:s14] =	ssyncset.done $0x0  }
0x1b: {  	[sflag:s14] =	ssyncadd.s32 $0xFFFFEC00  }
0x1c: {  	[tilespmem:s3], [sflag:$0x2] =	stream.linear.gather [hbm4b:s8+s3], $0x4E20, $0x38;
	[tilespmem:$0x19E60] =	vst v63  }
0x1d: {  	_ =	swait.ge [sflag:s14], $0x4E20  }
0x1e: {  	[sflag:s14] =	ssyncset.done $0x0  }
0x1f: {  	[sflag:s14] =	ssyncadd.s32 $0xFFFFB1E0  }
0x20: {  	[tilespmem:s15], [sflag:$0x2] =	stream.linear.gather [hbm4b:s9+s3], $0x4E20, $0x38;
	[tilespmem:$0x19E60] =	vst v63  }
0x21: {  	_ =	swait.ge [sflag:s14], $0x4E20  }
0x22: {  	[sflag:s14] =	ssyncset.done $0x0  }
0x23: {  	[sflag:s14] =	ssyncadd.s32 $0xFFFFB1E0  }
0x24: {  	[tilespmem:s16], [sflag:$0x2] =	stream.linear.gather [hbm4b:s10+s3], $0x4E20, $0x38;
	[tilespmem:$0x19E60] =	vst v63  }
.Ltmp2:
0x25: {  	_ =	swait.ge [sflag:s14], $0x4E20;
	(pc) =	sbr.rel @!p0 .LBB2_2-.Ltmp2, $4  }
0x26: {  	[sflag:s14] =	ssyncset.done $0x0  }
0x27: {  	[sflag:s14] =	ssyncadd.s32 $0xFFFFB1E0  }
0x28: {  	[bflag:$0x0] =	sbarrier.arrive $0xFFFF  }
0x29: {  	s21 =	simm.s32 $0x0;
	s22 =	simm.s32 $0x0  }
.LBB2_5:
0x2a: {  	v0 =	vmov s22  }
0x2b: {  	v0 =	vmul.u32 $0x50, v0  }
0x2c: {  	s23 =	simm.s32 $0x0  }
0x2d: {  	s21 =	smul.u32 $0x50, s22;
	v1 =	vmov s23;
	v0 =	vbroadcast v0, $0x0  }
0x2e: {  	v2 =	vand.u32 $0x78, v1  }
0x2f: {  	[tilespmem:s18], [sflag:$0x1] =	stream.indirect.gather [hbm4b:s5+s17], $0x40, s21, s17, $0xb8;
	v1 =	vand.u32 $0x7, v1;
	v2 =	vadd.s32 v0, v2;
	[tilespmem:$0x19E60] =	vst v63  }
0x30: {  	_ =	swait.ge [sflag:s19], $0x1400;
	v1 =	vor.u32 v1, v2  }
0x31: {  	[sflag:s19] =	ssyncset.done $0x0  }
0x32: {  	s23 =	simm.s32 $0xEA80;
	[sflag:s19] =	ssyncadd.s32 $0xFFFFEC00  }
0x33: {  	v3 =	vld [tilespmem:s23+$0xFFFFFFF0]  }
0x34: {  	v4 =	vld [tilespmem:s23+$0x10]  }
0x35: {  	v6 =	vld.idx.msk [tilespmem:v1+s16+$0x0], $0xffff  }
0x36: {  	v1 =	vld [tilespmem:s23+$0xFFFFFFE0]  }
0x37: {  	v7 =	vld [tilespmem:s23+$0x0]  }
0x38: {  	s24 =	simm.s32 $0x1  }
0x39: {  	v2 =	vmov s24  }
0x3a: {  	v5 =	vand.u32 $0x78, v2;
	v8 =	vand.u32 $0x7, v2  }
0x3b: {  	v9 =	vadd.s32 v0, v5;
	v2 =	vmul.f32 v1, v6;
	v5 =	vmul.f32 v4, v6  }
0x3c: {  	s25 =	simm.s32 $0xEA80;
	s24 =	simm.s32 $0x2;
	v1 =	vor.u32 v8, v9;
	v4 =	vmul.f32 v3, v6;
	v3 =	vmul.f32 v7, v6  }
.LBB2_6:
0x3d: {  	p1 =	sne.s32 s24, $0x4F  }
0x3e: {  	[tilespmem:s23+$0x10] =	vst v5;
	s25 =	sadd.s32 $0x40, s25;
	s26 =	smov.u32 s24;
	s24 =	sadd.s32 $0x1, s24  }
0x3f: {  	[tilespmem:s23+$0xFFFFFFE0] =	vst v2  }
0x40: {  	v6 =	vld [tilespmem:s25+$0xFFFFFFF0];
	[tilespmem:s23+$0xFFFFFFF0] =	vst v4  }
0x41: {  	v4 =	vld [tilespmem:s25+$0x10];
	[tilespmem:s23+$0x0] =	vst v3;
	s23 =	smov.u32 s25  }
0x42: {  	v3 =	vld.idx.msk [tilespmem:v1+s16+$0x0], $0xffff  }
0x43: {  	v1 =	vld [tilespmem:s25+$0xFFFFFFE0]  }
0x44: {  	v7 =	vld [tilespmem:s25+$0x0]  }
.Ltmp3:
0x45: {  	(pc) =	sbr.rel @p1 .LBB2_6-.Ltmp3, $4  }
0x46: {  	v2 =	vmov s26  }
0x47: {  	v5 =	vand.u32 $0x78, v2;
	v8 =	vand.u32 $0x7, v2  }
0x48: {  	v9 =	vadd.s32 v0, v5;
	v5 =	vmul.f32 v4, v3;
	v2 =	vmul.f32 v1, v3  }
0x49: {  	v4 =	vmul.f32 v6, v3;
	v1 =	vor.u32 v8, v9;
	v3 =	vmul.f32 v7, v3  }
0x4a: {  	[tilespmem:s23+$0x10] =	vst v5  }
0x4b: {  	s24 =	sadd.s32 $0x40, s25;
	[tilespmem:s23+$0xFFFFFFE0] =	vst v2  }
0x4c: {  	v0 =	vld [tilespmem:s24+$0xFFFFFFF0];
	[tilespmem:s23+$0xFFFFFFF0] =	vst v4  }
0x4d: {  	v2 =	vld [tilespmem:s24+$0x10];
	[tilespmem:s23+$0x0] =	vst v3  }
0x4e: {  	v1 =	vld.idx.msk [tilespmem:v1+s16+$0x0], $0xffff  }
0x4f: {  	v3 =	vld [tilespmem:s24+$0xFFFFFFE0];
	_ =	sdelay $0x1  }
0x50: {  	v4 =	vld [tilespmem:s24+$0x0];
	_ =	sdelay $0x1  }
0x51: {  	v2 =	vmul.f32 v2, v1  }
0x52: {  	v3 =	vmul.f32 v3, v1  }
0x53: {  	v0 =	vmul.f32 v0, v1;
	[tilespmem:s24+$0x10] =	vst v2  }
0x54: {  	v1 =	vmul.f32 v4, v1;
	[tilespmem:s24+$0xFFFFFFE0] =	vst v3  }
0x55: {  	s22 =	sadd.s32 $0x1, s22;
	[tilespmem:s24+$0xFFFFFFF0] =	vst v0  }
0x56: {  	s21 =	sadd.s32 $0x4E20, s21;
	p1 =	sne.s32 s22, $0xFA;
	[tilespmem:s24+$0x0] =	vst v1  }
0x57: {  	[spmem:s2] =	stream.indirect.scatter.add.f32 [tilespmem:s18], [sflag:$0x2], $0x40, s21, s17, $0xb8;
	[tilespmem:$0x19E60] =	vst v63  }
.Ltmp4:
0x58: {  	_ = 	snop;
	(pc) =	sbr.rel @p1 .LBB2_5-.Ltmp4, $4  }
.Ltmp5:
0x59: {  	_ = 	snop;
	(pc) =	sbr.rel @!p1 .LBB2_8-.Ltmp5, $4  }
0x5a: {  	_ =	swait.ge [sflag:s14], $0x1400  }
0x5b: {  	[sflag:s14] =	ssyncset.done $0x0  }
0x5c: {  	[sflag:s14] =	ssyncadd.s32 $0xFFFFEC00  }
0x5d: {  	_ = 	snop  }
.LBB2_2:
0x5e: {  	v0 =	vmov s21  }
0x5f: {  	v0 =	vmul.u32 $0x50, v0  }
0x60: {  	s23 =	simm.s32 $0x0  }
0x61: {  	s22 =	smul.u32 $0x50, s21;
	v1 =	vmov s23;
	v0 =	vbroadcast v0, $0x0  }
0x62: {  	v2 =	vand.u32 $0x78, v1  }
0x63: {  	[tilespmem:s18], [sflag:$0x1] =	stream.indirect.gather [hbm4b:s4+s17], $0x40, s22, s17, $0xb8;
	v1 =	vand.u32 $0x7, v1;
	v2 =	vadd.s32 v0, v2;
	[tilespmem:$0x19E60] =	vst v63  }
0x64: {  	_ =	swait.ge [sflag:s19], $0x1400;
	v1 =	vor.u32 v1, v2  }
0x65: {  	[sflag:s19] =	ssyncset.done $0x0  }
0x66: {  	s23 =	simm.s32 $0xEA80;
	[sflag:s19] =	ssyncadd.s32 $0xFFFFEC00  }
0x67: {  	v3 =	vld [tilespmem:s23+$0xFFFFFFF0]  }
0x68: {  	v4 =	vld [tilespmem:s23+$0x10]  }
0x69: {  	v6 =	vld.idx.msk [tilespmem:v1+s16+$0x0], $0xffff  }
0x6a: {  	v1 =	vld [tilespmem:s23+$0xFFFFFFE0]  }
0x6b: {  	v7 =	vld [tilespmem:s23+$0x0]  }
0x6c: {  	s24 =	simm.s32 $0x1  }
0x6d: {  	v2 =	vmov s24  }
0x6e: {  	v5 =	vand.u32 $0x78, v2;
	v8 =	vand.u32 $0x7, v2  }
0x6f: {  	v9 =	vadd.s32 v0, v5;
	v2 =	vmul.f32 v1, v6;
	v5 =	vmul.f32 v4, v6  }
0x70: {  	s25 =	simm.s32 $0xEA80;
	s24 =	simm.s32 $0x2;
	v1 =	vor.u32 v8, v9;
	v4 =	vmul.f32 v3, v6;
	v3 =	vmul.f32 v7, v6  }
.LBB2_3:
0x71: {  	p1 =	sne.s32 s24, $0x4F  }
0x72: {  	[tilespmem:s23+$0x10] =	vst v5;
	s25 =	sadd.s32 $0x40, s25;
	s26 =	smov.u32 s24;
	s24 =	sadd.s32 $0x1, s24  }
0x73: {  	[tilespmem:s23+$0xFFFFFFE0] =	vst v2  }
0x74: {  	v6 =	vld [tilespmem:s25+$0xFFFFFFF0];
	[tilespmem:s23+$0xFFFFFFF0] =	vst v4  }
0x75: {  	v4 =	vld [tilespmem:s25+$0x10];
	[tilespmem:s23+$0x0] =	vst v3;
	s23 =	smov.u32 s25  }
0x76: {  	v3 =	vld.idx.msk [tilespmem:v1+s16+$0x0], $0xffff  }
0x77: {  	v1 =	vld [tilespmem:s25+$0xFFFFFFE0]  }
0x78: {  	v7 =	vld [tilespmem:s25+$0x0]  }
.Ltmp6:
0x79: {  	(pc) =	sbr.rel @p1 .LBB2_3-.Ltmp6, $4  }
0x7a: {  	v2 =	vmov s26  }
0x7b: {  	v5 =	vand.u32 $0x78, v2;
	v8 =	vand.u32 $0x7, v2  }
0x7c: {  	v9 =	vadd.s32 v0, v5;
	v5 =	vmul.f32 v4, v3;
	v2 =	vmul.f32 v1, v3  }
0x7d: {  	v4 =	vmul.f32 v6, v3;
	v1 =	vor.u32 v8, v9;
	v3 =	vmul.f32 v7, v3  }
0x7e: {  	[tilespmem:s23+$0x10] =	vst v5  }
0x7f: {  	s24 =	sadd.s32 $0x40, s25;
	[tilespmem:s23+$0xFFFFFFE0] =	vst v2  }
0x80: {  	v0 =	vld [tilespmem:s24+$0xFFFFFFF0];
	[tilespmem:s23+$0xFFFFFFF0] =	vst v4  }
0x81: {  	v2 =	vld [tilespmem:s24+$0x10];
	[tilespmem:s23+$0x0] =	vst v3  }
0x82: {  	v1 =	vld.idx.msk [tilespmem:v1+s16+$0x0], $0xffff  }
0x83: {  	v3 =	vld [tilespmem:s24+$0xFFFFFFE0];
	_ =	sdelay $0x1  }
0x84: {  	v4 =	vld [tilespmem:s24+$0x0];
	_ =	sdelay $0x1  }
0x85: {  	v2 =	vmul.f32 v2, v1  }
0x86: {  	v3 =	vmul.f32 v3, v1  }
0x87: {  	v0 =	vmul.f32 v0, v1;
	[tilespmem:s24+$0x10] =	vst v2  }
0x88: {  	v1 =	vmul.f32 v4, v1;
	[tilespmem:s24+$0xFFFFFFE0] =	vst v3  }
0x89: {  	s21 =	sadd.s32 $0x1, s21;
	[tilespmem:s24+$0xFFFFFFF0] =	vst v0  }
0x8a: {  	s22 =	sadd.s32 $0x4E20, s22;
	p1 =	seq.s32 s21, $0xFA;
	[tilespmem:s24+$0x0] =	vst v1  }
0x8b: {  	[spmem:s2] =	stream.indirect.scatter.add.f32 [tilespmem:s18], [sflag:$0x2], $0x40, s22, s17, $0xb8;
	[tilespmem:$0x19E60] =	vst v63  }
.Ltmp7:
0x8c: {  	_ = 	snop;
	(pc) =	sbr.rel @!p1 .LBB2_2-.Ltmp7, $4  }
.Ltmp8:
0x8d: {  	_ = 	snop;
	(pc) =	sbr.rel @p1 .LBB2_8-.Ltmp8, $4  }
0x8e: {  	_ =	swait.ge [sflag:s14], $0x1400  }
0x8f: {  	[sflag:s14] =	ssyncset.done $0x0  }
0x90: {  	[sflag:s14] =	ssyncadd.s32 $0xFFFFEC00  }
0x91: {  	_ = 	snop  }
.LBB2_9:
0x92: {  	_ =	sfence.sel $0x180000  }
0x93: {  	[bflag:$0x0] =	sbarrier.arrive $0xFFFF  }
0x94: {  	p0 =	sne.s32 s1, $0x0;
	_ =	strace $0x9000004D  }
0x95: {  	s0 =	sadd.s32 @!p0 $0x100000, s0;
	[bflag:$0x2] =	sbarrier.arrive $0xFFFF  }
0x96: {  	[sflag:s0] =	ssyncadd.tile.s32 @!p0 $0x1;
	_ =	shalt  }
.Lfunc_end2:
_tile_overlayer_lowered:
.L_overlay_start_2:
0x97: {  	(tag) =	ssettag $0x2  }
0x98: {  	s0 =	rddreg [dreg:$0x0];
	s2 =	stileid.u32  }
0x99: {  	s1 =	rddreg [dreg:$0x1];
	p0 =	sne.s32 s2, $0x0  }
0x9a: {  	s3 =	rddreg [dreg:$0x2];
	[bflag:$0x3] =	sbarrier.arrive $0xFFFF;
	s2 =	simm.s32 @!p0 $0x1C02  }
0x9b: {  	[timem:s3], [sflag:s2] =	dma.local @!p0 [hbm:s0], s1  }
0x9c: {  	s0 =	simm.s32 @!p0 $0x2  }
0x9d: {  	_ =	swait.ge @!p0 [sflag:s0], s1  }
0x9e: {  	s1 =	ssub.s32 @!p0 $0x0, s1;
	[sflag:s0] =	ssyncset.done @!p0 $0x0  }
0x9f: {  	[sflag:s0] =	ssyncadd.s32 @!p0 s1  }
0xa0: {  	[bflag:$0x3] =	sbarrier.arrive $0xFFFF  }
0xa1: {  	_ =	shalt  }

// kernel: kernel.20.cloned.1.call-start
scs
__scs_entry_jumppad:
0x0: {  	(pc) =	sbr.rel $0x88, $3  }
0x1: {  	(tag) =	ssettag $0x0;
	lr =	simm.s32 $0x1  }
0x2: {  	[smem:$0x3F98] =	sst lr;
	_ =	strace $0xD0000000  }
0x3: {  	_ = 	snop  }
0x4: {  	_ = 	snop  }
0x5: {  	_ = 	snop  }
0x6: {  	_ = 	snop  }
0x7: {  	_ = 	snop  }
__scs_overlays_trampoline_lowered:
0x8: {  	[smem:$0x3FA7] =	sst s0  }
0x9: {  	[smem:$0x3FA8] =	sst s1  }
0xa: {  	[smem:$0x3FA9] =	sst s2  }
0xb: {  	[smem:$0x3FAA] =	sst s3  }
0xc: {  	[smem:$0x3FAB] =	sst s4  }
0xd: {  	[smem:$0x3FAC] =	sst s5  }
0xe: {  	[smem:$0x3FAD] =	sst s6  }
0xf: {  	[smem:$0x3FAE] =	sst s7  }
0x10: {  	[smem:$0x3FAF] =	sst s8  }
0x11: {  	[smem:$0x3FB0] =	sst s9;
	s0 =	simm.s32 @!p0 $0x0  }
0x12: {  	s1 =	sld [smem:$0x3F96];
	s0 =	simm.s32 @p0 $0x1  }
0x13: {  	[smem:$0x3FB1] =	sst s0;
	s0 =	simm.s32 @!p1 $0x0  }
0x14: {  	s2 =	sld [smem:$0x3F95];
	s0 =	simm.s32 @p1 $0x1  }
0x15: {  	[smem:$0x3FB2] =	sst s0;
	s0 =	simm.s32 @!p2 $0x0  }
0x16: {  	s3 =	sld [smem:$0x3FDB];
	s0 =	simm.s32 @p2 $0x1  }
0x17: {  	s4 =	simm.s32 $0x1BF5;
	[smem:$0x3FB4] =	sst s0  }
0x18: {  	s0 =	sld [smem:$0x3F97];
	_ =	swait.ge [sflag:s4], $0x0  }
0x19: {  	s7 =	sld [smem:$0x3F98]  }
0x1a: {  	s8 =	sadd.s32 $0xFFFFE003, lr  }
0x1b: {  	s9 =	sadd.s32 $0xFFFFFEF7, lr;
	s5 =	simm.s32 $0xFFFFFFFF;
	p2 =	slt.u32 s8, $0xFFFFF086  }
0x1c: {  	p1 =	slt.u32 s9, $0xF7A;
	s5 =	simm.s32 @!p2 $0x0  }
0x1d: {  	s5 =	simm.s32 @p1 $0x1;
	p0 =	seq.s32 s7, s2  }
0x1e: {  	s7 =	smul.u32 @!p0 $0xF7A, s2;
	p2 =	seq.s32 @!p0 s5, $0x0  }
0x1f: {  	s9 =	smul.u32 $0xF7A, s1;
	s8 =	simm.s32 @!p0 $0x1BF5;
	p2 =	por !p2, p0  }
0x20: {  	[sflag:s8] =	ssyncset.s32 @!p0 $0xFFFFF086;
	s6 =	sadd.s32 @!p0 s3, s7;
	s7 =	simm.s32 @!p0 $0x108  }
0x21: {  	s3 =	sadd.s32 s3, s9;
	s6 =	sadd.s32 @!p0 $0x88, s6;
	s7 =	simm.s32 @p2 $0x1082  }
0x22: {  	[simem:s7], [sflag:s8] =	dma.local @!p0 [hbm:s6], $0xF7A  }
0x23: {  	s9 =	sor.u32 $0xD0000000, s2;
	s6 =	simm.s32 $0x108;
	_ =	swait.ge @!p0 [sflag:s8], $0x0  }
0x24: {  	s3 =	sadd.s32 $0x88, s3;
	s6 =	simm.s32 @!p1 $0x1082;
	[sflag:s4] =	ssyncset.s32 $0xFFFFF086  }
0x25: {  	[simem:s6], [sflag:s4] =	dma.local [hbm:s3], $0xF7A  }
0x26: {  	[smem:$0x3F98] =	sst s1;
	(tag) =	ssettag s2;
	_ =	strace s9  }
0x27: {  	s1 =	sld [smem:$0x3FA8]  }
0x28: {  	s2 =	sld [smem:$0x3FA9]  }
0x29: {  	s4 =	sld [smem:$0x3FAB]  }
0x2a: {  	p0 =	seq.s32 s5, $0x0;
	s5 =	sld [smem:$0x3FAC]  }
0x2b: {  	s6 =	sld [smem:$0x3FAD]  }
0x2c: {  	s7 =	sld [smem:$0x3FAE]  }
0x2d: {  	s3 =	simm.s32 $0x108;
	s8 =	sld [smem:$0x3FAF]  }
0x2e: {  	s3 =	simm.s32 @!p0 $0x1082;
	s9 =	sld [smem:$0x3FB0]  }
0x2f: {  	lr =	sadd.s32 s0, s3;
	s0 =	sld [smem:$0x3FA7]  }
0x30: {  	s3 =	sld [smem:$0x3FAA]  }
0x31: {  	[smem:$0x3FB3] =	sst s10  }
0x32: {  	s10 =	sld [smem:$0x3FB1];
	_ =	sdelay $0x3  }
0x33: {  	p0 =	seq.s32 s10, $0x1;
	s10 =	sld [smem:$0x3FB3];
	_ =	sdelay $0x3  }
0x34: {  	[smem:$0x3FB3] =	sst s10  }
0x35: {  	s10 =	sld [smem:$0x3FB2];
	_ =	sdelay $0x3  }
0x36: {  	p1 =	seq.s32 s10, $0x1;
	s10 =	sld [smem:$0x3FB3];
	_ =	sdelay $0x3  }
0x37: {  	[smem:$0x3FB3] =	sst s10  }
0x38: {  	s10 =	sld [smem:$0x3FB4]  }
0x39: {  	_ = 	snop;
	(pc) =	sbr.ind lr, $3  }
0x3a: {  	_ = 	snop  }
0x3b: {  	_ = 	snop  }
0x3c: {  	p2 =	seq.s32 s10, $0x1;
	s10 =	sld [smem:$0x3FB3]  }
0x3d: {  	_ =	shalt  }
0x3e: {  	_ =	shalt  }
0x3f: {  	_ =	shalt  }
0x40: {  	_ =	shalt  }
0x41: {  	_ =	shalt  }
0x42: {  	_ =	shalt  }
0x43: {  	_ =	shalt  }
0x44: {  	_ =	shalt  }
0x45: {  	_ =	shalt  }
0x46: {  	_ =	shalt  }
0x47: {  	_ =	shalt  }
0x48: {  	_ =	shalt  }
0x49: {  	_ =	shalt  }
0x4a: {  	_ =	shalt  }
0x4b: {  	_ =	shalt  }
0x4c: {  	_ =	shalt  }
0x4d: {  	_ =	shalt  }
0x4e: {  	_ =	shalt  }
0x4f: {  	_ =	shalt  }
0x50: {  	_ =	shalt  }
0x51: {  	_ =	shalt  }
0x52: {  	_ =	shalt  }
0x53: {  	_ =	shalt  }
0x54: {  	_ =	shalt  }
0x55: {  	_ =	shalt  }
0x56: {  	_ =	shalt  }
0x57: {  	_ =	shalt  }
0x58: {  	_ =	shalt  }
0x59: {  	_ =	shalt  }
0x5a: {  	_ =	shalt  }
0x5b: {  	_ =	shalt  }
0x5c: {  	_ =	shalt  }
0x5d: {  	_ =	shalt  }
0x5e: {  	_ =	shalt  }
0x5f: {  	_ =	shalt  }
0x60: {  	_ =	shalt  }
0x61: {  	_ =	shalt  }
0x62: {  	_ =	shalt  }
0x63: {  	_ =	shalt  }
0x64: {  	_ =	shalt  }
0x65: {  	_ =	shalt  }
0x66: {  	_ =	shalt  }
0x67: {  	_ =	shalt  }
0x68: {  	_ =	shalt  }
0x69: {  	_ =	shalt  }
0x6a: {  	_ =	shalt  }
0x6b: {  	_ =	shalt  }
0x6c: {  	_ =	shalt  }
0x6d: {  	_ =	shalt  }
0x6e: {  	_ =	shalt  }
0x6f: {  	_ =	shalt  }
0x70: {  	_ =	shalt  }
0x71: {  	_ =	shalt  }
0x72: {  	_ =	shalt  }
0x73: {  	_ =	shalt  }
0x74: {  	_ =	shalt  }
0x75: {  	_ =	shalt  }
0x76: {  	_ =	shalt  }
0x77: {  	_ =	shalt  }
0x78: {  	_ =	shalt  }
0x79: {  	_ =	shalt  }
0x7a: {  	_ =	shalt  }
0x7b: {  	_ =	shalt  }
0x7c: {  	_ =	shalt  }
0x7d: {  	_ =	shalt  }
0x7e: {  	_ =	shalt  }
0x7f: {  	_ =	shalt  }
0x80: {  	_ =	shalt  }
0x81: {  	_ =	shalt  }
0x82: {  	_ =	shalt  }
0x83: {  	_ =	shalt  }
0x84: {  	_ =	shalt  }
0x85: {  	_ =	shalt  }
0x86: {  	_ =	shalt  }
0x87: {  	_ =	shalt  }
.Lfunc_end0:
.L_simem_size_0:
called_computation.3_lowered:
.L_overlay_start_0:
0x88: {  	s2 =	sld [smem:$0x3FD9]  }
0x89: {  	s3 =	sld [smem:$0x3FFE];
	_ =	sdelay $0x1  }
0x8a: {  	s1 =	srdreg.scid  }
0x8b: {  	s0 =	sand.u32 $0x1, s1  }
0x8c: {  	s17 =	sshll.u32 s0, $0xA;
	s2 =	sadd.s32 s3, s2  }
0x8d: {  	s2 =	sadd.s32 s2, s17  }
0x8e: {  	[smem:$0x3FBF] =	sst s2  }
0x8f: {  	_ = 	snop  }
0x90: {  	s2 =	sld [smem:$0x3FD0];
	(tm) =	ssettm $0x1  }
0x91: {  	s18 =	sld [smem:$0x3FFB];
	_ =	sdelay $0x3  }
0x92: {  	_ =	strace s18  }
0x93: {  	s3 =	sld [smem:$0x3FFC];
	_ =	sdelay $0x3  }
0x94: {  	_ =	strace s3  }
0x95: {  	s3 =	sld [smem:$0x3FFD];
	_ =	sdelay $0x3  }
0x96: {  	_ =	strace s3  }
0x97: {  	_ =	strace $0x8FFFFFFF  }
0x98: {  	s19 =	sld [smem:$0x3FDB];
	_ =	sdelay $0x1  }
0x99: {  	s4 =	simm.s32 $_scs_section_size  }
0x9a: {  	s5 =	simm.s32 $_size__tile_overlayer_lowered;
	s6 =	simm.s32 $_tile_overlayer_lowered  }
0x9b: {  	s22 =	simm.s32 $0x1BFF;
	s21 =	sshll.u32 s6, $0x1;
	s3 =	sadd.s32 s4, s19  }
0x9c: {  	s7 =	simm.s32 $0x0;
	s20 =	sshll.u32 s5, $0x1;
	s5 =	sadd.s32 s21, s3  }
0x9d: {  	[timem:s7], [sflag:s22] =	dma.local [hbm:s5], s20  }
0x9e: {  	_ =	swait.ge [sflag:s22], s20  }
0x9f: {  	s4 =	ssub.s32 $0x0, s20;
	[sflag:s22] =	ssyncset.done $0x0  }
0xa0: {  	[sflag:s22] =	ssyncadd.s32 s4;
	_ =	sdelay $0x1  }
0xa1: {  	s23 =	simm.s32 $0x1B8B  }
0xa2: {  	_ =	swait.ge [sflag:s23], $0x1  }
0xa3: {  	[sflag:s23] =	ssyncset.done $0x0  }
0xa4: {  	s25 =	simm.s32 $0x1B8E;
	s24 =	sld [smem:$0x3FFE];
	[sflag:s23] =	ssyncadd.s32 $0xFFFFFFFF  }
0xa5: {  	s26 =	simm.s32 $execute0_lowered;
	[smem:$0x3FD2] =	sst s25  }
0xa6: {  	s5 =	sshll.u32 s26, $0x1;
	_ =	strace $0x8000004F;
	[dreg:$0x1] =	wrdreg $0xFFFFFFFF  }
0xa7: {  	s28 =	simm.s32 $_size_execute0_lowered;
	s3 =	sadd.s32 s3, s5;
	[dreg:$0x0] =	wrdreg $0x0  }
0xa8: {  	s5 =	sshll.u32 s28, $0x1;
	[dreg:$0x2] =	wrdreg s3  }
0xa9: {  	[dreg:$0x3] =	wrdreg s5  }
0xaa: {  	[dreg:$0x4] =	wrdreg $0xC0  }
0xab: {  	_ =	task [dreg:s7], $0x5FFFF  }
0xac: {  	[dreg:$0x1] =	wrdreg $0xFFFFFFFF  }
0xad: {  	[dreg:$0x0] =	wrdreg $0x60  }
0xae: {  	[dreg:$0x2] =	wrdreg s24  }
0xaf: {  	[dreg:$0x3] =	wrdreg s2  }
0xb0: {  	[dreg:$0x4] =	wrdreg $0xFE600  }
0xb1: {  	[dreg:$0x5] =	wrdreg $0x9  }
0xb2: {  	_ =	task.clear_ibuf [dreg:s7], $0x6FFFF;
	_ =	strace $0x9000004F  }
0xb3: {  	s29 =	simm.s32 $0x9;
	_ =	strace $0x80000051  }
0xb4: {  	_ =	swait.ge [sflag:s29], $0x1  }
0xb5: {  	[sflag:s29] =	ssyncadd.s32 $0xFFFFFFFF  }
0xb6: {  	_ =	strace $0x90000051  }
0xb7: {  	_ =	sfence  }
0xb8: {  	s30 =	sld [smem:$0x0];
	_ =	sdelay $0x2  }
0xb9: {  	s31 =	sshll.u32 s1, $0xD;
	s1 =	sshrl.u32 s1, $0x2  }
0xba: {  	s3 =	sand.u32 $0x4000, s31;
	s1 =	sadd.s32 s1, s30  }
0xbb: {  	s0 =	sor.u32 s3, s0;
	s1 =	sshll.u32 s1, $0x11  }
0xbc: {  	s0 =	sor.u32 s1, s0  }
0xbd: {  	s0 =	sadd.s32 $0x8F2B, s0  }
0xbe: {  	[sflag:s0] =	ssyncadd.remote.s32 $0x1  }
0xbf: {  	_ =	sfence.sel $0xFFFF  }
0xc0: {  	[dreg:$0x0] =	wrdreg $0xFFFFFFFF;
	(pc) =	sbr.abs _section_cstart, $3  }
0xc1: {  	[dreg:$0x1] =	wrdreg $0xFFFFFFFF  }
0xc2: {  	_ =	task.clear_ibuf [dreg:s7], $0x2FFFF;
	_ =	strace $0x9FFFFFFF  }
0xc3: {  	(tm) =	ssettm $0x7FFFFFFF  }
tec
execute0_lowered:
.L_overlay_start_1:
0x0: {  	(tag) =	ssettag $0x1  }
0x1: {  	s7 =	rddreg [dreg:$0x0]  }
0x2: {  	s9 =	rddreg [dreg:$0x1]  }
0x3: {  	s2 =	rddreg [dreg:$0x2]  }
0x4: {  	s0 =	rddreg [dreg:$0x3];
	s1 =	stileid.u32  }
0x5: {  	s4 =	srdreg.scid;
	s3 =	simm.s32 $0x0;
	s16 =	simm.s32 $0x9C40  }
0x6: {  	s17 =	simm.s32 $0x50;
	s18 =	simm.s32 $0xEA60;
	s19 =	simm.s32 $0x1  }
0x7: {  	s20 =	simm.s32 $0x0;
	s11 =	sand.u32 $0x1, s4;
	s8 =	smul.u32 $0xA000, s1  }
0x8: {  	[smem:$0x7FF] =	sst s3;
	s10 =	smul.u32 $0x9C4, s1;
	s4 =	sadd.s32 $0x2AA00, s7  }
0x9: {  	s5 =	sadd.s32 $0x17000, s7;
	s31 =	sshll.u32 s1, $0x6;
	s6 =	smul.u32 $0xA0000, s11  }
0xa: {  	_ =	strace $0x80000050;
	s14 =	ssub.s32 $0x2, s11;
	p0 =	seq.s32 s11, $0x1  }
0xb: {  	s12 =	sadd.s32 s10, s7;
	s30 =	sshrl.u32 s14, $0x1;
	s15 =	sadd.s32 s8, s2  }
.Ltmp0:
0xc: {  	s9 =	sadd.s32 s9, s10;
	s6 =	sadd.s32 s8, s6;
	(pc) =	sbr.rel .LBB2_1-.Ltmp0, $4  }
0xd: {  	s14 =	ssub.s32 s14, s30;
	s8 =	sadd.s32 $0x2E00, s12;
	s10 =	sadd.s32 $0xD200, s12  }
0xe: {  	s13 =	sshrl.u32 s6, $0x3;
	s6 =	sadd.s32 $0x3E400, s7;
	s12 =	smax.u32 s14, $0x1  }
0xf: {  	s14 =	simm.s32 $0x2;
	s13 =	sadd.s32 s13, s7;
	s7 =	sor.u32 $0x1C02, s31  }
0x10: {  	s11 =	sadd.s32 $0x3F800, s13;
	s13 =	sshrl.u32 s15, $0x3;
	s15 =	simm.s32 $0x4E20  }
.LBB2_8:
0x11: {  	s20 =	sadd.s32 $0x1, s20  }
0x12: {  	p1 =	sne.s32 s20, s12  }
.Ltmp1:
0x13: {  	[bflag:$0x0] =	sbarrier.arrive $0xFFFF;
	(pc) =	sbr.rel @!p1 .LBB2_9-.Ltmp1, $4  }
0x14: {  	[hbm:s11], [sflag:s7] =	dma.local [spmem:s13], $0x1400  }
0x15: {  	_ =	swait.ge [sflag:s14], $0x1400  }
0x16: {  	[sflag:s14] =	ssyncset.done $0x0  }
0x17: {  	[sflag:s14] =	ssyncadd.s32 $0xFFFFEC00  }
.LBB2_1:
0x18: {  	[spmem:s13], [sflag:s7] =	dma.local [hbm:s6], $0x1400  }
0x19: {  	_ =	swait.ge [sflag:s14], $0x1400  }
0x1a: {  	[sflag:s14] =	ssyncset.done $0x0  }
0x1b: {  	[sflag:s14] =	ssyncadd.s32 $0xFFFFEC00  }
0x1c: {  	[tilespmem:s3], [sflag:$0x2] =	stream.linear.gather [hbm4b:s8+s3], $0x4E20, $0x38;
	[tilespmem:$0x19E60] =	vst v63  }
0x1d: {  	_ =	swait.ge [sflag:s14], $0x4E20  }
0x1e: {  	[sflag:s14] =	ssyncset.done $0x0  }
0x1f: {  	[sflag:s14] =	ssyncadd.s32 $0xFFFFB1E0  }
0x20: {  	[tilespmem:s15], [sflag:$0x2] =	stream.linear.gather [hbm4b:s9+s3], $0x4E20, $0x38;
	[tilespmem:$0x19E60] =	vst v63  }
0x21: {  	_ =	swait.ge [sflag:s14], $0x4E20  }
0x22: {  	[sflag:s14] =	ssyncset.done $0x0  }
0x23: {  	[sflag:s14] =	ssyncadd.s32 $0xFFFFB1E0  }
0x24: {  	[tilespmem:s16], [sflag:$0x2] =	stream.linear.gather [hbm4b:s10+s3], $0x4E20, $0x38;
	[tilespmem:$0x19E60] =	vst v63  }
.Ltmp2:
0x25: {  	_ =	swait.ge [sflag:s14], $0x4E20;
	(pc) =	sbr.rel @!p0 .LBB2_2-.Ltmp2, $4  }
0x26: {  	[sflag:s14] =	ssyncset.done $0x0  }
0x27: {  	[sflag:s14] =	ssyncadd.s32 $0xFFFFB1E0  }
0x28: {  	[bflag:$0x0] =	sbarrier.arrive $0xFFFF  }
0x29: {  	s21 =	simm.s32 $0x0;
	s22 =	simm.s32 $0x0  }
.LBB2_5:
0x2a: {  	v0 =	vmov s22  }
0x2b: {  	v0 =	vmul.u32 $0x50, v0  }
0x2c: {  	s23 =	simm.s32 $0x0  }
0x2d: {  	s21 =	smul.u32 $0x50, s22;
	v1 =	vmov s23;
	v0 =	vbroadcast v0, $0x0  }
0x2e: {  	v2 =	vand.u32 $0x78, v1  }
0x2f: {  	[tilespmem:s18], [sflag:$0x1] =	stream.indirect.gather [hbm4b:s5+s17], $0x40, s21, s17, $0xb8;
	v1 =	vand.u32 $0x7, v1;
	v2 =	vadd.s32 v0, v2;
	[tilespmem:$0x19E60] =	vst v63  }
0x30: {  	_ =	swait.ge [sflag:s19], $0x1400;
	v1 =	vor.u32 v1, v2  }
0x31: {  	[sflag:s19] =	ssyncset.done $0x0  }
0x32: {  	s23 =	simm.s32 $0xEA80;
	[sflag:s19] =	ssyncadd.s32 $0xFFFFEC00  }
0x33: {  	v3 =	vld [tilespmem:s23+$0xFFFFFFF0]  }
0x34: {  	v4 =	vld [tilespmem:s23+$0x10]  }
0x35: {  	v6 =	vld.idx.msk [tilespmem:v1+s16+$0x0], $0xffff  }
0x36: {  	v1 =	vld [tilespmem:s23+$0xFFFFFFE0]  }
0x37: {  	v7 =	vld [tilespmem:s23+$0x0]  }
0x38: {  	s24 =	simm.s32 $0x1  }
0x39: {  	v2 =	vmov s24  }
0x3a: {  	v5 =	vand.u32 $0x78, v2;
	v8 =	vand.u32 $0x7, v2  }
0x3b: {  	v9 =	vadd.s32 v0, v5;
	v2 =	vmul.f32 v1, v6;
	v5 =	vmul.f32 v4, v6  }
0x3c: {  	s25 =	simm.s32 $0xEA80;
	s24 =	simm.s32 $0x2;
	v1 =	vor.u32 v8, v9;
	v4 =	vmul.f32 v3, v6;
	v3 =	vmul.f32 v7, v6  }
.LBB2_6:
0x3d: {  	p1 =	sne.s32 s24, $0x4F  }
0x3e: {  	[tilespmem:s23+$0x10] =	vst v5;
	s25 =	sadd.s32 $0x40, s25;
	s26 =	smov.u32 s24;
	s24 =	sadd.s32 $0x1, s24  }
0x3f: {  	[tilespmem:s23+$0xFFFFFFE0] =	vst v2  }
0x40: {  	v6 =	vld [tilespmem:s25+$0xFFFFFFF0];
	[tilespmem:s23+$0xFFFFFFF0] =	vst v4  }
0x41: {  	v4 =	vld [tilespmem:s25+$0x10];
	[tilespmem:s23+$0x0] =	vst v3;
	s23 =	smov.u32 s25  }
0x42: {  	v3 =	vld.idx.msk [tilespmem:v1+s16+$0x0], $0xffff  }
0x43: {  	v1 =	vld [tilespmem:s25+$0xFFFFFFE0]  }
0x44: {  	v7 =	vld [tilespmem:s25+$0x0]  }
.Ltmp3:
0x45: {  	(pc) =	sbr.rel @p1 .LBB2_6-.Ltmp3, $4  }
0x46: {  	v2 =	vmov s26  }
0x47: {  	v5 =	vand.u32 $0x78, v2;
	v8 =	vand.u32 $0x7, v2  }
0x48: {  	v9 =	vadd.s32 v0, v5;
	v5 =	vmul.f32 v4, v3;
	v2 =	vmul.f32 v1, v3  }
0x49: {  	v4 =	vmul.f32 v6, v3;
	v1 =	vor.u32 v8, v9;
	v3 =	vmul.f32 v7, v3  }
0x4a: {  	[tilespmem:s23+$0x10] =	vst v5  }
0x4b: {  	s24 =	sadd.s32 $0x40, s25;
	[tilespmem:s23+$0xFFFFFFE0] =	vst v2  }
0x4c: {  	v0 =	vld [tilespmem:s24+$0xFFFFFFF0];
	[tilespmem:s23+$0xFFFFFFF0] =	vst v4  }
0x4d: {  	v2 =	vld [tilespmem:s24+$0x10];
	[tilespmem:s23+$0x0] =	vst v3  }
0x4e: {  	v1 =	vld.idx.msk [tilespmem:v1+s16+$0x0], $0xffff  }
0x4f: {  	v3 =	vld [tilespmem:s24+$0xFFFFFFE0];
	_ =	sdelay $0x1  }
0x50: {  	v4 =	vld [tilespmem:s24+$0x0];
	_ =	sdelay $0x1  }
0x51: {  	v2 =	vmul.f32 v2, v1  }
0x52: {  	v3 =	vmul.f32 v3, v1  }
0x53: {  	v0 =	vmul.f32 v0, v1;
	[tilespmem:s24+$0x10] =	vst v2  }
0x54: {  	v1 =	vmul.f32 v4, v1;
	[tilespmem:s24+$0xFFFFFFE0] =	vst v3  }
0x55: {  	s22 =	sadd.s32 $0x1, s22;
	[tilespmem:s24+$0xFFFFFFF0] =	vst v0  }
0x56: {  	s21 =	sadd.s32 $0x4E20, s21;
	p1 =	sne.s32 s22, $0xFA;
	[tilespmem:s24+$0x0] =	vst v1  }
0x57: {  	[spmem:s2] =	stream.indirect.scatter.add.f32 [tilespmem:s18], [sflag:$0x2], $0x40, s21, s17, $0xb8;
	[tilespmem:$0x19E60] =	vst v63  }
.Ltmp4:
0x58: {  	_ = 	snop;
	(pc) =	sbr.rel @p1 .LBB2_5-.Ltmp4, $4  }
.Ltmp5:
0x59: {  	_ = 	snop;
	(pc) =	sbr.rel @!p1 .LBB2_8-.Ltmp5, $4  }
0x5a: {  	_ =	swait.ge [sflag:s14], $0x1400  }
0x5b: {  	[sflag:s14] =	ssyncset.done $0x0  }
0x5c: {  	[sflag:s14] =	ssyncadd.s32 $0xFFFFEC00  }
0x5d: {  	_ = 	snop  }
.LBB2_2:
0x5e: {  	v0 =	vmov s21  }
0x5f: {  	v0 =	vmul.u32 $0x50, v0  }
0x60: {  	s23 =	simm.s32 $0x0  }
0x61: {  	s22 =	smul.u32 $0x50, s21;
	v1 =	vmov s23;
	v0 =	vbroadcast v0, $0x0  }
0x62: {  	v2 =	vand.u32 $0x78, v1  }
0x63: {  	[tilespmem:s18], [sflag:$0x1] =	stream.indirect.gather [hbm4b:s4+s17], $0x40, s22, s17, $0xb8;
	v1 =	vand.u32 $0x7, v1;
	v2 =	vadd.s32 v0, v2;
	[tilespmem:$0x19E60] =	vst v63  }
0x64: {  	_ =	swait.ge [sflag:s19], $0x1400;
	v1 =	vor.u32 v1, v2  }
0x65: {  	[sflag:s19] =	ssyncset.done $0x0  }
0x66: {  	s23 =	simm.s32 $0xEA80;
	[sflag:s19] =	ssyncadd.s32 $0xFFFFEC00  }
0x67: {  	v3 =	vld [tilespmem:s23+$0xFFFFFFF0]  }
0x68: {  	v4 =	vld [tilespmem:s23+$0x10]  }
0x69: {  	v6 =	vld.idx.msk [tilespmem:v1+s16+$0x0], $0xffff  }
0x6a: {  	v1 =	vld [tilespmem:s23+$0xFFFFFFE0]  }
0x6b: {  	v7 =	vld [tilespmem:s23+$0x0]  }
0x6c: {  	s24 =	simm.s32 $0x1  }
0x6d: {  	v2 =	vmov s24  }
0x6e: {  	v5 =	vand.u32 $0x78, v2;
	v8 =	vand.u32 $0x7, v2  }
0x6f: {  	v9 =	vadd.s32 v0, v5;
	v2 =	vmul.f32 v1, v6;
	v5 =	vmul.f32 v4, v6  }
0x70: {  	s25 =	simm.s32 $0xEA80;
	s24 =	simm.s32 $0x2;
	v1 =	vor.u32 v8, v9;
	v4 =	vmul.f32 v3, v6;
	v3 =	vmul.f32 v7, v6  }
.LBB2_3:
0x71: {  	p1 =	sne.s32 s24, $0x4F  }
0x72: {  	[tilespmem:s23+$0x10] =	vst v5;
	s25 =	sadd.s32 $0x40, s25;
	s26 =	smov.u32 s24;
	s24 =	sadd.s32 $0x1, s24  }
0x73: {  	[tilespmem:s23+$0xFFFFFFE0] =	vst v2  }
0x74: {  	v6 =	vld [tilespmem:s25+$0xFFFFFFF0];
	[tilespmem:s23+$0xFFFFFFF0] =	vst v4  }
0x75: {  	v4 =	vld [tilespmem:s25+$0x10];
	[tilespmem:s23+$0x0] =	vst v3;
	s23 =	smov.u32 s25  }
0x76: {  	v3 =	vld.idx.msk [tilespmem:v1+s16+$0x0], $0xffff  }
0x77: {  	v1 =	vld [tilespmem:s25+$0xFFFFFFE0]  }
0x78: {  	v7 =	vld [tilespmem:s25+$0x0]  }
.Ltmp6:
0x79: {  	(pc) =	sbr.rel @p1 .LBB2_3-.Ltmp6, $4  }
0x7a: {  	v2 =	vmov s26  }
0x7b: {  	v5 =	vand.u32 $0x78, v2;
	v8 =	vand.u32 $0x7, v2  }
0x7c: {  	v9 =	vadd.s32 v0, v5;
	v5 =	vmul.f32 v4, v3;
	v2 =	vmul.f32 v1, v3  }
0x7d: {  	v4 =	vmul.f32 v6, v3;
	v1 =	vor.u32 v8, v9;
	v3 =	vmul.f32 v7, v3  }
0x7e: {  	[tilespmem:s23+$0x10] =	vst v5  }
0x7f: {  	s24 =	sadd.s32 $0x40, s25;
	[tilespmem:s23+$0xFFFFFFE0] =	vst v2  }
0x80: {  	v0 =	vld [tilespmem:s24+$0xFFFFFFF0];
	[tilespmem:s23+$0xFFFFFFF0] =	vst v4  }
0x81: {  	v2 =	vld [tilespmem:s24+$0x10];
	[tilespmem:s23+$0x0] =	vst v3  }
0x82: {  	v1 =	vld.idx.msk [tilespmem:v1+s16+$0x0], $0xffff  }
0x83: {  	v3 =	vld [tilespmem:s24+$0xFFFFFFE0];
	_ =	sdelay $0x1  }
0x84: {  	v4 =	vld [tilespmem:s24+$0x0];
	_ =	sdelay $0x1  }
0x85: {  	v2 =	vmul.f32 v2, v1  }
0x86: {  	v3 =	vmul.f32 v3, v1  }
0x87: {  	v0 =	vmul.f32 v0, v1;
	[tilespmem:s24+$0x10] =	vst v2  }
0x88: {  	v1 =	vmul.f32 v4, v1;
	[tilespmem:s24+$0xFFFFFFE0] =	vst v3  }
0x89: {  	s21 =	sadd.s32 $0x1, s21;
	[tilespmem:s24+$0xFFFFFFF0] =	vst v0  }
0x8a: {  	s22 =	sadd.s32 $0x4E20, s22;
	p1 =	seq.s32 s21, $0xFA;
	[tilespmem:s24+$0x0] =	vst v1  }
0x8b: {  	[spmem:s2] =	stream.indirect.scatter.add.f32 [tilespmem:s18], [sflag:$0x2], $0x40, s22, s17, $0xb8;
	[tilespmem:$0x19E60] =	vst v63  }
.Ltmp7:
0x8c: {  	_ = 	snop;
	(pc) =	sbr.rel @!p1 .LBB2_2-.Ltmp7, $4  }
.Ltmp8:
0x8d: {  	_ = 	snop;
	(pc) =	sbr.rel @p1 .LBB2_8-.Ltmp8, $4  }
0x8e: {  	_ =	swait.ge [sflag:s14], $0x1400  }
0x8f: {  	[sflag:s14] =	ssyncset.done $0x0  }
0x90: {  	[sflag:s14] =	ssyncadd.s32 $0xFFFFEC00  }
0x91: {  	_ = 	snop  }
.LBB2_9:
0x92: {  	_ =	sfence.sel $0x180000  }
0x93: {  	[bflag:$0x0] =	sbarrier.arrive $0xFFFF  }
0x94: {  	p0 =	sne.s32 s1, $0x0;
	_ =	strace $0x90000050  }
0x95: {  	s0 =	sadd.s32 @!p0 $0x100000, s0;
	[bflag:$0x2] =	sbarrier.arrive $0xFFFF  }
0x96: {  	[sflag:s0] =	ssyncadd.tile.s32 @!p0 $0x1;
	_ =	shalt  }
.Lfunc_end2:
_tile_overlayer_lowered:
.L_overlay_start_2:
0x97: {  	(tag) =	ssettag $0x2  }
0x98: {  	s0 =	rddreg [dreg:$0x0];
	s2 =	stileid.u32  }
0x99: {  	s1 =	rddreg [dreg:$0x1];
	p0 =	sne.s32 s2, $0x0  }
0x9a: {  	s3 =	rddreg [dreg:$0x2];
	[bflag:$0x3] =	sbarrier.arrive $0xFFFF;
	s2 =	simm.s32 @!p0 $0x1C02  }
0x9b: {  	[timem:s3], [sflag:s2] =	dma.local @!p0 [hbm:s0], s1  }
0x9c: {  	s0 =	simm.s32 @!p0 $0x2  }
0x9d: {  	_ =	swait.ge @!p0 [sflag:s0], s1  }
0x9e: {  	s1 =	ssub.s32 @!p0 $0x0, s1;
	[sflag:s0] =	ssyncset.done @!p0 $0x0  }
0x9f: {  	[sflag:s0] =	ssyncadd.s32 @!p0 s1  }
0xa0: {  	[bflag:$0x3] =	sbarrier.arrive $0xFFFF  }
0xa1: {  	_ =	shalt  }

// kernel: kernel.23.cloned.1.call-start
scs
__scs_entry_jumppad:
0x0: {  	(pc) =	sbr.rel $0x88, $3  }
0x1: {  	(tag) =	ssettag $0x0;
	lr =	simm.s32 $0x1  }
0x2: {  	[smem:$0x3F98] =	sst lr;
	_ =	strace $0xD0000000  }
0x3: {  	_ = 	snop  }
0x4: {  	_ = 	snop  }
0x5: {  	_ = 	snop  }
0x6: {  	_ = 	snop  }
0x7: {  	_ = 	snop  }
__scs_overlays_trampoline_lowered:
0x8: {  	[smem:$0x3FA7] =	sst s0  }
0x9: {  	[smem:$0x3FA8] =	sst s1  }
0xa: {  	[smem:$0x3FA9] =	sst s2  }
0xb: {  	[smem:$0x3FAA] =	sst s3  }
0xc: {  	[smem:$0x3FAB] =	sst s4  }
0xd: {  	[smem:$0x3FAC] =	sst s5  }
0xe: {  	[smem:$0x3FAD] =	sst s6  }
0xf: {  	[smem:$0x3FAE] =	sst s7  }
0x10: {  	[smem:$0x3FAF] =	sst s8  }
0x11: {  	[smem:$0x3FB0] =	sst s9;
	s0 =	simm.s32 @!p0 $0x0  }
0x12: {  	s1 =	sld [smem:$0x3F96];
	s0 =	simm.s32 @p0 $0x1  }
0x13: {  	[smem:$0x3FB1] =	sst s0;
	s0 =	simm.s32 @!p1 $0x0  }
0x14: {  	s2 =	sld [smem:$0x3F95];
	s0 =	simm.s32 @p1 $0x1  }
0x15: {  	[smem:$0x3FB2] =	sst s0;
	s0 =	simm.s32 @!p2 $0x0  }
0x16: {  	s3 =	sld [smem:$0x3FDB];
	s0 =	simm.s32 @p2 $0x1  }
0x17: {  	s4 =	simm.s32 $0x1BF5;
	[smem:$0x3FB4] =	sst s0  }
0x18: {  	s0 =	sld [smem:$0x3F97];
	_ =	swait.ge [sflag:s4], $0x0  }
0x19: {  	s7 =	sld [smem:$0x3F98]  }
0x1a: {  	s8 =	sadd.s32 $0xFFFFE003, lr  }
0x1b: {  	s9 =	sadd.s32 $0xFFFFFEF7, lr;
	s5 =	simm.s32 $0xFFFFFFFF;
	p2 =	slt.u32 s8, $0xFFFFF086  }
0x1c: {  	p1 =	slt.u32 s9, $0xF7A;
	s5 =	simm.s32 @!p2 $0x0  }
0x1d: {  	s5 =	simm.s32 @p1 $0x1;
	p0 =	seq.s32 s7, s2  }
0x1e: {  	s7 =	smul.u32 @!p0 $0xF7A, s2;
	p2 =	seq.s32 @!p0 s5, $0x0  }
0x1f: {  	s9 =	smul.u32 $0xF7A, s1;
	s8 =	simm.s32 @!p0 $0x1BF5;
	p2 =	por !p2, p0  }
0x20: {  	[sflag:s8] =	ssyncset.s32 @!p0 $0xFFFFF086;
	s6 =	sadd.s32 @!p0 s3, s7;
	s7 =	simm.s32 @!p0 $0x108  }
0x21: {  	s3 =	sadd.s32 s3, s9;
	s6 =	sadd.s32 @!p0 $0x88, s6;
	s7 =	simm.s32 @p2 $0x1082  }
0x22: {  	[simem:s7], [sflag:s8] =	dma.local @!p0 [hbm:s6], $0xF7A  }
0x23: {  	s9 =	sor.u32 $0xD0000000, s2;
	s6 =	simm.s32 $0x108;
	_ =	swait.ge @!p0 [sflag:s8], $0x0  }
0x24: {  	s3 =	sadd.s32 $0x88, s3;
	s6 =	simm.s32 @!p1 $0x1082;
	[sflag:s4] =	ssyncset.s32 $0xFFFFF086  }
0x25: {  	[simem:s6], [sflag:s4] =	dma.local [hbm:s3], $0xF7A  }
0x26: {  	[smem:$0x3F98] =	sst s1;
	(tag) =	ssettag s2;
	_ =	strace s9  }
0x27: {  	s1 =	sld [smem:$0x3FA8]  }
0x28: {  	s2 =	sld [smem:$0x3FA9]  }
0x29: {  	s4 =	sld [smem:$0x3FAB]  }
0x2a: {  	p0 =	seq.s32 s5, $0x0;
	s5 =	sld [smem:$0x3FAC]  }
0x2b: {  	s6 =	sld [smem:$0x3FAD]  }
0x2c: {  	s7 =	sld [smem:$0x3FAE]  }
0x2d: {  	s3 =	simm.s32 $0x108;
	s8 =	sld [smem:$0x3FAF]  }
0x2e: {  	s3 =	simm.s32 @!p0 $0x1082;
	s9 =	sld [smem:$0x3FB0]  }
0x2f: {  	lr =	sadd.s32 s0, s3;
	s0 =	sld [smem:$0x3FA7]  }
0x30: {  	s3 =	sld [smem:$0x3FAA]  }
0x31: {  	[smem:$0x3FB3] =	sst s10  }
0x32: {  	s10 =	sld [smem:$0x3FB1];
	_ =	sdelay $0x3  }
0x33: {  	p0 =	seq.s32 s10, $0x1;
	s10 =	sld [smem:$0x3FB3];
	_ =	sdelay $0x3  }
0x34: {  	[smem:$0x3FB3] =	sst s10  }
0x35: {  	s10 =	sld [smem:$0x3FB2];
	_ =	sdelay $0x3  }
0x36: {  	p1 =	seq.s32 s10, $0x1;
	s10 =	sld [smem:$0x3FB3];
	_ =	sdelay $0x3  }
0x37: {  	[smem:$0x3FB3] =	sst s10  }
0x38: {  	s10 =	sld [smem:$0x3FB4]  }
0x39: {  	_ = 	snop;
	(pc) =	sbr.ind lr, $3  }
0x3a: {  	_ = 	snop  }
0x3b: {  	_ = 	snop  }
0x3c: {  	p2 =	seq.s32 s10, $0x1;
	s10 =	sld [smem:$0x3FB3]  }
0x3d: {  	_ =	shalt  }
0x3e: {  	_ =	shalt  }
0x3f: {  	_ =	shalt  }
0x40: {  	_ =	shalt  }
0x41: {  	_ =	shalt  }
0x42: {  	_ =	shalt  }
0x43: {  	_ =	shalt  }
0x44: {  	_ =	shalt  }
0x45: {  	_ =	shalt  }
0x46: {  	_ =	shalt  }
0x47: {  	_ =	shalt  }
0x48: {  	_ =	shalt  }
0x49: {  	_ =	shalt  }
0x4a: {  	_ =	shalt  }
0x4b: {  	_ =	shalt  }
0x4c: {  	_ =	shalt  }
0x4d: {  	_ =	shalt  }
0x4e: {  	_ =	shalt  }
0x4f: {  	_ =	shalt  }
0x50: {  	_ =	shalt  }
0x51: {  	_ =	shalt  }
0x52: {  	_ =	shalt  }
0x53: {  	_ =	shalt  }
0x54: {  	_ =	shalt  }
0x55: {  	_ =	shalt  }
0x56: {  	_ =	shalt  }
0x57: {  	_ =	shalt  }
0x58: {  	_ =	shalt  }
0x59: {  	_ =	shalt  }
0x5a: {  	_ =	shalt  }
0x5b: {  	_ =	shalt  }
0x5c: {  	_ =	shalt  }
0x5d: {  	_ =	shalt  }
0x5e: {  	_ =	shalt  }
0x5f: {  	_ =	shalt  }
0x60: {  	_ =	shalt  }
0x61: {  	_ =	shalt  }
0x62: {  	_ =	shalt  }
0x63: {  	_ =	shalt  }
0x64: {  	_ =	shalt  }
0x65: {  	_ =	shalt  }
0x66: {  	_ =	shalt  }
0x67: {  	_ =	shalt  }
0x68: {  	_ =	shalt  }
0x69: {  	_ =	shalt  }
0x6a: {  	_ =	shalt  }
0x6b: {  	_ =	shalt  }
0x6c: {  	_ =	shalt  }
0x6d: {  	_ =	shalt  }
0x6e: {  	_ =	shalt  }
0x6f: {  	_ =	shalt  }
0x70: {  	_ =	shalt  }
0x71: {  	_ =	shalt  }
0x72: {  	_ =	shalt  }
0x73: {  	_ =	shalt  }
0x74: {  	_ =	shalt  }
0x75: {  	_ =	shalt  }
0x76: {  	_ =	shalt  }
0x77: {  	_ =	shalt  }
0x78: {  	_ =	shalt  }
0x79: {  	_ =	shalt  }
0x7a: {  	_ =	shalt  }
0x7b: {  	_ =	shalt  }
0x7c: {  	_ =	shalt  }
0x7d: {  	_ =	shalt  }
0x7e: {  	_ =	shalt  }
0x7f: {  	_ =	shalt  }
0x80: {  	_ =	shalt  }
0x81: {  	_ =	shalt  }
0x82: {  	_ =	shalt  }
0x83: {  	_ =	shalt  }
0x84: {  	_ =	shalt  }
0x85: {  	_ =	shalt  }
0x86: {  	_ =	shalt  }
0x87: {  	_ =	shalt  }
.Lfunc_end0:
.L_simem_size_0:
called_computation.4_lowered:
.L_overlay_start_0:
0x88: {  	s2 =	sld [smem:$0x3FD9]  }
0x89: {  	s3 =	sld [smem:$0x3FFE];
	_ =	sdelay $0x1  }
0x8a: {  	s1 =	srdreg.scid  }
0x8b: {  	s0 =	sand.u32 $0x1, s1  }
0x8c: {  	s17 =	sshll.u32 s0, $0xA;
	s2 =	sadd.s32 s3, s2  }
0x8d: {  	s2 =	sadd.s32 s2, s17  }
0x8e: {  	[smem:$0x3FBF] =	sst s2  }
0x8f: {  	_ = 	snop  }
0x90: {  	s2 =	sld [smem:$0x3FD0];
	(tm) =	ssettm $0x1  }
0x91: {  	s18 =	sld [smem:$0x3FFB];
	_ =	sdelay $0x3  }
0x92: {  	_ =	strace s18  }
0x93: {  	s3 =	sld [smem:$0x3FFC];
	_ =	sdelay $0x3  }
0x94: {  	_ =	strace s3  }
0x95: {  	s3 =	sld [smem:$0x3FFD];
	_ =	sdelay $0x3  }
0x96: {  	_ =	strace s3  }
0x97: {  	_ =	strace $0x8FFFFFFF  }
0x98: {  	s19 =	sld [smem:$0x3FDB];
	_ =	sdelay $0x1  }
0x99: {  	s4 =	simm.s32 $_scs_section_size  }
0x9a: {  	s5 =	simm.s32 $_size__tile_overlayer_lowered;
	s6 =	simm.s32 $_tile_overlayer_lowered  }
0x9b: {  	s22 =	simm.s32 $0x1BFF;
	s21 =	sshll.u32 s6, $0x1;
	s3 =	sadd.s32 s4, s19  }
0x9c: {  	s7 =	simm.s32 $0x0;
	s20 =	sshll.u32 s5, $0x1;
	s5 =	sadd.s32 s21, s3  }
0x9d: {  	[timem:s7], [sflag:s22] =	dma.local [hbm:s5], s20  }
0x9e: {  	_ =	swait.ge [sflag:s22], s20  }
0x9f: {  	s4 =	ssub.s32 $0x0, s20;
	[sflag:s22] =	ssyncset.done $0x0  }
0xa0: {  	[sflag:s22] =	ssyncadd.s32 s4;
	_ =	sdelay $0x1  }
0xa1: {  	s23 =	simm.s32 $0x1B8B  }
0xa2: {  	_ =	swait.ge [sflag:s23], $0x1  }
0xa3: {  	[sflag:s23] =	ssyncset.done $0x0  }
0xa4: {  	s25 =	simm.s32 $0x1B8E;
	s24 =	sld [smem:$0x3FFE];
	[sflag:s23] =	ssyncadd.s32 $0xFFFFFFFF  }
0xa5: {  	s26 =	simm.s32 $execute0_lowered;
	[smem:$0x3FD2] =	sst s25  }
0xa6: {  	s5 =	sshll.u32 s26, $0x1;
	_ =	strace $0x80000052;
	[dreg:$0x1] =	wrdreg $0xFFFFFFFF  }
0xa7: {  	s28 =	simm.s32 $_size_execute0_lowered;
	s3 =	sadd.s32 s3, s5;
	[dreg:$0x0] =	wrdreg $0x0  }
0xa8: {  	s5 =	sshll.u32 s28, $0x1;
	[dreg:$0x2] =	wrdreg s3  }
0xa9: {  	[dreg:$0x3] =	wrdreg s5  }
0xaa: {  	[dreg:$0x4] =	wrdreg $0xC0  }
0xab: {  	_ =	task [dreg:s7], $0x5FFFF  }
0xac: {  	[dreg:$0x1] =	wrdreg $0xFFFFFFFF  }
0xad: {  	[dreg:$0x0] =	wrdreg $0x60  }
0xae: {  	[dreg:$0x2] =	wrdreg s24  }
0xaf: {  	[dreg:$0x3] =	wrdreg s2  }
0xb0: {  	[dreg:$0x4] =	wrdreg $0xF4600  }
0xb1: {  	[dreg:$0x5] =	wrdreg $0x9  }
0xb2: {  	_ =	task.clear_ibuf [dreg:s7], $0x6FFFF;
	_ =	strace $0x90000052  }
0xb3: {  	s29 =	simm.s32 $0x9;
	_ =	strace $0x80000054  }
0xb4: {  	_ =	swait.ge [sflag:s29], $0x1  }
0xb5: {  	[sflag:s29] =	ssyncadd.s32 $0xFFFFFFFF  }
0xb6: {  	_ =	strace $0x90000054  }
0xb7: {  	_ =	sfence  }
0xb8: {  	s30 =	sld [smem:$0x0];
	_ =	sdelay $0x2  }
0xb9: {  	s31 =	sshll.u32 s1, $0xD;
	s1 =	sshrl.u32 s1, $0x2  }
0xba: {  	s3 =	sand.u32 $0x4000, s31;
	s1 =	sadd.s32 s1, s30  }
0xbb: {  	s0 =	sor.u32 s3, s0;
	s1 =	sshll.u32 s1, $0x11  }
0xbc: {  	s0 =	sor.u32 s1, s0  }
0xbd: {  	s0 =	sadd.s32 $0x8F2B, s0  }
0xbe: {  	[sflag:s0] =	ssyncadd.remote.s32 $0x1  }
0xbf: {  	_ =	sfence.sel $0xFFFF  }
0xc0: {  	[dreg:$0x0] =	wrdreg $0xFFFFFFFF;
	(pc) =	sbr.abs _section_cstart, $3  }
0xc1: {  	[dreg:$0x1] =	wrdreg $0xFFFFFFFF  }
0xc2: {  	_ =	task.clear_ibuf [dreg:s7], $0x2FFFF;
	_ =	strace $0x9FFFFFFF  }
0xc3: {  	(tm) =	ssettm $0x7FFFFFFF  }
tec
execute0_lowered:
.L_overlay_start_1:
0x0: {  	(tag) =	ssettag $0x1  }
0x1: {  	s7 =	rddreg [dreg:$0x0]  }
0x2: {  	s9 =	rddreg [dreg:$0x1]  }
0x3: {  	s2 =	rddreg [dreg:$0x2]  }
0x4: {  	s0 =	rddreg [dreg:$0x3];
	s1 =	stileid.u32  }
0x5: {  	s4 =	srdreg.scid;
	s3 =	simm.s32 $0x0;
	s16 =	simm.s32 $0x9C40  }
0x6: {  	s17 =	simm.s32 $0x50;
	s18 =	simm.s32 $0xEA60;
	s19 =	simm.s32 $0x1  }
0x7: {  	s20 =	simm.s32 $0x0;
	s11 =	sand.u32 $0x1, s4;
	s8 =	smul.u32 $0x5000, s1  }
0x8: {  	[smem:$0x7FF] =	sst s3;
	s10 =	smul.u32 $0x9C4, s1;
	s4 =	sadd.s32 $0x20E00, s7  }
0x9: {  	s5 =	sadd.s32 $0x17000, s7;
	s31 =	sshll.u32 s1, $0x6;
	s6 =	smul.u32 $0x50000, s11  }
0xa: {  	_ =	strace $0x80000053;
	s14 =	ssub.s32 $0x2, s11;
	p0 =	seq.s32 s11, $0x1  }
0xb: {  	s12 =	sadd.s32 s10, s7;
	s30 =	sshrl.u32 s14, $0x1;
	s15 =	sadd.s32 s8, s2  }
.Ltmp0:
0xc: {  	s9 =	sadd.s32 s9, s10;
	s6 =	sadd.s32 s8, s6;
	(pc) =	sbr.rel .LBB2_1-.Ltmp0, $4  }
0xd: {  	s14 =	ssub.s32 s14, s30;
	s8 =	sadd.s32 $0x2E00, s12;
	s10 =	sadd.s32 $0xD200, s12  }
0xe: {  	s13 =	sshrl.u32 s6, $0x3;
	s6 =	sadd.s32 $0x2AC00, s7;
	s12 =	smax.u32 s14, $0x1  }
0xf: {  	s14 =	simm.s32 $0x2;
	s13 =	sadd.s32 s13, s7;
	s7 =	sor.u32 $0x1C02, s31  }
0x10: {  	s11 =	sadd.s32 $0x2B600, s13;
	s13 =	sshrl.u32 s15, $0x3;
	s15 =	simm.s32 $0x4E20  }
.LBB2_8:
0x11: {  	s20 =	sadd.s32 $0x1, s20  }
0x12: {  	p1 =	sne.s32 s20, s12  }
.Ltmp1:
0x13: {  	[bflag:$0x0] =	sbarrier.arrive $0xFFFF;
	(pc) =	sbr.rel @!p1 .LBB2_9-.Ltmp1, $4  }
0x14: {  	[hbm:s11], [sflag:s7] =	dma.local [spmem:s13], $0xA00  }
0x15: {  	_ =	swait.ge [sflag:s14], $0xA00  }
0x16: {  	[sflag:s14] =	ssyncset.done $0x0  }
0x17: {  	[sflag:s14] =	ssyncadd.s32 $0xFFFFF600  }
.LBB2_1:
0x18: {  	[spmem:s13], [sflag:s7] =	dma.local [hbm:s6], $0xA00  }
0x19: {  	_ =	swait.ge [sflag:s14], $0xA00  }
0x1a: {  	[sflag:s14] =	ssyncset.done $0x0  }
0x1b: {  	[sflag:s14] =	ssyncadd.s32 $0xFFFFF600  }
0x1c: {  	[tilespmem:s3], [sflag:$0x2] =	stream.linear.gather [hbm4b:s8+s3], $0x4E20, $0x38;
	[tilespmem:$0x14460] =	vst v63  }
0x1d: {  	_ =	swait.ge [sflag:s14], $0x4E20  }
0x1e: {  	[sflag:s14] =	ssyncset.done $0x0  }
0x1f: {  	[sflag:s14] =	ssyncadd.s32 $0xFFFFB1E0  }
0x20: {  	[tilespmem:s15], [sflag:$0x2] =	stream.linear.gather [hbm4b:s9+s3], $0x4E20, $0x38;
	[tilespmem:$0x14460] =	vst v63  }
0x21: {  	_ =	swait.ge [sflag:s14], $0x4E20  }
0x22: {  	[sflag:s14] =	ssyncset.done $0x0  }
0x23: {  	[sflag:s14] =	ssyncadd.s32 $0xFFFFB1E0  }
0x24: {  	[tilespmem:s16], [sflag:$0x2] =	stream.linear.gather [hbm4b:s10+s3], $0x4E20, $0x38;
	[tilespmem:$0x14460] =	vst v63  }
.Ltmp2:
0x25: {  	_ =	swait.ge [sflag:s14], $0x4E20;
	(pc) =	sbr.rel @!p0 .LBB2_2-.Ltmp2, $4  }
0x26: {  	[sflag:s14] =	ssyncset.done $0x0  }
0x27: {  	[sflag:s14] =	ssyncadd.s32 $0xFFFFB1E0  }
0x28: {  	[bflag:$0x0] =	sbarrier.arrive $0xFFFF  }
0x29: {  	s21 =	simm.s32 $0x0;
	s22 =	simm.s32 $0x0  }
.LBB2_5:
0x2a: {  	v0 =	vmov s22  }
0x2b: {  	v0 =	vmul.u32 $0x50, v0  }
0x2c: {  	s21 =	simm.s32 $0x0  }
0x2d: {  	v1 =	vmov s21;
	s21 =	smul.u32 $0x50, s22;
	v0 =	vbroadcast v0, $0x0  }
0x2e: {  	v2 =	vand.u32 $0x78, v1  }
0x2f: {  	v1 =	vand.u32 $0x7, v1;
	[tilespmem:s18], [sflag:$0x1] =	stream.indirect.gather [hbm4b:s5+s17], $0x20, s21, s17, $0xb8;
	v2 =	vadd.s32 v0, v2;
	[tilespmem:$0x14460] =	vst v63  }
0x30: {  	_ =	swait.ge [sflag:s19], $0xA00;
	v2 =	vor.u32 v1, v2  }
0x31: {  	[sflag:s19] =	ssyncset.done $0x0  }
0x32: {  	s23 =	simm.s32 $0xEA70;
	[sflag:s19] =	ssyncadd.s32 $0xFFFFF600  }
0x33: {  	v1 =	vld [tilespmem:s23+$0xFFFFFFF0]  }
0x34: {  	v3 =	vld [tilespmem:s23+$0x0]  }
0x35: {  	s24 =	simm.s32 $0x1;
	v2 =	vld.idx.msk [tilespmem:v2+s16+$0x0], $0xffff  }
0x36: {  	s25 =	simm.s32 $0x2;
	v4 =	vmov s24;
	s24 =	simm.s32 $0xEA70  }
.LBB2_6:
0x37: {  	p1 =	sne.s32 s25, $0x4F;
	v5 =	vand.u32 $0x78, v4  }
0x38: {  	v4 =	vand.u32 $0x7, v4;
	v5 =	vadd.s32 v0, v5  }
0x39: {  	v4 =	vor.u32 v4, v5  }
0x3a: {  	v1 =	vmul.f32 v1, v2;
	v2 =	vmul.f32 v3, v2;
	_ =	sdelay $0x1  }
.Ltmp3:
0x3b: {  	s24 =	sadd.s32 $0x20, s24;
	[tilespmem:s23+$0xFFFFFFF0] =	vst v1;
	(pc) =	sbr.rel @p1 .LBB2_6-.Ltmp3, $4  }
0x3c: {  	v1 =	vld [tilespmem:s24+$0xFFFFFFF0];
	[tilespmem:s23+$0x0] =	vst v2;
	s23 =	smov.u32 s24  }
0x3d: {  	v2 =	vld.idx.msk [tilespmem:v4+s16+$0x0], $0xffff  }
0x3e: {  	v3 =	vld [tilespmem:s24+$0x0]  }
0x3f: {  	v4 =	vmov s25;
	s25 =	sadd.s32 $0x1, s25  }
0x40: {  	v5 =	vand.u32 $0x78, v4  }
0x41: {  	v62 =	vand.u32 $0x7, v4;
	v0 =	vadd.s32 v0, v5  }
0x42: {  	v0 =	vor.u32 v62, v0  }
0x43: {  	v1 =	vmul.f32 v1, v2  }
0x44: {  	v63 =	vmul.f32 v3, v2  }
0x45: {  	s24 =	sadd.s32 $0x20, s24;
	[tilespmem:s23+$0xFFFFFFF0] =	vst v1  }
0x46: {  	v1 =	vld [tilespmem:s24+$0xFFFFFFF0];
	[tilespmem:s23+$0x0] =	vst v63  }
0x47: {  	v0 =	vld.idx.msk [tilespmem:v0+s16+$0x0], $0xffff  }
0x48: {  	v2 =	vld [tilespmem:s24+$0x0];
	_ =	sdelay $0x3  }
0x49: {  	v1 =	vmul.f32 v1, v0  }
0x4a: {  	v0 =	vmul.f32 v2, v0  }
0x4b: {  	s22 =	sadd.s32 $0x1, s22;
	[tilespmem:s24+$0xFFFFFFF0] =	vst v1  }
0x4c: {  	s21 =	sadd.s32 $0x4E20, s21;
	p1 =	sne.s32 s22, $0xFA;
	[tilespmem:s24+$0x0] =	vst v0  }
0x4d: {  	[spmem:s2] =	stream.indirect.scatter.add.f32 [tilespmem:s18], [sflag:$0x2], $0x20, s21, s17, $0xb8;
	[tilespmem:$0x14460] =	vst v63  }
.Ltmp4:
0x4e: {  	_ = 	snop;
	(pc) =	sbr.rel @p1 .LBB2_5-.Ltmp4, $4  }
.Ltmp5:
0x4f: {  	_ = 	snop;
	(pc) =	sbr.rel @!p1 .LBB2_8-.Ltmp5, $4  }
0x50: {  	_ =	swait.ge [sflag:s14], $0xA00  }
0x51: {  	[sflag:s14] =	ssyncset.done $0x0  }
0x52: {  	[sflag:s14] =	ssyncadd.s32 $0xFFFFF600  }
0x53: {  	_ = 	snop  }
.LBB2_2:
0x54: {  	v0 =	vmov s21  }
0x55: {  	v0 =	vmul.u32 $0x50, v0  }
0x56: {  	s22 =	simm.s32 $0x0  }
0x57: {  	v1 =	vmov s22;
	s22 =	smul.u32 $0x50, s21;
	v0 =	vbroadcast v0, $0x0  }
0x58: {  	v2 =	vand.u32 $0x78, v1  }
0x59: {  	v1 =	vand.u32 $0x7, v1;
	[tilespmem:s18], [sflag:$0x1] =	stream.indirect.gather [hbm4b:s4+s17], $0x20, s22, s17, $0xb8;
	v2 =	vadd.s32 v0, v2;
	[tilespmem:$0x14460] =	vst v63  }
0x5a: {  	_ =	swait.ge [sflag:s19], $0xA00;
	v2 =	vor.u32 v1, v2  }
0x5b: {  	[sflag:s19] =	ssyncset.done $0x0  }
0x5c: {  	s23 =	simm.s32 $0xEA70;
	[sflag:s19] =	ssyncadd.s32 $0xFFFFF600  }
0x5d: {  	v1 =	vld [tilespmem:s23+$0xFFFFFFF0]  }
0x5e: {  	v3 =	vld [tilespmem:s23+$0x0]  }
0x5f: {  	s24 =	simm.s32 $0x1;
	v2 =	vld.idx.msk [tilespmem:v2+s16+$0x0], $0xffff  }
0x60: {  	s25 =	simm.s32 $0x2;
	v4 =	vmov s24;
	s24 =	simm.s32 $0xEA70  }
.LBB2_3:
0x61: {  	p1 =	sne.s32 s25, $0x4F;
	v5 =	vand.u32 $0x78, v4  }
0x62: {  	v4 =	vand.u32 $0x7, v4;
	v5 =	vadd.s32 v0, v5  }
0x63: {  	v4 =	vor.u32 v4, v5  }
0x64: {  	v1 =	vmul.f32 v1, v2;
	v2 =	vmul.f32 v3, v2;
	_ =	sdelay $0x1  }
.Ltmp6:
0x65: {  	s24 =	sadd.s32 $0x20, s24;
	[tilespmem:s23+$0xFFFFFFF0] =	vst v1;
	(pc) =	sbr.rel @p1 .LBB2_3-.Ltmp6, $4  }
0x66: {  	v1 =	vld [tilespmem:s24+$0xFFFFFFF0];
	[tilespmem:s23+$0x0] =	vst v2;
	s23 =	smov.u32 s24  }
0x67: {  	v2 =	vld.idx.msk [tilespmem:v4+s16+$0x0], $0xffff  }
0x68: {  	v3 =	vld [tilespmem:s24+$0x0]  }
0x69: {  	v4 =	vmov s25;
	s25 =	sadd.s32 $0x1, s25  }
0x6a: {  	v5 =	vand.u32 $0x78, v4  }
0x6b: {  	v62 =	vand.u32 $0x7, v4;
	v0 =	vadd.s32 v0, v5  }
0x6c: {  	v0 =	vor.u32 v62, v0  }
0x6d: {  	v1 =	vmul.f32 v1, v2  }
0x6e: {  	v63 =	vmul.f32 v3, v2  }
0x6f: {  	s24 =	sadd.s32 $0x20, s24;
	[tilespmem:s23+$0xFFFFFFF0] =	vst v1  }
0x70: {  	v1 =	vld [tilespmem:s24+$0xFFFFFFF0];
	[tilespmem:s23+$0x0] =	vst v63  }
0x71: {  	v0 =	vld.idx.msk [tilespmem:v0+s16+$0x0], $0xffff  }
0x72: {  	v2 =	vld [tilespmem:s24+$0x0];
	_ =	sdelay $0x3  }
0x73: {  	v1 =	vmul.f32 v1, v0  }
0x74: {  	v0 =	vmul.f32 v2, v0  }
0x75: {  	s21 =	sadd.s32 $0x1, s21;
	[tilespmem:s24+$0xFFFFFFF0] =	vst v1  }
0x76: {  	s22 =	sadd.s32 $0x4E20, s22;
	p1 =	seq.s32 s21, $0xFA;
	[tilespmem:s24+$0x0] =	vst v0  }
0x77: {  	[spmem:s2] =	stream.indirect.scatter.add.f32 [tilespmem:s18], [sflag:$0x2], $0x20, s22, s17, $0xb8;
	[tilespmem:$0x14460] =	vst v63  }
.Ltmp7:
0x78: {  	_ = 	snop;
	(pc) =	sbr.rel @!p1 .LBB2_2-.Ltmp7, $4  }
.Ltmp8:
0x79: {  	_ = 	snop;
	(pc) =	sbr.rel @p1 .LBB2_8-.Ltmp8, $4  }
0x7a: {  	_ =	swait.ge [sflag:s14], $0xA00  }
0x7b: {  	[sflag:s14] =	ssyncset.done $0x0  }
0x7c: {  	[sflag:s14] =	ssyncadd.s32 $0xFFFFF600  }
0x7d: {  	_ = 	snop  }
.LBB2_9:
0x7e: {  	_ =	sfence.sel $0x180000  }
0x7f: {  	[bflag:$0x0] =	sbarrier.arrive $0xFFFF  }
0x80: {  	p0 =	sne.s32 s1, $0x0;
	_ =	strace $0x90000053  }
0x81: {  	s0 =	sadd.s32 @!p0 $0x100000, s0;
	[bflag:$0x2] =	sbarrier.arrive $0xFFFF  }
0x82: {  	[sflag:s0] =	ssyncadd.tile.s32 @!p0 $0x1;
	_ =	shalt  }
.Lfunc_end2:
_tile_overlayer_lowered:
.L_overlay_start_2:
0x83: {  	(tag) =	ssettag $0x2  }
0x84: {  	s0 =	rddreg [dreg:$0x0];
	s2 =	stileid.u32  }
0x85: {  	s1 =	rddreg [dreg:$0x1];
	p0 =	sne.s32 s2, $0x0  }
0x86: {  	s3 =	rddreg [dreg:$0x2];
	[bflag:$0x3] =	sbarrier.arrive $0xFFFF;
	s2 =	simm.s32 @!p0 $0x1C02  }
0x87: {  	[timem:s3], [sflag:s2] =	dma.local @!p0 [hbm:s0], s1  }
0x88: {  	s0 =	simm.s32 @!p0 $0x2  }
0x89: {  	_ =	swait.ge @!p0 [sflag:s0], s1  }
0x8a: {  	s1 =	ssub.s32 @!p0 $0x0, s1;
	[sflag:s0] =	ssyncset.done @!p0 $0x0  }
0x8b: {  	[sflag:s0] =	ssyncadd.s32 @!p0 s1  }
0x8c: {  	[bflag:$0x3] =	sbarrier.arrive $0xFFFF  }
0x8d: {  	_ =	shalt  }

</sc_bundles>
